<compile_context>
chip_gen: v7x
topology: tpu7x:2x2x1
jax: 0.10.2.dev20260603
libtpu: 0.0.44.dev20260713+nightly
codegen_flags: <defaults>
</compile_context>

<pallas_src>
import functools

import jax
import jax.numpy as jnp
from jax import lax
from jax.experimental import pallas as pl
from jax.experimental.pallas import tpu as pltpu
from jax.experimental.pallas import tpu_sc as plsc

KNN = 8
M_CH = 32
F2 = 20
EPS = 1e-5
SLOPE = 0.2
XP = 16

QBL = 512
SCH = 512
QB3 = 512
R3 = QB3 * KNN

INF = float("inf")
IMAX = 2**31 - 1


def _argmin_tree(d, i):
    n = d.shape[0]
    while n > 1:
        h = n // 2
        cmp = d[:h] <= d[h:]
        d = jnp.minimum(d[:h], d[h:])
        i = jnp.where(cmp, i[:h], i[h:])
        n = h
    return d, i


def _topk_fold(d, i, k):
    h = d.shape[0] // 2
    cmp = d[:h] <= d[h:]
    ad = jnp.minimum(d[:h], d[h:])
    ai = jnp.where(cmp, i[:h], i[h:])
    ld = jnp.maximum(d[:h], d[h:])
    li = jnp.where(cmp, i[h:], i[:h])
    vs, ids = [], []
    for j in range(k):
        v, im = _argmin_tree(ad, ai)
        vs.append(v)
        ids.append(im)
        if j < k - 1:
            hit = ai == im
            ad = jnp.where(hit, ld, ad)
            ai = jnp.where(hit, li, ai)
            ld = jnp.where(hit, INF, ld)
    return jnp.concatenate(vs, axis=0), jnp.concatenate(ids, axis=0)


def _knn_body(q_ref, s_ref, o_ref, od_ref, bd_ref, bi_ref):
    c = pl.program_id(1)
    n_c = pl.num_programs(1)

    @pl.when(c == 0)
    def _():
        bd_ref[...] = jnp.full((KNN, QBL), INF, jnp.float32)
        bi_ref[...] = jnp.full((KNN, QBL), IMAX, jnp.int32)

    q = q_ref[...]
    s = s_ref[...]
    dx = s[:, 0:1] - q[0:1, :]
    dy = s[:, 1:2] - q[1:2, :]
    dz = s[:, 2:3] - q[2:3, :]
    d2 = (dx * dx + dy * dy) + dz * dz
    ii = lax.broadcasted_iota(jnp.int32, (SCH, QBL), 0)

    h = SCH // 2
    cd0, ci0 = _topk_fold(d2[:h], ii[:h], KNN)
    cd1, ci1 = _topk_fold(d2[h:], ii[h:], KNN)
    base = c * SCH
    comb_d = jnp.concatenate(
        [bd_ref[...], cd0, cd1, jnp.full((KNN, QBL), INF, jnp.float32)],
        axis=0)
    comb_i = jnp.concatenate(
        [bi_ref[...], ci0 + base, ci1 + base,
         jnp.full((KNN, QBL), IMAX, jnp.int32)], axis=0)
    nd, ni = _topk_fold(comb_d, comb_i, KNN)
    bd_ref[...] = nd
    bi_ref[...] = ni

    @pl.when(c == n_c - 1)
    def _():
        bi = bi_ref[...]
        zero = bi == 0
        first = jnp.broadcast_to(bi[0:1, :], (KNN, QBL))
        o_ref[...] = jnp.where(zero, first, bi)
        dd = jnp.sqrt(bd_ref[...])
        dfirst = jnp.broadcast_to(dd[0:1, :], (KNN, QBL))
        od_ref[...] = jnp.where(zero, dfirst, dd)


def _knn_topk(xyz2_t, xyz1, interpret=False):
    n_q = xyz2_t.shape[1]
    n_s = xyz1.shape[0]
    grid = (n_q // QBL, n_s // SCH)
    return pl.pallas_call(
        _knn_body,
        grid=grid,
        in_specs=[
            pl.BlockSpec((3, QBL), lambda i, c: (0, i)),
            pl.BlockSpec((SCH, 3), lambda i, c: (c, 0)),
        ],
        out_specs=[
            pl.BlockSpec((KNN, QBL), lambda i, c: (0, i)),
            pl.BlockSpec((KNN, QBL), lambda i, c: (0, i)),
        ],
        out_shape=[
            jax.ShapeDtypeStruct((KNN, n_q), jnp.int32),
            jax.ShapeDtypeStruct((KNN, n_q), jnp.float32),
        ],
        scratch_shapes=[
            pltpu.VMEM((KNN, QBL), jnp.float32),
            pltpu.VMEM((KNN, QBL), jnp.int32),
        ],
        compiler_params=pltpu.CompilerParams(
            dimension_semantics=("arbitrary", "arbitrary"),
        ),
        interpret=interpret,
    )(xyz2_t, xyz1)


def _sc_gather(xyzp, feats, idx):
    info = plsc.get_sparse_core_info()
    nw = info.num_cores * info.num_subcores
    b = idx.shape[0]
    xp = xyzp.shape[1]
    b_per_w = b // nw
    ch = 1024
    n_ch = b_per_w // ch
    mesh = plsc.VectorSubcoreMesh(core_axis_name="c", subcore_axis_name="s")

    @functools.partial(
        pl.kernel,
        mesh=mesh,
        out_type=[
            jax.ShapeDtypeStruct((b, xp), jnp.float32),
            jax.ShapeDtypeStruct((b, M_CH), jnp.float32),
        ],
        scratch_types=[
            pltpu.VMEM((ch,), jnp.int32),
            pltpu.VMEM((ch, xp), jnp.float32),
            pltpu.VMEM((ch, M_CH), jnp.float32),
            pltpu.SemaphoreType.DMA,
        ],
        compiler_params=pltpu.CompilerParams(use_tc_tiling_on_sc=False),
    )
    def k(xyz_hbm, feat_hbm, idx_hbm, ox_hbm, of_hbm, idx_v, rx_v, rf_v, sem):
        wid = lax.axis_index("s") * info.num_cores + lax.axis_index("c")
        base = wid * b_per_w

        def body(j, carry):
            off = base + j * ch
            pltpu.sync_copy(idx_hbm.at[pl.ds(off, ch)], idx_v)
            cx = pltpu.async_copy(xyz_hbm.at[idx_v], rx_v, sem)
            cf = pltpu.async_copy(feat_hbm.at[idx_v], rf_v, sem)
            cx.wait()
            cf.wait()
            pltpu.sync_copy(rx_v, ox_hbm.at[pl.ds(off, ch)])
            pltpu.sync_copy(rf_v, of_hbm.at[pl.ds(off, ch)])
            return carry

        lax.fori_loop(0, n_ch, body, 0)

    return k(xyzp, feats, idx)


def _gw_body(g_ref, cent_ref, d_ref, w0_ref, w3_ref, w6_ref, w9_ref, br_ref,
             gw_ref, st_ref):
    i = pl.program_id(0)
    gx = g_ref[...][:, 0:3]
    c = cent_ref[...]
    off = gx - c
    gw = jnp.dot(off, w0_ref[...], preferred_element_type=jnp.float32)
    gw = gw + jnp.dot(c, w3_ref[...], preferred_element_type=jnp.float32)
    gw = gw + jnp.dot(gx, w6_ref[...], preferred_element_type=jnp.float32)
    gw = gw + d_ref[...] * w9_ref[...]
    gw = gw + br_ref[...]
    gw_ref[...] = gw

    @pl.when(i == 0)
    def _():
        st_ref[...] = jnp.zeros_like(st_ref)

    s1 = jnp.sum(gw, axis=0, keepdims=True)
    s2 = jnp.sum(gw * gw, axis=0, keepdims=True)
    st_ref[...] += jnp.concatenate([s1, s2], axis=0)


def _gw_pass(gxyz, xyz2, dcol, w0, w3, w6, w9_row, br_row, interpret=False):
    n_rows = gxyz.shape[0]
    xp = gxyz.shape[1]
    nb = xyz2.shape[0] // R3
    grid = (n_rows // R3,)
    return pl.pallas_call(
        _gw_body,
        grid=grid,
        in_specs=[
            pl.BlockSpec((R3, xp), lambda i: (i, 0)),
            pl.BlockSpec((R3, 3), lambda i: (i % nb, 0)),
            pl.BlockSpec((R3, 1), lambda i: (i, 0)),
            pl.BlockSpec((3, M_CH), lambda i: (0, 0)),
            pl.BlockSpec((3, M_CH), lambda i: (0, 0)),
            pl.BlockSpec((3, M_CH), lambda i: (0, 0)),
            pl.BlockSpec((1, M_CH), lambda i: (0, 0)),
            pl.BlockSpec((1, M_CH), lambda i: (0, 0)),
        ],
        out_specs=[
            pl.BlockSpec((R3, M_CH), lambda i: (i, 0)),
            pl.BlockSpec((2, M_CH), lambda i: (0, 0)),
        ],
        out_shape=[
            jax.ShapeDtypeStruct((n_rows, M_CH), jnp.float32),
            jax.ShapeDtypeStruct((2, M_CH), jnp.float32),
        ],
        compiler_params=pltpu.CompilerParams(
            dimension_semantics=("arbitrary",),
        ),
        interpret=interpret,
    )(gxyz, xyz2, dcol, w0, w3, w6, w9_row, br_row)


def _fuse_body(g_ref, gw_ref, a_ref, b_ref, f2_ref, wft_ref, bf_ref, o_ref,
               st_ref, acc_ref):
    nb_i = pl.program_id(0)
    k = pl.program_id(1)
    w = gw_ref[...] * a_ref[...] + b_ref[...]
    w = jnp.where(w >= 0, w, SLOPE * w)
    weighted = g_ref[...] * w

    @pl.when(k == 0)
    def _():
        acc_ref[...] = jnp.zeros_like(acc_ref)

    acc_ref[...] += weighted

    @pl.when(k == KNN - 1)
    def _():
        upd = acc_ref[...] * (1.0 / KNN)
        fused = jnp.concatenate([upd, f2_ref[...]], axis=1)
        out = jnp.dot(fused, wft_ref[...], preferred_element_type=jnp.float32)
        out = out + bf_ref[...]
        o_ref[...] = out

        @pl.when(nb_i == 0)
        def _():
            st_ref[...] = jnp.zeros_like(st_ref)

        s1 = jnp.sum(out, axis=0, keepdims=True)
        s2 = jnp.sum(out * out, axis=0, keepdims=True)
        st_ref[...] += jnp.concatenate([s1, s2], axis=0)


def _fuse_pass(gfeat, gw, a_row, b_row, features2, wft, bf_row, interpret=False):
    n_q = features2.shape[0]
    nb = n_q // R3
    grid = (nb, KNN)
    return pl.pallas_call(
        _fuse_body,
        grid=grid,
        in_specs=[
            pl.BlockSpec((R3, M_CH), lambda i, k: (k * nb + i, 0)),
            pl.BlockSpec((R3, M_CH), lambda i, k: (k * nb + i, 0)),
            pl.BlockSpec((1, M_CH), lambda i, k: (0, 0)),
            pl.BlockSpec((1, M_CH), lambda i, k: (0, 0)),
            pl.BlockSpec((R3, F2), lambda i, k: (i, 0)),
            pl.BlockSpec((M_CH + F2, F2), lambda i, k: (0, 0)),
            pl.BlockSpec((1, F2), lambda i, k: (0, 0)),
        ],
        out_specs=[
            pl.BlockSpec((R3, F2), lambda i, k: (i, 0)),
            pl.BlockSpec((2, F2), lambda i, k: (0, 0)),
        ],
        out_shape=[
            jax.ShapeDtypeStruct((n_q, F2), jnp.float32),
            jax.ShapeDtypeStruct((2, F2), jnp.float32),
        ],
        scratch_shapes=[
            pltpu.VMEM((R3, M_CH), jnp.float32),
        ],
        compiler_params=pltpu.CompilerParams(
            dimension_semantics=("arbitrary", "arbitrary"),
        ),
        interpret=interpret,
    )(gfeat, gw, a_row, b_row, features2, wft, bf_row)


def _bn2_body(x_ref, a_ref, b_ref, o_ref):
    y = x_ref[...] * a_ref[...] + b_ref[...]
    o_ref[...] = jnp.where(y >= 0, y, SLOPE * y)


def _bn2_pass(x, a_row, b_row, interpret=False):
    n_q = x.shape[0]
    blk = min(2048, n_q)
    grid = (n_q // blk,)
    return pl.pallas_call(
        _bn2_body,
        grid=grid,
        in_specs=[
            pl.BlockSpec((blk, F2), lambda i: (i, 0)),
            pl.BlockSpec((1, F2), lambda i: (0, 0)),
            pl.BlockSpec((1, F2), lambda i: (0, 0)),
        ],
        out_specs=pl.BlockSpec((blk, F2), lambda i: (i, 0)),
        out_shape=jax.ShapeDtypeStruct((n_q, F2), jnp.float32),
        interpret=interpret,
    )(x, a_row, b_row)


def kernel(xyz1, features1, xyz2, features2, Wr, br, gr, betar, Wf, bf, gf, betaf):
    n_s = xyz1.shape[0]
    n_q = xyz2.shape[0]

    ind8, dist8 = _knn_topk(xyz2.T, xyz1)
    idx_flat = ind8.reshape(-1)
    dcol = dist8.reshape(-1, 1)

    xyzp = jnp.concatenate([xyz1, jnp.zeros((n_s, 13), jnp.float32)], axis=1)
    gxyz, gfeat = _sc_gather(xyzp, features1, idx_flat)

    wrt = Wr.T
    gw, st1 = _gw_pass(gxyz, xyz2, dcol, wrt[0:3], wrt[3:6], wrt[6:9],
                       wrt[9:10], br.reshape(1, -1))

    n1 = jnp.float32(n_q * KNN)
    mu1 = st1[0] / n1
    var1 = st1[1] / n1 - mu1 * mu1
    a1 = gr / jnp.sqrt(var1 + EPS)
    b1 = betar - mu1 * a1

    out1, st2 = _fuse_pass(
        gfeat, gw, a1.reshape(1, -1), b1.reshape(1, -1), features2, Wf.T,
        bf.reshape(1, -1))

    n2 = jnp.float32(n_q)
    mu2 = st2[0] / n2
    var2 = st2[1] / n2 - mu2 * mu2
    a2 = gf / jnp.sqrt(var2 + EPS)
    b2 = betaf - mu2 * a2

    return _bn2_pass(out1, a2.reshape(1, -1), b2.reshape(1, -1))

# --- scband reference (transcript-rebuilt; emitter-appended) ---
"""Pipeline reference for scband-interaction-module-49031346651674 (READ-ONLY COPY).

The authoritative reference and input builder live on the scoring server;
editing this copy changes nothing except your own understanding.
"""

import jax, jax.numpy as jnp
import numpy as np

M = 32
K = 8
FEAT2_DIM = 20
EPS = 1e-5

def leaky_relu(x, slope=0.2):
    return jnp.where(x >= 0, x, slope * x)

def batchnorm(x, gamma, beta, axis):
    # x: (..., C); normalize over all axes except channel axis (last)
    mean = jnp.mean(x, axis=axis, keepdims=True)
    var = jnp.var(x, axis=axis, keepdims=True)
    return (x - mean) / jnp.sqrt(var + EPS) * gamma + beta

def knn_indices(query, support, k, chunk=2048):
    # brute-force kNN: for each query point, indices of k nearest support points
    idxs = []
    for i in range(0, query.shape[0], chunk):
        q = query[i:i + chunk]
        d2 = jnp.sum((q[:, None, :] - support[None, :, :]) ** 2, axis=-1)
        _, idx = jax.lax.top_k(-d2, k)
        idxs.append(idx)
    return jnp.concatenate(idxs, axis=0)

def index_feat(feature, index):
    # replicate VoxelPooling.index_feat: replace 0-padded slots with group-first index
    N, Kk = index.shape
    group_first = jnp.repeat(index[:, 0:1], Kk, axis=1)
    mask = index == 0
    index = jnp.where(mask, group_first, index)
    sel = feature[index.reshape(-1)]
    return sel.reshape(N, Kk, -1), mask

def relation_position(group_xyz, center_xyz):
    Kk = group_xyz.shape[1]
    tile_center = jnp.repeat(center_xyz[:, None, :], Kk, axis=1)
    offset = group_xyz - tile_center
    dist = jnp.linalg.norm(offset, axis=-1, keepdims=True)
    return jnp.concatenate([offset, tile_center, group_xyz, dist], axis=-1)

def setup_inputs(seed: int = 0) -> dict:
    key = jax.random.key(seed)
    k1, k2, k3, k4, k5, k6, k7 = jax.random.split(key, 7)
    xyz1 = jax.random.normal(k1, (16384, 3), dtype=jnp.float32) * 20.0
    features1 = jax.random.normal(k2, (16384, M), dtype=jnp.float32)
    xyz2 = jax.random.normal(k3, (16384, 3), dtype=jnp.float32) * 20.0
    features2 = jax.random.normal(k4, (16384, FEAT2_DIM), dtype=jnp.float32)
    # relation_w: Conv1d(10 -> M, kernel 1) + BN + LeakyReLU(0.2)
    Wr = jax.random.normal(k5, (M, 10), dtype=jnp.float32) * (1.0 / np.sqrt(10))
    br = jnp.zeros((M,), dtype=jnp.float32)
    gr = jnp.ones((M,), dtype=jnp.float32)
    betar = jnp.zeros((M,), dtype=jnp.float32)
    # fuse_mlps: FC(M+20 -> 20) + BN + LeakyReLU(0.2)
    Wf = jax.random.normal(k6, (FEAT2_DIM, M + FEAT2_DIM), dtype=jnp.float32) * (1.0 / np.sqrt(M + FEAT2_DIM))
    bf = jnp.zeros((FEAT2_DIM,), dtype=jnp.float32)
    gf = jnp.ones((FEAT2_DIM,), dtype=jnp.float32)
    betaf = jnp.zeros((FEAT2_DIM,), dtype=jnp.float32)
    return {"xyz1": xyz1, "features1": features1, "xyz2": xyz2, "features2": features2,
            "Wr": Wr, "br": br, "gr": gr, "betar": betar,
            "Wf": Wf, "bf": bf, "gf": gf, "betaf": betaf}

def reference(xyz1, features1, xyz2, features2, Wr, br, gr, betar, Wf, bf, gf, betaf):
    # kNN retrieval from coarse queries (xyz2) into fine supports (xyz1)
    ind = knn_indices(xyz2, xyz1, K)
    group, _ = index_feat(jnp.concatenate([xyz1, features1], axis=1), ind)
    group_xyz, group_features = group[:, :, :3], group[:, :, 3:]
    relation = relation_position(group_xyz, xyz2)  # [N2, K, 10]
    # pointwise conv1d over channel dim + BN + LeakyReLU
    gw = jnp.einsum('nkc,mc->nkm', relation, Wr) + br
    gw = batchnorm(gw, gr, betar, axis=(0, 1))
    group_w = leaky_relu(gw)
    weighted = group_features * group_w  # [N2, K, M]
    updated = jnp.mean(weighted, axis=1)  # [N2, M]
    fused_in = jnp.concatenate([updated, features2], axis=1)  # [N2, M+20]
    out = fused_in @ Wf.T + bf
    out = batchnorm(out, gf, betaf, axis=(0,))
    out = leaky_relu(out)
    return out

if __name__ == "__main__":
    import jax
    _d = setup_inputs()
    print(jax.jit(kernel)(*tuple(_d.values())))

</pallas_src>

<mosaic_0001>
#map = affine_map<(d0, d1) -> (0, 0)>
#map1 = affine_map<(d0, d1) -> (0)>
module attributes {stable_mosaic.version = 14 : i64} {
  func.func @k(%arg0: i32, %arg1: i32, %arg2: memref<16384x16xf32, #tpu.memory_space<hbm>>, %arg3: memref<16384x32xf32, #tpu.memory_space<hbm>>, %arg4: memref<131072xi32, #tpu.memory_space<hbm>>, %arg5: memref<131072x16xf32, #tpu.memory_space<hbm>>, %arg6: memref<131072x32xf32, #tpu.memory_space<hbm>>, %arg7: memref<1024xi32, #tpu.memory_space<vmem>>, %arg8: memref<1024x16xf32, #tpu.memory_space<vmem>>, %arg9: memref<1024x32xf32, #tpu.memory_space<vmem>>, %arg10: memref<!tpu.dma_semaphore, #tpu.memory_space<semaphore_mem>>) attributes {dimension_semantics = [#tpu.dimension_semantics<core_parallel>, #tpu.dimension_semantics<subcore_parallel>], iteration_bounds = array<i64: 2, 16>, scalar_prefetch = 0 : i64, scratch_operands = 4 : i64, tpu.core_type = #tpu.core_type<sc_vector_subcore>, window_params = [{transform_indices = #map}, {transform_indices = #map}, {transform_indices = #map1}, {transform_indices = #map}, {transform_indices = #map}]} {
    %mul3A = arith.constant 2 : i32
    %mul3A_0 = arith.muli %arg1, %mul3A : i32
    %add3A = arith.addi %mul3A_0, %arg0 : i32
    %mul3A_1 = arith.constant 4096 : i32
    %mul3A_2 = arith.muli %add3A, %mul3A_1 : i32
    %scan3A = arith.constant 0 : i32
    %scan3A_3 = arith.constant 0 : i32
    %scan3A_4 = arith.constant 4 : i32
    %scan3A_5 = arith.addi %scan3A_3, %scan3A_4 : i32
    %scan3A_6 = arith.constant 1 : i32
    scf.for %scan3A_8 = %scan3A_3 to %scan3A_5 step %scan3A_6  : i32 {
      %mul3A_9 = arith.constant 1024 : i32
      %mul3A_10 = arith.muli %scan3A_8, %mul3A_9 : i32
      %add3A_11 = arith.addi %mul3A_2, %mul3A_10 : i32
      "tpu.region"() ({
        %run_scoped3A = tpu.sem_alloc : memref<!tpu.dma_semaphore, #tpu.memory_space<semaphore_mem>>
        %dma_start3A_22 = tpu.memref_slice %arg4[%add3A_11] : memref<131072xi32, #tpu.memory_space<hbm>> -> memref<1024xi32, #tpu.memory_space<hbm>>
        %dma_start3A_23 = tpu.memref_slice %arg4[%add3A_11] : memref<131072xi32, #tpu.memory_space<hbm>> -> memref<1024xi32, #tpu.memory_space<hbm>>
        tpu.enqueue_dma source(%dma_start3A_23 : memref<1024xi32, #tpu.memory_space<hbm>>) target(%arg7 : memref<1024xi32, #tpu.memory_space<vmem>>) target_semaphore(%run_scoped3A : memref<!tpu.dma_semaphore, #tpu.memory_space<semaphore_mem>>)
        %dma_wait3A_24 = tpu.memref_slice %arg4[%add3A_11] : memref<131072xi32, #tpu.memory_space<hbm>> -> memref<1024xi32, #tpu.memory_space<hbm>>
        %dma_wait3A_25 = tpu.memref_slice %arg4[%add3A_11] : memref<131072xi32, #tpu.memory_space<hbm>> -> memref<1024xi32, #tpu.memory_space<hbm>>
        tpu.wait_dma2 semaphore(%run_scoped3A : memref<!tpu.dma_semaphore, #tpu.memory_space<semaphore_mem>>) src(%dma_wait3A_25 : memref<1024xi32, #tpu.memory_space<hbm>>) dst(%arg7 : memref<1024xi32, #tpu.memory_space<vmem>>)
        tpu.yield
      }) : () -> ()
      %dma_start3A = arith.constant 0 : i32
      %dma_start3A_12 = arith.constant 0 : i32
      %dma_start3A_13 = tpu.memref_slice %arg2[%dma_start3A, %dma_start3A_12] : memref<16384x16xf32, #tpu.memory_space<hbm>> -> memref<16384x16xf32, #tpu.memory_space<hbm>>
      tpu.enqueue_indirect_dma source(%dma_start3A_13 : memref<16384x16xf32, #tpu.memory_space<hbm>>) target(%arg8 : memref<1024x16xf32, #tpu.memory_space<vmem>>) offsets(%arg7 : memref<1024xi32, #tpu.memory_space<vmem>>) semaphore(%arg10 : memref<!tpu.dma_semaphore, #tpu.memory_space<semaphore_mem>>)
      %dma_start3A_14 = arith.constant 0 : i32
      %dma_start3A_15 = arith.constant 0 : i32
      %dma_start3A_16 = tpu.memref_slice %arg3[%dma_start3A_14, %dma_start3A_15] : memref<16384x32xf32, #tpu.memory_space<hbm>> -> memref<16384x32xf32, #tpu.memory_space<hbm>>
      tpu.enqueue_indirect_dma source(%dma_start3A_16 : memref<16384x32xf32, #tpu.memory_space<hbm>>) target(%arg9 : memref<1024x32xf32, #tpu.memory_space<vmem>>) offsets(%arg7 : memref<1024xi32, #tpu.memory_space<vmem>>) semaphore(%arg10 : memref<!tpu.dma_semaphore, #tpu.memory_space<semaphore_mem>>)
      %dma_wait3A = arith.constant 0 : i32
      %dma_wait3A_17 = arith.constant 0 : i32
      %dma_wait3A_18 = tpu.memref_slice %arg2[%dma_wait3A, %dma_wait3A_17] : memref<16384x16xf32, #tpu.memory_space<hbm>> -> memref<16384x16xf32, #tpu.memory_space<hbm>>
      tpu.wait_indirect_dma semaphore(%arg10 : memref<!tpu.dma_semaphore, #tpu.memory_space<semaphore_mem>>) src(%dma_wait3A_18 : memref<16384x16xf32, #tpu.memory_space<hbm>>) dst(%arg8 : memref<1024x16xf32, #tpu.memory_space<vmem>>)
      %dma_wait3A_19 = arith.constant 0 : i32
      %dma_wait3A_20 = arith.constant 0 : i32
      %dma_wait3A_21 = tpu.memref_slice %arg3[%dma_wait3A_19, %dma_wait3A_20] : memref<16384x32xf32, #tpu.memory_space<hbm>> -> memref<16384x32xf32, #tpu.memory_space<hbm>>
      tpu.wait_indirect_dma semaphore(%arg10 : memref<!tpu.dma_semaphore, #tpu.memory_space<semaphore_mem>>) src(%dma_wait3A_21 : memref<16384x32xf32, #tpu.memory_space<hbm>>) dst(%arg9 : memref<1024x32xf32, #tpu.memory_space<vmem>>)
      "tpu.region"() ({
        %run_scoped3A = tpu.sem_alloc : memref<!tpu.dma_semaphore, #tpu.memory_space<semaphore_mem>>
        %dma_start3A_22 = arith.constant 0 : i32
        %dma_start3A_23 = tpu.memref_slice %arg5[%add3A_11, %dma_start3A_22] : memref<131072x16xf32, #tpu.memory_space<hbm>> -> memref<1024x16xf32, #tpu.memory_space<hbm>>
        %dma_start3A_24 = arith.constant 0 : i32
        %dma_start3A_25 = tpu.memref_slice %arg5[%add3A_11, %dma_start3A_24] : memref<131072x16xf32, #tpu.memory_space<hbm>> -> memref<1024x16xf32, #tpu.memory_space<hbm>>
        tpu.enqueue_dma source(%arg8 : memref<1024x16xf32, #tpu.memory_space<vmem>>) target(%dma_start3A_25 : memref<1024x16xf32, #tpu.memory_space<hbm>>) target_semaphore(%run_scoped3A : memref<!tpu.dma_semaphore, #tpu.memory_space<semaphore_mem>>)
        %dma_wait3A_26 = arith.constant 0 : i32
        %dma_wait3A_27 = tpu.memref_slice %arg5[%add3A_11, %dma_wait3A_26] : memref<131072x16xf32, #tpu.memory_space<hbm>> -> memref<1024x16xf32, #tpu.memory_space<hbm>>
        %dma_wait3A_28 = arith.constant 0 : i32
        %dma_wait3A_29 = tpu.memref_slice %arg5[%add3A_11, %dma_wait3A_28] : memref<131072x16xf32, #tpu.memory_space<hbm>> -> memref<1024x16xf32, #tpu.memory_space<hbm>>
        tpu.wait_dma2 semaphore(%run_scoped3A : memref<!tpu.dma_semaphore, #tpu.memory_space<semaphore_mem>>) src(%arg8 : memref<1024x16xf32, #tpu.memory_space<vmem>>) dst(%dma_wait3A_29 : memref<1024x16xf32, #tpu.memory_space<hbm>>)
        tpu.yield
      }) : () -> ()
      "tpu.region"() ({
        %run_scoped3A = tpu.sem_alloc : memref<!tpu.dma_semaphore, #tpu.memory_space<semaphore_mem>>
        %dma_start3A_22 = arith.constant 0 : i32
        %dma_start3A_23 = tpu.memref_slice %arg6[%add3A_11, %dma_start3A_22] : memref<131072x32xf32, #tpu.memory_space<hbm>> -> memref<1024x32xf32, #tpu.memory_space<hbm>>
        %dma_start3A_24 = arith.constant 0 : i32
        %dma_start3A_25 = tpu.memref_slice %arg6[%add3A_11, %dma_start3A_24] : memref<131072x32xf32, #tpu.memory_space<hbm>> -> memref<1024x32xf32, #tpu.memory_space<hbm>>
        tpu.enqueue_dma source(%arg9 : memref<1024x32xf32, #tpu.memory_space<vmem>>) target(%dma_start3A_25 : memref<1024x32xf32, #tpu.memory_space<hbm>>) target_semaphore(%run_scoped3A : memref<!tpu.dma_semaphore, #tpu.memory_space<semaphore_mem>>)
        %dma_wait3A_26 = arith.constant 0 : i32
        %dma_wait3A_27 = tpu.memref_slice %arg6[%add3A_11, %dma_wait3A_26] : memref<131072x32xf32, #tpu.memory_space<hbm>> -> memref<1024x32xf32, #tpu.memory_space<hbm>>
        %dma_wait3A_28 = arith.constant 0 : i32
        %dma_wait3A_29 = tpu.memref_slice %arg6[%add3A_11, %dma_wait3A_28] : memref<131072x32xf32, #tpu.memory_space<hbm>> -> memref<1024x32xf32, #tpu.memory_space<hbm>>
        tpu.wait_dma2 semaphore(%run_scoped3A : memref<!tpu.dma_semaphore, #tpu.memory_space<semaphore_mem>>) src(%arg9 : memref<1024x32xf32, #tpu.memory_space<vmem>>) dst(%dma_wait3A_29 : memref<1024x32xf32, #tpu.memory_space<hbm>>)
        tpu.yield
      }) : () -> ()
    }
    %scan3A_7 = arith.constant 4 : i32
    return
  }
}

module attributes {stable_mosaic.version = 14 : i64} {
  func.func @_knn_body(%arg0: i32, %arg1: i32, %arg2: memref<3x512xf32, #tpu.memory_space<vmem>>, %arg3: memref<512x3xf32, #tpu.memory_space<vmem>>, %arg4: memref<8x512xi32, #tpu.memory_space<vmem>>, %arg5: memref<8x512xf32, #tpu.memory_space<vmem>>, %arg6: memref<8x512xf32, #tpu.memory_space<vmem>>, %arg7: memref<8x512xi32, #tpu.memory_space<vmem>>) attributes {dimension_semantics = [#tpu.dimension_semantics<arbitrary>, #tpu.dimension_semantics<arbitrary>], iteration_bounds = array<i64: 32, 32>, scalar_prefetch = 0 : i64, scratch_operands = 2 : i64, tpu.core_type = #tpu.core_type<tc>, window_params = [{transform_indices = @transform_0, window_bounds = array<i64: 3, 512>}, {transform_indices = @transform_1, window_bounds = array<i64: 512, 3>}, {transform_indices = @transform_2, window_bounds = array<i64: 8, 512>}, {transform_indices = @transform_3, window_bounds = array<i64: 8, 512>}]} {
    %eq3A = arith.constant 0 : i32
    %eq3A_0 = arith.cmpi eq, %arg1, %eq3A : i32
    %convert_element_type3A = arith.extui %eq3A_0 : i1 to i32
    %cond3A = arith.constant 0 : i32
    %cond3A_1 = arith.cmpi ne, %convert_element_type3A, %cond3A : i32
    scf.if %cond3A_1 {
      %broadcast_in_dim3A_1533 = arith.constant 0x7F800000 : f32
      %broadcast_in_dim3A_1534 = vector.broadcast %broadcast_in_dim3A_1533 : f32 to vector<8x512xf32>
      %swap3A_1535 = arith.constant 0 : index
      %swap3A_1536 = arith.constant 0 : index
      %swap3A_1537 = vector.load %arg6[%swap3A_1535, %swap3A_1536] : memref<8x512xf32, #tpu.memory_space<vmem>>, vector<8x512xf32>
      tpu.vector_store %arg6[%swap3A_1535, %swap3A_1536], %broadcast_in_dim3A_1534 {strides = array<i32>} : memref<8x512xf32, #tpu.memory_space<vmem>>, vector<8x512xf32>,
      %broadcast_in_dim3A_1538 = arith.constant 2147483647 : i32
      %broadcast_in_dim3A_1539 = vector.broadcast %broadcast_in_dim3A_1538 : i32 to vector<8x512xi32>
      %swap3A_1540 = arith.constant 0 : index
      %swap3A_1541 = arith.constant 0 : index
      %swap3A_1542 = vector.load %arg7[%swap3A_1540, %swap3A_1541] : memref<8x512xi32, #tpu.memory_space<vmem>>, vector<8x512xi32>
      tpu.vector_store %arg7[%swap3A_1540, %swap3A_1541], %broadcast_in_dim3A_1539 {strides = array<i32>} : memref<8x512xi32, #tpu.memory_space<vmem>>, vector<8x512xi32>,
    } else {
    }
    %get3A = arith.constant 0 : index
    %get3A_2 = arith.constant 0 : index
    %get3A_3 = vector.load %arg2[%get3A, %get3A_2] : memref<3x512xf32, #tpu.memory_space<vmem>>, vector<3x512xf32>
    %get3A_4 = arith.constant 0 : index
    %get3A_5 = arith.constant 0 : index
    %get3A_6 = vector.load %arg3[%get3A_4, %get3A_5] : memref<512x3xf32, #tpu.memory_space<vmem>>, vector<512x3xf32>
    %slice3A = vector.extract_strided_slice %get3A_6 {offsets = [0, 0], sizes = [512, 1], strides = [1, 1]} : vector<512x3xf32> to vector<512x1xf32>
    %slice3A_7 = vector.extract_strided_slice %get3A_3 {offsets = [0, 0], sizes = [1, 512], strides = [1, 1]} : vector<3x512xf32> to vector<1x512xf32>
    %sub3A = vector.broadcast %slice3A : vector<512x1xf32> to vector<512x512xf32>
    %sub3A_8 = vector.broadcast %slice3A_7 : vector<1x512xf32> to vector<512x512xf32>
    %sub3A_9 = arith.subf %sub3A, %sub3A_8 : vector<512x512xf32>
    %slice3A_10 = vector.extract_strided_slice %get3A_6 {offsets = [0, 1], sizes = [512, 1], strides = [1, 1]} : vector<512x3xf32> to vector<512x1xf32>
    %slice3A_11 = vector.extract_strided_slice %get3A_3 {offsets = [1, 0], sizes = [1, 512], strides = [1, 1]} : vector<3x512xf32> to vector<1x512xf32>
    %sub3A_12 = vector.broadcast %slice3A_10 : vector<512x1xf32> to vector<512x512xf32>
    %sub3A_13 = vector.broadcast %slice3A_11 : vector<1x512xf32> to vector<512x512xf32>
    %sub3A_14 = arith.subf %sub3A_12, %sub3A_13 : vector<512x512xf32>
    %slice3A_15 = vector.extract_strided_slice %get3A_6 {offsets = [0, 2], sizes = [512, 1], strides = [1, 1]} : vector<512x3xf32> to vector<512x1xf32>
    %slice3A_16 = vector.extract_strided_slice %get3A_3 {offsets = [2, 0], sizes = [1, 512], strides = [1, 1]} : vector<3x512xf32> to vector<1x512xf32>
    %sub3A_17 = vector.broadcast %slice3A_15 : vector<512x1xf32> to vector<512x512xf32>
    %sub3A_18 = vector.broadcast %slice3A_16 : vector<1x512xf32> to vector<512x512xf32>
    %sub3A_19 = arith.subf %sub3A_17, %sub3A_18 : vector<512x512xf32>
    %mul3A = arith.mulf %sub3A_9, %sub3A_9 : vector<512x512xf32>
    %mul3A_20 = arith.mulf %sub3A_14, %sub3A_14 : vector<512x512xf32>
    %add3A = arith.addf %mul3A, %mul3A_20 : vector<512x512xf32>
    %mul3A_21 = arith.mulf %sub3A_19, %sub3A_19 : vector<512x512xf32>
    %add3A_22 = arith.addf %add3A, %mul3A_21 : vector<512x512xf32>
    %iota3A = tpu.iota {dimensions = array<i32: 0>} : vector<512x512xi32>
    %slice3A_23 = vector.extract_strided_slice %add3A_22 {offsets = [0, 0], sizes = [256, 512], strides = [1, 1]} : vector<512x512xf32> to vector<256x512xf32>
    %slice3A_24 = vector.extract_strided_slice %iota3A {offsets = [0, 0], sizes = [256, 512], strides = [1, 1]} : vector<512x512xi32> to vector<256x512xi32>
    %slice3A_25 = vector.extract_strided_slice %slice3A_23 {offsets = [0, 0], sizes = [128, 512], strides = [1, 1]} : vector<256x512xf32> to vector<128x512xf32>
    %slice3A_26 = vector.extract_strided_slice %slice3A_23 {offsets = [128, 0], sizes = [128, 512], strides = [1, 1]} : vector<256x512xf32> to vector<128x512xf32>
    %le3A = arith.cmpf ole, %slice3A_25, %slice3A_26 : vector<128x512xf32>
    %slice3A_27 = vector.extract_strided_slice %slice3A_23 {offsets = [0, 0], sizes = [128, 512], strides = [1, 1]} : vector<256x512xf32> to vector<128x512xf32>
    %slice3A_28 = vector.extract_strided_slice %slice3A_23 {offsets = [128, 0], sizes = [128, 512], strides = [1, 1]} : vector<256x512xf32> to vector<128x512xf32>
    %min3A = arith.minimumf %slice3A_27, %slice3A_28 : vector<128x512xf32>
    %slice3A_29 = vector.extract_strided_slice %slice3A_24 {offsets = [0, 0], sizes = [128, 512], strides = [1, 1]} : vector<256x512xi32> to vector<128x512xi32>
    %slice3A_30 = vector.extract_strided_slice %slice3A_24 {offsets = [128, 0], sizes = [128, 512], strides = [1, 1]} : vector<256x512xi32> to vector<128x512xi32>
    %select_n3A = arith.select %le3A, %slice3A_29, %slice3A_30 : vector<128x512xi1>, vector<128x512xi32>
    %slice3A_31 = vector.extract_strided_slice %slice3A_23 {offsets = [0, 0], sizes = [128, 512], strides = [1, 1]} : vector<256x512xf32> to vector<128x512xf32>
    %slice3A_32 = vector.extract_strided_slice %slice3A_23 {offsets = [128, 0], sizes = [128, 512], strides = [1, 1]} : vector<256x512xf32> to vector<128x512xf32>
    %max3A = arith.maximumf %slice3A_31, %slice3A_32 : vector<128x512xf32>
    %slice3A_33 = vector.extract_strided_slice %slice3A_24 {offsets = [128, 0], sizes = [128, 512], strides = [1, 1]} : vector<256x512xi32> to vector<128x512xi32>
    %slice3A_34 = vector.extract_strided_slice %slice3A_24 {offsets = [0, 0], sizes = [128, 512], strides = [1, 1]} : vector<256x512xi32> to vector<128x512xi32>
    %select_n3A_35 = arith.select %le3A, %slice3A_33, %slice3A_34 : vector<128x512xi1>, vector<128x512xi32>
    %slice3A_36 = vector.extract_strided_slice %min3A {offsets = [0, 0], sizes = [64, 512], strides = [1, 1]} : vector<128x512xf32> to vector<64x512xf32>
    %slice3A_37 = vector.extract_strided_slice %min3A {offsets = [64, 0], sizes = [64, 512], strides = [1, 1]} : vector<128x512xf32> to vector<64x512xf32>
    %le3A_38 = arith.cmpf ole, %slice3A_36, %slice3A_37 : vector<64x512xf32>
    %slice3A_39 = vector.extract_strided_slice %min3A {offsets = [0, 0], sizes = [64, 512], strides = [1, 1]} : vector<128x512xf32> to vector<64x512xf32>
    %slice3A_40 = vector.extract_strided_slice %min3A {offsets = [64, 0], sizes = [64, 512], strides = [1, 1]} : vector<128x512xf32> to vector<64x512xf32>
    %min3A_41 = arith.minimumf %slice3A_39, %slice3A_40 : vector<64x512xf32>
    %slice3A_42 = vector.extract_strided_slice %select_n3A {offsets = [0, 0], sizes = [64, 512], strides = [1, 1]} : vector<128x512xi32> to vector<64x512xi32>
    %slice3A_43 = vector.extract_strided_slice %select_n3A {offsets = [64, 0], sizes = [64, 512], strides = [1, 1]} : vector<128x512xi32> to vector<64x512xi32>
    %select_n3A_44 = arith.select %le3A_38, %slice3A_42, %slice3A_43 : vector<64x512xi1>, vector<64x512xi32>
    %slice3A_45 = vector.extract_strided_slice %min3A_41 {offsets = [0, 0], sizes = [32, 512], strides = [1, 1]} : vector<64x512xf32> to vector<32x512xf32>
    %slice3A_46 = vector.extract_strided_slice %min3A_41 {offsets = [32, 0], sizes = [32, 512], strides = [1, 1]} : vector<64x512xf32> to vector<32x512xf32>
    %le3A_47 = arith.cmpf ole, %slice3A_45, %slice3A_46 : vector<32x512xf32>
    %slice3A_48 = vector.extract_strided_slice %min3A_41 {offsets = [0, 0], sizes = [32, 512], strides = [1, 1]} : vector<64x512xf32> to vector<32x512xf32>
    %slice3A_49 = vector.extract_strided_slice %min3A_41 {offsets = [32, 0], sizes = [32, 512], strides = [1, 1]} : vector<64x512xf32> to vector<32x512xf32>
    %min3A_50 = arith.minimumf %slice3A_48, %slice3A_49 : vector<32x512xf32>
    %slice3A_51 = vector.extract_strided_slice %select_n3A_44 {offsets = [0, 0], sizes = [32, 512], strides = [1, 1]} : vector<64x512xi32> to vector<32x512xi32>
    %slice3A_52 = vector.extract_strided_slice %select_n3A_44 {offsets = [32, 0], sizes = [32, 512], strides = [1, 1]} : vector<64x512xi32> to vector<32x512xi32>
    %select_n3A_53 = arith.select %le3A_47, %slice3A_51, %slice3A_52 : vector<32x512xi1>, vector<32x512xi32>
    %slice3A_54 = vector.extract_strided_slice %min3A_50 {offsets = [0, 0], sizes = [16, 512], strides = [1, 1]} : vector<32x512xf32> to vector<16x512xf32>
    %slice3A_55 = vector.extract_strided_slice %min3A_50 {offsets = [16, 0], sizes = [16, 512], strides = [1, 1]} : vector<32x512xf32> to vector<16x512xf32>
    %le3A_56 = arith.cmpf ole, %slice3A_54, %slice3A_55 : vector<16x512xf32>
    %slice3A_57 = vector.extract_strided_slice %min3A_50 {offsets = [0, 0], sizes = [16, 512], strides = [1, 1]} : vector<32x512xf32> to vector<16x512xf32>
    %slice3A_58 = vector.extract_strided_slice %min3A_50 {offsets = [16, 0], sizes = [16, 512], strides = [1, 1]} : vector<32x512xf32> to vector<16x512xf32>
    %min3A_59 = arith.minimumf %slice3A_57, %slice3A_58 : vector<16x512xf32>
    %slice3A_60 = vector.extract_strided_slice %select_n3A_53 {offsets = [0, 0], sizes = [16, 512], strides = [1, 1]} : vector<32x512xi32> to vector<16x512xi32>
    %slice3A_61 = vector.extract_strided_slice %select_n3A_53 {offsets = [16, 0], sizes = [16, 512], strides = [1, 1]} : vector<32x512xi32> to vector<16x512xi32>
    %select_n3A_62 = arith.select %le3A_56, %slice3A_60, %slice3A_61 : vector<16x512xi1>, vector<16x512xi32>
    %slice3A_63 = vector.extract_strided_slice %min3A_59 {offsets = [0, 0], sizes = [8, 512], strides = [1, 1]} : vector<16x512xf32> to vector<8x512xf32>
    %slice3A_64 = vector.extract_strided_slice %min3A_59 {offsets = [8, 0], sizes = [8, 512], strides = [1, 1]} : vector<16x512xf32> to vector<8x512xf32>
    %le3A_65 = arith.cmpf ole, %slice3A_63, %slice3A_64 : vector<8x512xf32>
    %slice3A_66 = vector.extract_strided_slice %min3A_59 {offsets = [0, 0], sizes = [8, 512], strides = [1, 1]} : vector<16x512xf32> to vector<8x512xf32>
    %slice3A_67 = vector.extract_strided_slice %min3A_59 {offsets = [8, 0], sizes = [8, 512], strides = [1, 1]} : vector<16x512xf32> to vector<8x512xf32>
    %min3A_68 = arith.minimumf %slice3A_66, %slice3A_67 : vector<8x512xf32>
    %slice3A_69 = vector.extract_strided_slice %select_n3A_62 {offsets = [0, 0], sizes = [8, 512], strides = [1, 1]} : vector<16x512xi32> to vector<8x512xi32>
    %slice3A_70 = vector.extract_strided_slice %select_n3A_62 {offsets = [8, 0], sizes = [8, 512], strides = [1, 1]} : vector<16x512xi32> to vector<8x512xi32>
    %select_n3A_71 = arith.select %le3A_65, %slice3A_69, %slice3A_70 : vector<8x512xi1>, vector<8x512xi32>
    %slice3A_72 = vector.extract_strided_slice %min3A_68 {offsets = [0, 0], sizes = [4, 512], strides = [1, 1]} : vector<8x512xf32> to vector<4x512xf32>
    %slice3A_73 = vector.extract_strided_slice %min3A_68 {offsets = [4, 0], sizes = [4, 512], strides = [1, 1]} : vector<8x512xf32> to vector<4x512xf32>
    %le3A_74 = arith.cmpf ole, %slice3A_72, %slice3A_73 : vector<4x512xf32>
    %slice3A_75 = vector.extract_strided_slice %min3A_68 {offsets = [0, 0], sizes = [4, 512], strides = [1, 1]} : vector<8x512xf32> to vector<4x512xf32>
    %slice3A_76 = vector.extract_strided_slice %min3A_68 {offsets = [4, 0], sizes = [4, 512], strides = [1, 1]} : vector<8x512xf32> to vector<4x512xf32>
    %min3A_77 = arith.minimumf %slice3A_75, %slice3A_76 : vector<4x512xf32>
    %slice3A_78 = vector.extract_strided_slice %select_n3A_71 {offsets = [0, 0], sizes = [4, 512], strides = [1, 1]} : vector<8x512xi32> to vector<4x512xi32>
    %slice3A_79 = vector.extract_strided_slice %select_n3A_71 {offsets = [4, 0], sizes = [4, 512], strides = [1, 1]} : vector<8x512xi32> to vector<4x512xi32>
    %select_n3A_80 = arith.select %le3A_74, %slice3A_78, %slice3A_79 : vector<4x512xi1>, vector<4x512xi32>
    %slice3A_81 = vector.extract_strided_slice %min3A_77 {offsets = [0, 0], sizes = [2, 512], strides = [1, 1]} : vector<4x512xf32> to vector<2x512xf32>
    %slice3A_82 = vector.extract_strided_slice %min3A_77 {offsets = [2, 0], sizes = [2, 512], strides = [1, 1]} : vector<4x512xf32> to vector<2x512xf32>
    %le3A_83 = arith.cmpf ole, %slice3A_81, %slice3A_82 : vector<2x512xf32>
    %slice3A_84 = vector.extract_strided_slice %min3A_77 {offsets = [0, 0], sizes = [2, 512], strides = [1, 1]} : vector<4x512xf32> to vector<2x512xf32>
    %slice3A_85 = vector.extract_strided_slice %min3A_77 {offsets = [2, 0], sizes = [2, 512], strides = [1, 1]} : vector<4x512xf32> to vector<2x512xf32>
    %min3A_86 = arith.minimumf %slice3A_84, %slice3A_85 : vector<2x512xf32>
    %slice3A_87 = vector.extract_strided_slice %select_n3A_80 {offsets = [0, 0], sizes = [2, 512], strides = [1, 1]} : vector<4x512xi32> to vector<2x512xi32>
    %slice3A_88 = vector.extract_strided_slice %select_n3A_80 {offsets = [2, 0], sizes = [2, 512], strides = [1, 1]} : vector<4x512xi32> to vector<2x512xi32>
    %select_n3A_89 = arith.select %le3A_83, %slice3A_87, %slice3A_88 : vector<2x512xi1>, vector<2x512xi32>
    %slice3A_90 = vector.extract_strided_slice %min3A_86 {offsets = [0, 0], sizes = [1, 512], strides = [1, 1]} : vector<2x512xf32> to vector<1x512xf32>
    %slice3A_91 = vector.extract_strided_slice %min3A_86 {offsets = [1, 0], sizes = [1, 512], strides = [1, 1]} : vector<2x512xf32> to vector<1x512xf32>
    %le3A_92 = arith.cmpf ole, %slice3A_90, %slice3A_91 : vector<1x512xf32>
    %slice3A_93 = vector.extract_strided_slice %min3A_86 {offsets = [0, 0], sizes = [1, 512], strides = [1, 1]} : vector<2x512xf32> to vector<1x512xf32>
    %slice3A_94 = vector.extract_strided_slice %min3A_86 {offsets = [1, 0], sizes = [1, 512], strides = [1, 1]} : vector<2x512xf32> to vector<1x512xf32>
    %min3A_95 = arith.minimumf %slice3A_93, %slice3A_94 : vector<1x512xf32>
    %slice3A_96 = vector.extract_strided_slice %select_n3A_89 {offsets = [0, 0], sizes = [1, 512], strides = [1, 1]} : vector<2x512xi32> to vector<1x512xi32>
    %slice3A_97 = vector.extract_strided_slice %select_n3A_89 {offsets = [1, 0], sizes = [1, 512], strides = [1, 1]} : vector<2x512xi32> to vector<1x512xi32>
    %select_n3A_98 = arith.select %le3A_92, %slice3A_96, %slice3A_97 : vector<1x512xi1>, vector<1x512xi32>
    %eq3A_99 = vector.broadcast %select_n3A_98 : vector<1x512xi32> to vector<128x512xi32>
    %eq3A_100 = arith.cmpi eq, %select_n3A, %eq3A_99 : vector<128x512xi32>
    %select_n3A_101 = arith.select %eq3A_100, %max3A, %min3A : vector<128x512xi1>, vector<128x512xf32>
    %select_n3A_102 = arith.select %eq3A_100, %select_n3A_35, %select_n3A : vector<128x512xi1>, vector<128x512xi32>
    %jit3A = arith.constant 0x7F800000 : f32
    %broadcast_in_dim3A = vector.broadcast %jit3A : f32 to vector<128x512xf32>
    %select_n3A_103 = arith.select %eq3A_100, %broadcast_in_dim3A, %max3A : vector<128x512xi1>, vector<128x512xf32>
    %slice3A_104 = vector.extract_strided_slice %select_n3A_101 {offsets = [0, 0], sizes = [64, 512], strides = [1, 1]} : vector<128x512xf32> to vector<64x512xf32>
    %slice3A_105 = vector.extract_strided_slice %select_n3A_101 {offsets = [64, 0], sizes = [64, 512], strides = [1, 1]} : vector<128x512xf32> to vector<64x512xf32>
    %le3A_106 = arith.cmpf ole, %slice3A_104, %slice3A_105 : vector<64x512xf32>
    %slice3A_107 = vector.extract_strided_slice %select_n3A_101 {offsets = [0, 0], sizes = [64, 512], strides = [1, 1]} : vector<128x512xf32> to vector<64x512xf32>
    %slice3A_108 = vector.extract_strided_slice %select_n3A_101 {offsets = [64, 0], sizes = [64, 512], strides = [1, 1]} : vector<128x512xf32> to vector<64x512xf32>
    %min3A_109 = arith.minimumf %slice3A_107, %slice3A_108 : vector<64x512xf32>
    %slice3A_110 = vector.extract_strided_slice %select_n3A_102 {offsets = [0, 0], sizes = [64, 512], strides = [1, 1]} : vector<128x512xi32> to vector<64x512xi32>
    %slice3A_111 = vector.extract_strided_slice %select_n3A_102 {offsets = [64, 0], sizes = [64, 512], strides = [1, 1]} : vector<128x512xi32> to vector<64x512xi32>
    %select_n3A_112 = arith.select %le3A_106, %slice3A_110, %slice3A_111 : vector<64x512xi1>, vector<64x512xi32>
    %slice3A_113 = vector.extract_strided_slice %min3A_109 {offsets = [0, 0], sizes = [32, 512], strides = [1, 1]} : vector<64x512xf32> to vector<32x512xf32>
    %slice3A_114 = vector.extract_strided_slice %min3A_109 {offsets = [32, 0], sizes = [32, 512], strides = [1, 1]} : vector<64x512xf32> to vector<32x512xf32>
    %le3A_115 = arith.cmpf ole, %slice3A_113, %slice3A_114 : vector<32x512xf32>
    %slice3A_116 = vector.extract_strided_slice %min3A_109 {offsets = [0, 0], sizes = [32, 512], strides = [1, 1]} : vector<64x512xf32> to vector<32x512xf32>
    %slice3A_117 = vector.extract_strided_slice %min3A_109 {offsets = [32, 0], sizes = [32, 512], strides = [1, 1]} : vector<64x512xf32> to vector<32x512xf32>
    %min3A_118 = arith.minimumf %slice3A_116, %slice3A_117 : vector<32x512xf32>
    %slice3A_119 = vector.extract_strided_slice %select_n3A_112 {offsets = [0, 0], sizes = [32, 512], strides = [1, 1]} : vector<64x512xi32> to vector<32x512xi32>
    %slice3A_120 = vector.extract_strided_slice %select_n3A_112 {offsets = [32, 0], sizes = [32, 512], strides = [1, 1]} : vector<64x512xi32> to vector<32x512xi32>
    %select_n3A_121 = arith.select %le3A_115, %slice3A_119, %slice3A_120 : vector<32x512xi1>, vector<32x512xi32>
    %slice3A_122 = vector.extract_strided_slice %min3A_118 {offsets = [0, 0], sizes = [16, 512], strides = [1, 1]} : vector<32x512xf32> to vector<16x512xf32>
    %slice3A_123 = vector.extract_strided_slice %min3A_118 {offsets = [16, 0], sizes = [16, 512], strides = [1, 1]} : vector<32x512xf32> to vector<16x512xf32>
    %le3A_124 = arith.cmpf ole, %slice3A_122, %slice3A_123 : vector<16x512xf32>
    %slice3A_125 = vector.extract_strided_slice %min3A_118 {offsets = [0, 0], sizes = [16, 512], strides = [1, 1]} : vector<32x512xf32> to vector<16x512xf32>
    %slice3A_126 = vector.extract_strided_slice %min3A_118 {offsets = [16, 0], sizes = [16, 512], strides = [1, 1]} : vector<32x512xf32> to vector<16x512xf32>
    %min3A_127 = arith.minimumf %slice3A_125, %slice3A_126 : vector<16x512xf32>
    %slice3A_128 = vector.extract_strided_slice %select_n3A_121 {offsets = [0, 0], sizes = [16, 512], strides = [1, 1]} : vector<32x512xi32> to vector<16x512xi32>
    %slice3A_129 = vector.extract_strided_slice %select_n3A_121 {offsets = [16, 0], sizes = [16, 512], strides = [1, 1]} : vector<32x512xi32> to vector<16x512xi32>
    %select_n3A_130 = arith.select %le3A_124, %slice3A_128, %slice3A_129 : vector<16x512xi1>, vector<16x512xi32>
    %slice3A_131 = vector.extract_strided_slice %min3A_127 {offsets = [0, 0], sizes = [8, 512], strides = [1, 1]} : vector<16x512xf32> to vector<8x512xf32>
    %slice3A_132 = vector.extract_strided_slice %min3A_127 {offsets = [8, 0], sizes = [8, 512], strides = [1, 1]} : vector<16x512xf32> to vector<8x512xf32>
    %le3A_133 = arith.cmpf ole, %slice3A_131, %slice3A_132 : vector<8x512xf32>
    %slice3A_134 = vector.extract_strided_slice %min3A_127 {offsets = [0, 0], sizes = [8, 512], strides = [1, 1]} : vector<16x512xf32> to vector<8x512xf32>
    %slice3A_135 = vector.extract_strided_slice %min3A_127 {offsets = [8, 0], sizes = [8, 512], strides = [1, 1]} : vector<16x512xf32> to vector<8x512xf32>
    %min3A_136 = arith.minimumf %slice3A_134, %slice3A_135 : vector<8x512xf32>
    %slice3A_137 = vector.extract_strided_slice %select_n3A_130 {offsets = [0, 0], sizes = [8, 512], strides = [1, 1]} : vector<16x512xi32> to vector<8x512xi32>
    %slice3A_138 = vector.extract_strided_slice %select_n3A_130 {offsets = [8, 0], sizes = [8, 512], strides = [1, 1]} : vector<16x512xi32> to vector<8x512xi32>
    %select_n3A_139 = arith.select %le3A_133, %slice3A_137, %slice3A_138 : vector<8x512xi1>, vector<8x512xi32>
    %slice3A_140 = vector.extract_strided_slice %min3A_136 {offsets = [0, 0], sizes = [4, 512], strides = [1, 1]} : vector<8x512xf32> to vector<4x512xf32>
    %slice3A_141 = vector.extract_strided_slice %min3A_136 {offsets = [4, 0], sizes = [4, 512], strides = [1, 1]} : vector<8x512xf32> to vector<4x512xf32>
    %le3A_142 = arith.cmpf ole, %slice3A_140, %slice3A_141 : vector<4x512xf32>
    %slice3A_143 = vector.extract_strided_slice %min3A_136 {offsets = [0, 0], sizes = [4, 512], strides = [1, 1]} : vector<8x512xf32> to vector<4x512xf32>
    %slice3A_144 = vector.extract_strided_slice %min3A_136 {offsets = [4, 0], sizes = [4, 512], strides = [1, 1]} : vector<8x512xf32> to vector<4x512xf32>
    %min3A_145 = arith.minimumf %slice3A_143, %slice3A_144 : vector<4x512xf32>
    %slice3A_146 = vector.extract_strided_slice %select_n3A_139 {offsets = [0, 0], sizes = [4, 512], strides = [1, 1]} : vector<8x512xi32> to vector<4x512xi32>
    %slice3A_147 = vector.extract_strided_slice %select_n3A_139 {offsets = [4, 0], sizes = [4, 512], strides = [1, 1]} : vector<8x512xi32> to vector<4x512xi32>
    %select_n3A_148 = arith.select %le3A_142, %slice3A_146, %slice3A_147 : vector<4x512xi1>, vector<4x512xi32>
    %slice3A_149 = vector.extract_strided_slice %min3A_145 {offsets = [0, 0], sizes = [2, 512], strides = [1, 1]} : vector<4x512xf32> to vector<2x512xf32>
    %slice3A_150 = vector.extract_strided_slice %min3A_145 {offsets = [2, 0], sizes = [2, 512], strides = [1, 1]} : vector<4x512xf32> to vector<2x512xf32>
    %le3A_151 = arith.cmpf ole, %slice3A_149, %slice3A_150 : vector<2x512xf32>
    %slice3A_152 = vector.extract_strided_slice %min3A_145 {offsets = [0, 0], sizes = [2, 512], strides = [1, 1]} : vector<4x512xf32> to vector<2x512xf32>
    %slice3A_153 = vector.extract_strided_slice %min3A_145 {offsets = [2, 0], sizes = [2, 512], strides = [1, 1]} : vector<4x512xf32> to vector<2x512xf32>
    %min3A_154 = arith.minimumf %slice3A_152, %slice3A_153 : vector<2x512xf32>
    %slice3A_155 = vector.extract_strided_slice %select_n3A_148 {offsets = [0, 0], sizes = [2, 512], strides = [1, 1]} : vector<4x512xi32> to vector<2x512xi32>
    %slice3A_156 = vector.extract_strided_slice %select_n3A_148 {offsets = [2, 0], sizes = [2, 512], strides = [1, 1]} : vector<4x512xi32> to vector<2x512xi32>
    %select_n3A_157 = arith.select %le3A_151, %slice3A_155, %slice3A_156 : vector<2x512xi1>, vector<2x512xi32>
    %slice3A_158 = vector.extract_strided_slice %min3A_154 {offsets = [0, 0], sizes = [1, 512], strides = [1, 1]} : vector<2x512xf32> to vector<1x512xf32>
    %slice3A_159 = vector.extract_strided_slice %min3A_154 {offsets = [1, 0], sizes = [1, 512], strides = [1, 1]} : vector<2x512xf32> to vector<1x512xf32>
    %le3A_160 = arith.cmpf ole, %slice3A_158, %slice3A_159 : vector<1x512xf32>
    %slice3A_161 = vector.extract_strided_slice %min3A_154 {offsets = [0, 0], sizes = [1, 512], strides = [1, 1]} : vector<2x512xf32> to vector<1x512xf32>
    %slice3A_162 = vector.extract_strided_slice %min3A_154 {offsets = [1, 0], sizes = [1, 512], strides = [1, 1]} : vector<2x512xf32> to vector<1x512xf32>
    %min3A_163 = arith.minimumf %slice3A_161, %slice3A_162 : vector<1x512xf32>
    %slice3A_164 = vector.extract_strided_slice %select_n3A_157 {offsets = [0, 0], sizes = [1, 512], strides = [1, 1]} : vector<2x512xi32> to vector<1x512xi32>
    %slice3A_165 = vector.extract_strided_slice %select_n3A_157 {offsets = [1, 0], sizes = [1, 512], strides = [1, 1]} : vector<2x512xi32> to vector<1x512xi32>
    %select_n3A_166 = arith.select %le3A_160, %slice3A_164, %slice3A_165 : vector<1x512xi1>, vector<1x512xi32>
    %eq3A_167 = vector.broadcast %select_n3A_166 : vector<1x512xi32> to vector<128x512xi32>
    %eq3A_168 = arith.cmpi eq, %select_n3A_102, %eq3A_167 : vector<128x512xi32>
    %select_n3A_169 = arith.select %eq3A_168, %select_n3A_103, %select_n3A_101 : vector<128x512xi1>, vector<128x512xf32>
    %select_n3A_170 = arith.select %eq3A_168, %select_n3A_35, %select_n3A_102 : vector<128x512xi1>, vector<128x512xi32>
    %jit3A_171 = arith.constant 0x7F800000 : f32
    %broadcast_in_dim3A_172 = vector.broadcast %jit3A_171 : f32 to vector<128x512xf32>
    %select_n3A_173 = arith.select %eq3A_168, %broadcast_in_dim3A_172, %select_n3A_103 : vector<128x512xi1>, vector<128x512xf32>
    %slice3A_174 = vector.extract_strided_slice %select_n3A_169 {offsets = [0, 0], sizes = [64, 512], strides = [1, 1]} : vector<128x512xf32> to vector<64x512xf32>
    %slice3A_175 = vector.extract_strided_slice %select_n3A_169 {offsets = [64, 0], sizes = [64, 512], strides = [1, 1]} : vector<128x512xf32> to vector<64x512xf32>
    %le3A_176 = arith.cmpf ole, %slice3A_174, %slice3A_175 : vector<64x512xf32>
    %slice3A_177 = vector.extract_strided_slice %select_n3A_169 {offsets = [0, 0], sizes = [64, 512], strides = [1, 1]} : vector<128x512xf32> to vector<64x512xf32>
    %slice3A_178 = vector.extract_strided_slice %select_n3A_169 {offsets = [64, 0], sizes = [64, 512], strides = [1, 1]} : vector<128x512xf32> to vector<64x512xf32>
    %min3A_179 = arith.minimumf %slice3A_177, %slice3A_178 : vector<64x512xf32>
    %slice3A_180 = vector.extract_strided_slice %select_n3A_170 {offsets = [0, 0], sizes = [64, 512], strides = [1, 1]} : vector<128x512xi32> to vector<64x512xi32>
    %slice3A_181 = vector.extract_strided_slice %select_n3A_170 {offsets = [64, 0], sizes = [64, 512], strides = [1, 1]} : vector<128x512xi32> to vector<64x512xi32>
    %select_n3A_182 = arith.select %le3A_176, %slice3A_180, %slice3A_181 : vector<64x512xi1>, vector<64x512xi32>
    %slice3A_183 = vector.extract_strided_slice %min3A_179 {offsets = [0, 0], sizes = [32, 512], strides = [1, 1]} : vector<64x512xf32> to vector<32x512xf32>
    %slice3A_184 = vector.extract_strided_slice %min3A_179 {offsets = [32, 0], sizes = [32, 512], strides = [1, 1]} : vector<64x512xf32> to vector<32x512xf32>
    %le3A_185 = arith.cmpf ole, %slice3A_183, %slice3A_184 : vector<32x512xf32>
    %slice3A_186 = vector.extract_strided_slice %min3A_179 {offsets = [0, 0], sizes = [32, 512], strides = [1, 1]} : vector<64x512xf32> to vector<32x512xf32>
    %slice3A_187 = vector.extract_strided_slice %min3A_179 {offsets = [32, 0], sizes = [32, 512], strides = [1, 1]} : vector<64x512xf32> to vector<32x512xf32>
    %min3A_188 = arith.minimumf %slice3A_186, %slice3A_187 : vector<32x512xf32>
    %slice3A_189 = vector.extract_strided_slice %select_n3A_182 {offsets = [0, 0], sizes = [32, 512], strides = [1, 1]} : vector<64x512xi32> to vector<32x512xi32>
    %slice3A_190 = vector.extract_strided_slice %select_n3A_182 {offsets = [32, 0], sizes = [32, 512], strides = [1, 1]} : vector<64x512xi32> to vector<32x512xi32>
    %select_n3A_191 = arith.select %le3A_185, %slice3A_189, %slice3A_190 : vector<32x512xi1>, vector<32x512xi32>
    %slice3A_192 = vector.extract_strided_slice %min3A_188 {offsets = [0, 0], sizes = [16, 512], strides = [1, 1]} : vector<32x512xf32> to vector<16x512xf32>
    %slice3A_193 = vector.extract_strided_slice %min3A_188 {offsets = [16, 0], sizes = [16, 512], strides = [1, 1]} : vector<32x512xf32> to vector<16x512xf32>
    %le3A_194 = arith.cmpf ole, %slice3A_192, %slice3A_193 : vector<16x512xf32>
    %slice3A_195 = vector.extract_strided_slice %min3A_188 {offsets = [0, 0], sizes = [16, 512], strides = [1, 1]} : vector<32x512xf32> to vector<16x512xf32>
    %slice3A_196 = vector.extract_strided_slice %min3A_188 {offsets = [16, 0], sizes = [16, 512], strides = [1, 1]} : vector<32x512xf32> to vector<16x512xf32>
    %min3A_197 = arith.minimumf %slice3A_195, %slice3A_196 : vector<16x512xf32>
    %slice3A_198 = vector.extract_strided_slice %select_n3A_191 {offsets = [0, 0], sizes = [16, 512], strides = [1, 1]} : vector<32x512xi32> to vector<16x512xi32>
    %slice3A_199 = vector.extract_strided_slice %select_n3A_191 {offsets = [16, 0], sizes = [16, 512], strides = [1, 1]} : vector<32x512xi32> to vector<16x512xi32>
    %select_n3A_200 = arith.select %le3A_194, %slice3A_198, %slice3A_199 : vector<16x512xi1>, vector<16x512xi32>
    %slice3A_201 = vector.extract_strided_slice %min3A_197 {offsets = [0, 0], sizes = [8, 512], strides = [1, 1]} : vector<16x512xf32> to vector<8x512xf32>
    %slice3A_202 = vector.extract_strided_slice %min3A_197 {offsets = [8, 0], sizes = [8, 512], strides = [1, 1]} : vector<16x512xf32> to vector<8x512xf32>
    %le3A_203 = arith.cmpf ole, %slice3A_201, %slice3A_202 : vector<8x512xf32>
    %slice3A_204 = vector.extract_strided_slice %min3A_197 {offsets = [0, 0], sizes = [8, 512], strides = [1, 1]} : vector<16x512xf32> to vector<8x512xf32>
    %slice3A_205 = vector.extract_strided_slice %min3A_197 {offsets = [8, 0], sizes = [8, 512], strides = [1, 1]} : vector<16x512xf32> to vector<8x512xf32>
    %min3A_206 = arith.minimumf %slice3A_204, %slice3A_205 : vector<8x512xf32>
    %slice3A_207 = vector.extract_strided_slice %select_n3A_200 {offsets = [0, 0], sizes = [8, 512], strides = [1, 1]} : vector<16x512xi32> to vector<8x512xi32>
    %slice3A_208 = vector.extract_strided_slice %select_n3A_200 {offsets = [8, 0], sizes = [8, 512], strides = [1, 1]} : vector<16x512xi32> to vector<8x512xi32>
    %select_n3A_209 = arith.select %le3A_203, %slice3A_207, %slice3A_208 : vector<8x512xi1>, vector<8x512xi32>
    %slice3A_210 = vector.extract_strided_slice %min3A_206 {offsets = [0, 0], sizes = [4, 512], strides = [1, 1]} : vector<8x512xf32> to vector<4x512xf32>
    %slice3A_211 = vector.extract_strided_slice %min3A_206 {offsets = [4, 0], sizes = [4, 512], strides = [1, 1]} : vector<8x512xf32> to vector<4x512xf32>
    %le3A_212 = arith.cmpf ole, %slice3A_210, %slice3A_211 : vector<4x512xf32>
    %slice3A_213 = vector.extract_strided_slice %min3A_206 {offsets = [0, 0], sizes = [4, 512], strides = [1, 1]} : vector<8x512xf32> to vector<4x512xf32>
    %slice3A_214 = vector.extract_strided_slice %min3A_206 {offsets = [4, 0], sizes = [4, 512], strides = [1, 1]} : vector<8x512xf32> to vector<4x512xf32>
    %min3A_215 = arith.minimumf %slice3A_213, %slice3A_214 : vector<4x512xf32>
    %slice3A_216 = vector.extract_strided_slice %select_n3A_209 {offsets = [0, 0], sizes = [4, 512], strides = [1, 1]} : vector<8x512xi32> to vector<4x512xi32>
    %slice3A_217 = vector.extract_strided_slice %select_n3A_209 {offsets = [4, 0], sizes = [4, 512], strides = [1, 1]} : vector<8x512xi32> to vector<4x512xi32>
    %select_n3A_218 = arith.select %le3A_212, %slice3A_216, %slice3A_217 : vector<4x512xi1>, vector<4x512xi32>
    %slice3A_219 = vector.extract_strided_slice %min3A_215 {offsets = [0, 0], sizes = [2, 512], strides = [1, 1]} : vector<4x512xf32> to vector<2x512xf32>
    %slice3A_220 = vector.extract_strided_slice %min3A_215 {offsets = [2, 0], sizes = [2, 512], strides = [1, 1]} : vector<4x512xf32> to vector<2x512xf32>
    %le3A_221 = arith.cmpf ole, %slice3A_219, %slice3A_220 : vector<2x512xf32>
    %slice3A_222 = vector.extract_strided_slice %min3A_215 {offsets = [0, 0], sizes = [2, 512], strides = [1, 1]} : vector<4x512xf32> to vector<2x512xf32>
    %slice3A_223 = vector.extract_strided_slice %min3A_215 {offsets = [2, 0], sizes = [2, 512], strides = [1, 1]} : vector<4x512xf32> to vector<2x512xf32>
    %min3A_224 = arith.minimumf %slice3A_222, %slice3A_223 : vector<2x512xf32>
    %slice3A_225 = vector.extract_strided_slice %select_n3A_218 {offsets = [0, 0], sizes = [2, 512], strides = [1, 1]} : vector<4x512xi32> to vector<2x512xi32>
    %slice3A_226 = vector.extract_strided_slice %select_n3A_218 {offsets = [2, 0], sizes = [2, 512], strides = [1, 1]} : vector<4x512xi32> to vector<2x512xi32>
    %select_n3A_227 = arith.select %le3A_221, %slice3A_225, %slice3A_226 : vector<2x512xi1>, vector<2x512xi32>
    %slice3A_228 = vector.extract_strided_slice %min3A_224 {offsets = [0, 0], sizes = [1, 512], strides = [1, 1]} : vector<2x512xf32> to vector<1x512xf32>
    %slice3A_229 = vector.extract_strided_slice %min3A_224 {offsets = [1, 0], sizes = [1, 512], strides = [1, 1]} : vector<2x512xf32> to vector<1x512xf32>
    %le3A_230 = arith.cmpf ole, %slice3A_228, %slice3A_229 : vector<1x512xf32>
    %slice3A_231 = vector.extract_strided_slice %min3A_224 {offsets = [0, 0], sizes = [1, 512], strides = [1, 1]} : vector<2x512xf32> to vector<1x512xf32>
    %slice3A_232 = vector.extract_strided_slice %min3A_224 {offsets = [1, 0], sizes = [1, 512], strides = [1, 1]} : vector<2x512xf32> to vector<1x512xf32>
    %min3A_233 = arith.minimumf %slice3A_231, %slice3A_232 : vector<1x512xf32>
    %slice3A_234 = vector.extract_strided_slice %select_n3A_227 {offsets = [0, 0], sizes = [1, 512], strides = [1, 1]} : vector<2x512xi32> to vector<1x512xi32>
    %slice3A_235 = vector.extract_strided_slice %select_n3A_227 {offsets = [1, 0], sizes = [1, 512], strides = [1, 1]} : vector<2x512xi32> to vector<1x512xi32>
    %select_n3A_236 = arith.select %le3A_230, %slice3A_234, %slice3A_235 : vector<1x512xi1>, vector<1x512xi32>
    %eq3A_237 = vector.broadcast %select_n3A_236 : vector<1x512xi32> to vector<128x512xi32>
    %eq3A_238 = arith.cmpi eq, %select_n3A_170, %eq3A_237 : vector<128x512xi32>
    %select_n3A_239 = arith.select %eq3A_238, %select_n3A_173, %select_n3A_169 : vector<128x512xi1>, vector<128x512xf32>
    %select_n3A_240 = arith.select %eq3A_238, %select_n3A_35, %select_n3A_170 : vector<128x512xi1>, vector<128x512xi32>
    %jit3A_241 = arith.constant 0x7F800000 : f32
    %broadcast_in_dim3A_242 = vector.broadcast %jit3A_241 : f32 to vector<128x512xf32>
    %select_n3A_243 = arith.select %eq3A_238, %broadcast_in_dim3A_242, %select_n3A_173 : vector<128x512xi1>, vector<128x512xf32>
    %slice3A_244 = vector.extract_strided_slice %select_n3A_239 {offsets = [0, 0], sizes = [64, 512], strides = [1, 1]} : vector<128x512xf32> to vector<64x512xf32>
    %slice3A_245 = vector.extract_strided_slice %select_n3A_239 {offsets = [64, 0], sizes = [64, 512], strides = [1, 1]} : vector<128x512xf32> to vector<64x512xf32>
    %le3A_246 = arith.cmpf ole, %slice3A_244, %slice3A_245 : vector<64x512xf32>
    %slice3A_247 = vector.extract_strided_slice %select_n3A_239 {offsets = [0, 0], sizes = [64, 512], strides = [1, 1]} : vector<128x512xf32> to vector<64x512xf32>
    %slice3A_248 = vector.extract_strided_slice %select_n3A_239 {offsets = [64, 0], sizes = [64, 512], strides = [1, 1]} : vector<128x512xf32> to vector<64x512xf32>
    %min3A_249 = arith.minimumf %slice3A_247, %slice3A_248 : vector<64x512xf32>
    %slice3A_250 = vector.extract_strided_slice %select_n3A_240 {offsets = [0, 0], sizes = [64, 512], strides = [1, 1]} : vector<128x512xi32> to vector<64x512xi32>
    %slice3A_251 = vector.extract_strided_slice %select_n3A_240 {offsets = [64, 0], sizes = [64, 512], strides = [1, 1]} : vector<128x512xi32> to vector<64x512xi32>
    %select_n3A_252 = arith.select %le3A_246, %slice3A_250, %slice3A_251 : vector<64x512xi1>, vector<64x512xi32>
    %slice3A_253 = vector.extract_strided_slice %min3A_249 {offsets = [0, 0], sizes = [32, 512], strides = [1, 1]} : vector<64x512xf32> to vector<32x512xf32>
    %slice3A_254 = vector.extract_strided_slice %min3A_249 {offsets = [32, 0], sizes = [32, 512], strides = [1, 1]} : vector<64x512xf32> to vector<32x512xf32>
    %le3A_255 = arith.cmpf ole, %slice3A_253, %slice3A_254 : vector<32x512xf32>
    %slice3A_256 = vector.extract_strided_slice %min3A_249 {offsets = [0, 0], sizes = [32, 512], strides = [1, 1]} : vector<64x512xf32> to vector<32x512xf32>
    %slice3A_257 = vector.extract_strided_slice %min3A_249 {offsets = [32, 0], sizes = [32, 512], strides = [1, 1]} : vector<64x512xf32> to vector<32x512xf32>
    %min3A_258 = arith.minimumf %slice3A_256, %slice3A_257 : vector<32x512xf32>
    %slice3A_259 = vector.extract_strided_slice %select_n3A_252 {offsets = [0, 0], sizes = [32, 512], strides = [1, 1]} : vector<64x512xi32> to vector<32x512xi32>
    %slice3A_260 = vector.extract_strided_slice %select_n3A_252 {offsets = [32, 0], sizes = [32, 512], strides = [1, 1]} : vector<64x512xi32> to vector<32x512xi32>
    %select_n3A_261 = arith.select %le3A_255, %slice3A_259, %slice3A_260 : vector<32x512xi1>, vector<32x512xi32>
    %slice3A_262 = vector.extract_strided_slice %min3A_258 {offsets = [0, 0], sizes = [16, 512], strides = [1, 1]} : vector<32x512xf32> to vector<16x512xf32>
    %slice3A_263 = vector.extract_strided_slice %min3A_258 {offsets = [16, 0], sizes = [16, 512], strides = [1, 1]} : vector<32x512xf32> to vector<16x512xf32>
    %le3A_264 = arith.cmpf ole, %slice3A_262, %slice3A_263 : vector<16x512xf32>
    %slice3A_265 = vector.extract_strided_slice %min3A_258 {offsets = [0, 0], sizes = [16, 512], strides = [1, 1]} : vector<32x512xf32> to vector<16x512xf32>
    %slice3A_266 = vector.extract_strided_slice %min3A_258 {offsets = [16, 0], sizes = [16, 512], strides = [1, 1]} : vector<32x512xf32> to vector<16x512xf32>
    %min3A_267 = arith.minimumf %slice3A_265, %slice3A_266 : vector<16x512xf32>
    %slice3A_268 = vector.extract_strided_slice %select_n3A_261 {offsets = [0, 0], sizes = [16, 512], strides = [1, 1]} : vector<32x512xi32> to vector<16x512xi32>
    %slice3A_269 = vector.extract_strided_slice %select_n3A_261 {offsets = [16, 0], sizes = [16, 512], strides = [1, 1]} : vector<32x512xi32> to vector<16x512xi32>
    %select_n3A_270 = arith.select %le3A_264, %slice3A_268, %slice3A_269 : vector<16x512xi1>, vector<16x512xi32>
    %slice3A_271 = vector.extract_strided_slice %min3A_267 {offsets = [0, 0], sizes = [8, 512], strides = [1, 1]} : vector<16x512xf32> to vector<8x512xf32>
    %slice3A_272 = vector.extract_strided_slice %min3A_267 {offsets = [8, 0], sizes = [8, 512], strides = [1, 1]} : vector<16x512xf32> to vector<8x512xf32>
    %le3A_273 = arith.cmpf ole, %slice3A_271, %slice3A_272 : vector<8x512xf32>
    %slice3A_274 = vector.extract_strided_slice %min3A_267 {offsets = [0, 0], sizes = [8, 512], strides = [1, 1]} : vector<16x512xf32> to vector<8x512xf32>
    %slice3A_275 = vector.extract_strided_slice %min3A_267 {offsets = [8, 0], sizes = [8, 512], strides = [1, 1]} : vector<16x512xf32> to vector<8x512xf32>
    %min3A_276 = arith.minimumf %slice3A_274, %slice3A_275 : vector<8x512xf32>
    %slice3A_277 = vector.extract_strided_slice %select_n3A_270 {offsets = [0, 0], sizes = [8, 512], strides = [1, 1]} : vector<16x512xi32> to vector<8x512xi32>
    %slice3A_278 = vector.extract_strided_slice %select_n3A_270 {offsets = [8, 0], sizes = [8, 512], strides = [1, 1]} : vector<16x512xi32> to vector<8x512xi32>
    %select_n3A_279 = arith.select %le3A_273, %slice3A_277, %slice3A_278 : vector<8x512xi1>, vector<8x512xi32>
    %slice3A_280 = vector.extract_strided_slice %min3A_276 {offsets = [0, 0], sizes = [4, 512], strides = [1, 1]} : vector<8x512xf32> to vector<4x512xf32>
    %slice3A_281 = vector.extract_strided_slice %min3A_276 {offsets = [4, 0], sizes = [4, 512], strides = [1, 1]} : vector<8x512xf32> to vector<4x512xf32>
    %le3A_282 = arith.cmpf ole, %slice3A_280, %slice3A_281 : vector<4x512xf32>
    %slice3A_283 = vector.extract_strided_slice %min3A_276 {offsets = [0, 0], sizes = [4, 512], strides = [1, 1]} : vector<8x512xf32> to vector<4x512xf32>
    %slice3A_284 = vector.extract_strided_slice %min3A_276 {offsets = [4, 0], sizes = [4, 512], strides = [1, 1]} : vector<8x512xf32> to vector<4x512xf32>
    %min3A_285 = arith.minimumf %slice3A_283, %slice3A_284 : vector<4x512xf32>
    %slice3A_286 = vector.extract_strided_slice %select_n3A_279 {offsets = [0, 0], sizes = [4, 512], strides = [1, 1]} : vector<8x512xi32> to vector<4x512xi32>
    %slice3A_287 = vector.extract_strided_slice %select_n3A_279 {offsets = [4, 0], sizes = [4, 512], strides = [1, 1]} : vector<8x512xi32> to vector<4x512xi32>
    %select_n3A_288 = arith.select %le3A_282, %slice3A_286, %slice3A_287 : vector<4x512xi1>, vector<4x512xi32>
    %slice3A_289 = vector.extract_strided_slice %min3A_285 {offsets = [0, 0], sizes = [2, 512], strides = [1, 1]} : vector<4x512xf32> to vector<2x512xf32>
    %slice3A_290 = vector.extract_strided_slice %min3A_285 {offsets = [2, 0], sizes = [2, 512], strides = [1, 1]} : vector<4x512xf32> to vector<2x512xf32>
    %le3A_291 = arith.cmpf ole, %slice3A_289, %slice3A_290 : vector<2x512xf32>
    %slice3A_292 = vector.extract_strided_slice %min3A_285 {offsets = [0, 0], sizes = [2, 512], strides = [1, 1]} : vector<4x512xf32> to vector<2x512xf32>
    %slice3A_293 = vector.extract_strided_slice %min3A_285 {offsets = [2, 0], sizes = [2, 512], strides = [1, 1]} : vector<4x512xf32> to vector<2x512xf32>
    %min3A_294 = arith.minimumf %slice3A_292, %slice3A_293 : vector<2x512xf32>
    %slice3A_295 = vector.extract_strided_slice %select_n3A_288 {offsets = [0, 0], sizes = [2, 512], strides = [1, 1]} : vector<4x512xi32> to vector<2x512xi32>
    %slice3A_296 = vector.extract_strided_slice %select_n3A_288 {offsets = [2, 0], sizes = [2, 512], strides = [1, 1]} : vector<4x512xi32> to vector<2x512xi32>
    %select_n3A_297 = arith.select %le3A_291, %slice3A_295, %slice3A_296 : vector<2x512xi1>, vector<2x512xi32>
    %slice3A_298 = vector.extract_strided_slice %min3A_294 {offsets = [0, 0], sizes = [1, 512], strides = [1, 1]} : vector<2x512xf32> to vector<1x512xf32>
    %slice3A_299 = vector.extract_strided_slice %min3A_294 {offsets = [1, 0], sizes = [1, 512], strides = [1, 1]} : vector<2x512xf32> to vector<1x512xf32>
    %le3A_300 = arith.cmpf ole, %slice3A_298, %slice3A_299 : vector<1x512xf32>
    %slice3A_301 = vector.extract_strided_slice %min3A_294 {offsets = [0, 0], sizes = [1, 512], strides = [1, 1]} : vector<2x512xf32> to vector<1x512xf32>
    %slice3A_302 = vector.extract_strided_slice %min3A_294 {offsets = [1, 0], sizes = [1, 512], strides = [1, 1]} : vector<2x512xf32> to vector<1x512xf32>
    %min3A_303 = arith.minimumf %slice3A_301, %slice3A_302 : vector<1x512xf32>
    %slice3A_304 = vector.extract_strided_slice %select_n3A_297 {offsets = [0, 0], sizes = [1, 512], strides = [1, 1]} : vector<2x512xi32> to vector<1x512xi32>
    %slice3A_305 = vector.extract_strided_slice %select_n3A_297 {offsets = [1, 0], sizes = [1, 512], strides = [1, 1]} : vector<2x512xi32> to vector<1x512xi32>
    %select_n3A_306 = arith.select %le3A_300, %slice3A_304, %slice3A_305 : vector<1x512xi1>, vector<1x512xi32>
    %eq3A_307 = vector.broadcast %select_n3A_306 : vector<1x512xi32> to vector<128x512xi32>
    %eq3A_308 = arith.cmpi eq, %select_n3A_240, %eq3A_307 : vector<128x512xi32>
    %select_n3A_309 = arith.select %eq3A_308, %select_n3A_243, %select_n3A_239 : vector<128x512xi1>, vector<128x512xf32>
    %select_n3A_310 = arith.select %eq3A_308, %select_n3A_35, %select_n3A_240 : vector<128x512xi1>, vector<128x512xi32>
    %jit3A_311 = arith.constant 0x7F800000 : f32
    %broadcast_in_dim3A_312 = vector.broadcast %jit3A_311 : f32 to vector<128x512xf32>
    %select_n3A_313 = arith.select %eq3A_308, %broadcast_in_dim3A_312, %select_n3A_243 : vector<128x512xi1>, vector<128x512xf32>
    %slice3A_314 = vector.extract_strided_slice %select_n3A_309 {offsets = [0, 0], sizes = [64, 512], strides = [1, 1]} : vector<128x512xf32> to vector<64x512xf32>
    %slice3A_315 = vector.extract_strided_slice %select_n3A_309 {offsets = [64, 0], sizes = [64, 512], strides = [1, 1]} : vector<128x512xf32> to vector<64x512xf32>
    %le3A_316 = arith.cmpf ole, %slice3A_314, %slice3A_315 : vector<64x512xf32>
    %slice3A_317 = vector.extract_strided_slice %select_n3A_309 {offsets = [0, 0], sizes = [64, 512], strides = [1, 1]} : vector<128x512xf32> to vector<64x512xf32>
    %slice3A_318 = vector.extract_strided_slice %select_n3A_309 {offsets = [64, 0], sizes = [64, 512], strides = [1, 1]} : vector<128x512xf32> to vector<64x512xf32>
    %min3A_319 = arith.minimumf %slice3A_317, %slice3A_318 : vector<64x512xf32>
    %slice3A_320 = vector.extract_strided_slice %select_n3A_310 {offsets = [0, 0], sizes = [64, 512], strides = [1, 1]} : vector<128x512xi32> to vector<64x512xi32>
    %slice3A_321 = vector.extract_strided_slice %select_n3A_310 {offsets = [64, 0], sizes = [64, 512], strides = [1, 1]} : vector<128x512xi32> to vector<64x512xi32>
    %select_n3A_322 = arith.select %le3A_316, %slice3A_320, %slice3A_321 : vector<64x512xi1>, vector<64x512xi32>
    %slice3A_323 = vector.extract_strided_slice %min3A_319 {offsets = [0, 0], sizes = [32, 512], strides = [1, 1]} : vector<64x512xf32> to vector<32x512xf32>
    %slice3A_324 = vector.extract_strided_slice %min3A_319 {offsets = [32, 0], sizes = [32, 512], strides = [1, 1]} : vector<64x512xf32> to vector<32x512xf32>
    %le3A_325 = arith.cmpf ole, %slice3A_323, %slice3A_324 : vector<32x512xf32>
    %slice3A_326 = vector.extract_strided_slice %min3A_319 {offsets = [0, 0], sizes = [32, 512], strides = [1, 1]} : vector<64x512xf32> to vector<32x512xf32>
    %slice3A_327 = vector.extract_strided_slice %min3A_319 {offsets = [32, 0], sizes = [32, 512], strides = [1, 1]} : vector<64x512xf32> to vector<32x512xf32>
    %min3A_328 = arith.minimumf %slice3A_326, %slice3A_327 : vector<32x512xf32>
    %slice3A_329 = vector.extract_strided_slice %select_n3A_322 {offsets = [0, 0], sizes = [32, 512], strides = [1, 1]} : vector<64x512xi32> to vector<32x512xi32>
    %slice3A_330 = vector.extract_strided_slice %select_n3A_322 {offsets = [32, 0], sizes = [32, 512], strides = [1, 1]} : vector<64x512xi32> to vector<32x512xi32>
    %select_n3A_331 = arith.select %le3A_325, %slice3A_329, %slice3A_330 : vector<32x512xi1>, vector<32x512xi32>
    %slice3A_332 = vector.extract_strided_slice %min3A_328 {offsets = [0, 0], sizes = [16, 512], strides = [1, 1]} : vector<32x512xf32> to vector<16x512xf32>
    %slice3A_333 = vector.extract_strided_slice %min3A_328 {offsets = [16, 0], sizes = [16, 512], strides = [1, 1]} : vector<32x512xf32> to vector<16x512xf32>
    %le3A_334 = arith.cmpf ole, %slice3A_332, %slice3A_333 : vector<16x512xf32>
    %slice3A_335 = vector.extract_strided_slice %min3A_328 {offsets = [0, 0], sizes = [16, 512], strides = [1, 1]} : vector<32x512xf32> to vector<16x512xf32>
    %slice3A_336 = vector.extract_strided_slice %min3A_328 {offsets = [16, 0], sizes = [16, 512], strides = [1, 1]} : vector<32x512xf32> to vector<16x512xf32>
    %min3A_337 = arith.minimumf %slice3A_335, %slice3A_336 : vector<16x512xf32>
    %slice3A_338 = vector.extract_strided_slice %select_n3A_331 {offsets = [0, 0], sizes = [16, 512], strides = [1, 1]} : vector<32x512xi32> to vector<16x512xi32>
    %slice3A_339 = vector.extract_strided_slice %select_n3A_331 {offsets = [16, 0], sizes = [16, 512], strides = [1, 1]} : vector<32x512xi32> to vector<16x512xi32>
    %select_n3A_340 = arith.select %le3A_334, %slice3A_338, %slice3A_339 : vector<16x512xi1>, vector<16x512xi32>
    %slice3A_341 = vector.extract_strided_slice %min3A_337 {offsets = [0, 0], sizes = [8, 512], strides = [1, 1]} : vector<16x512xf32> to vector<8x512xf32>
    %slice3A_342 = vector.extract_strided_slice %min3A_337 {offsets = [8, 0], sizes = [8, 512], strides = [1, 1]} : vector<16x512xf32> to vector<8x512xf32>
    %le3A_343 = arith.cmpf ole, %slice3A_341, %slice3A_342 : vector<8x512xf32>
    %slice3A_344 = vector.extract_strided_slice %min3A_337 {offsets = [0, 0], sizes = [8, 512], strides = [1, 1]} : vector<16x512xf32> to vector<8x512xf32>
    %slice3A_345 = vector.extract_strided_slice %min3A_337 {offsets = [8, 0], sizes = [8, 512], strides = [1, 1]} : vector<16x512xf32> to vector<8x512xf32>
    %min3A_346 = arith.minimumf %slice3A_344, %slice3A_345 : vector<8x512xf32>
    %slice3A_347 = vector.extract_strided_slice %select_n3A_340 {offsets = [0, 0], sizes = [8, 512], strides = [1, 1]} : vector<16x512xi32> to vector<8x512xi32>
    %slice3A_348 = vector.extract_strided_slice %select_n3A_340 {offsets = [8, 0], sizes = [8, 512], strides = [1, 1]} : vector<16x512xi32> to vector<8x512xi32>
    %select_n3A_349 = arith.select %le3A_343, %slice3A_347, %slice3A_348 : vector<8x512xi1>, vector<8x512xi32>
    %slice3A_350 = vector.extract_strided_slice %min3A_346 {offsets = [0, 0], sizes = [4, 512], strides = [1, 1]} : vector<8x512xf32> to vector<4x512xf32>
    %slice3A_351 = vector.extract_strided_slice %min3A_346 {offsets = [4, 0], sizes = [4, 512], strides = [1, 1]} : vector<8x512xf32> to vector<4x512xf32>
    %le3A_352 = arith.cmpf ole, %slice3A_350, %slice3A_351 : vector<4x512xf32>
    %slice3A_353 = vector.extract_strided_slice %min3A_346 {offsets = [0, 0], sizes = [4, 512], strides = [1, 1]} : vector<8x512xf32> to vector<4x512xf32>
    %slice3A_354 = vector.extract_strided_slice %min3A_346 {offsets = [4, 0], sizes = [4, 512], strides = [1, 1]} : vector<8x512xf32> to vector<4x512xf32>
    %min3A_355 = arith.minimumf %slice3A_353, %slice3A_354 : vector<4x512xf32>
    %slice3A_356 = vector.extract_strided_slice %select_n3A_349 {offsets = [0, 0], sizes = [4, 512], strides = [1, 1]} : vector<8x512xi32> to vector<4x512xi32>
    %slice3A_357 = vector.extract_strided_slice %select_n3A_349 {offsets = [4, 0], sizes = [4, 512], strides = [1, 1]} : vector<8x512xi32> to vector<4x512xi32>
    %select_n3A_358 = arith.select %le3A_352, %slice3A_356, %slice3A_357 : vector<4x512xi1>, vector<4x512xi32>
    %slice3A_359 = vector.extract_strided_slice %min3A_355 {offsets = [0, 0], sizes = [2, 512], strides = [1, 1]} : vector<4x512xf32> to vector<2x512xf32>
    %slice3A_360 = vector.extract_strided_slice %min3A_355 {offsets = [2, 0], sizes = [2, 512], strides = [1, 1]} : vector<4x512xf32> to vector<2x512xf32>
    %le3A_361 = arith.cmpf ole, %slice3A_359, %slice3A_360 : vector<2x512xf32>
    %slice3A_362 = vector.extract_strided_slice %min3A_355 {offsets = [0, 0], sizes = [2, 512], strides = [1, 1]} : vector<4x512xf32> to vector<2x512xf32>
    %slice3A_363 = vector.extract_strided_slice %min3A_355 {offsets = [2, 0], sizes = [2, 512], strides = [1, 1]} : vector<4x512xf32> to vector<2x512xf32>
    %min3A_364 = arith.minimumf %slice3A_362, %slice3A_363 : vector<2x512xf32>
    %slice3A_365 = vector.extract_strided_slice %select_n3A_358 {offsets = [0, 0], sizes = [2, 512], strides = [1, 1]} : vector<4x512xi32> to vector<2x512xi32>
    %slice3A_366 = vector.extract_strided_slice %select_n3A_358 {offsets = [2, 0], sizes = [2, 512], strides = [1, 1]} : vector<4x512xi32> to vector<2x512xi32>
    %select_n3A_367 = arith.select %le3A_361, %slice3A_365, %slice3A_366 : vector<2x512xi1>, vector<2x512xi32>
    %slice3A_368 = vector.extract_strided_slice %min3A_364 {offsets = [0, 0], sizes = [1, 512], strides = [1, 1]} : vector<2x512xf32> to vector<1x512xf32>
    %slice3A_369 = vector.extract_strided_slice %min3A_364 {offsets = [1, 0], sizes = [1, 512], strides = [1, 1]} : vector<2x512xf32> to vector<1x512xf32>
    %le3A_370 = arith.cmpf ole, %slice3A_368, %slice3A_369 : vector<1x512xf32>
    %slice3A_371 = vector.extract_strided_slice %min3A_364 {offsets = [0, 0], sizes = [1, 512], strides = [1, 1]} : vector<2x512xf32> to vector<1x512xf32>
    %slice3A_372 = vector.extract_strided_slice %min3A_364 {offsets = [1, 0], sizes = [1, 512], strides = [1, 1]} : vector<2x512xf32> to vector<1x512xf32>
    %min3A_373 = arith.minimumf %slice3A_371, %slice3A_372 : vector<1x512xf32>
    %slice3A_374 = vector.extract_strided_slice %select_n3A_367 {offsets = [0, 0], sizes = [1, 512], strides = [1, 1]} : vector<2x512xi32> to vector<1x512xi32>
    %slice3A_375 = vector.extract_strided_slice %select_n3A_367 {offsets = [1, 0], sizes = [1, 512], strides = [1, 1]} : vector<2x512xi32> to vector<1x512xi32>
    %select_n3A_376 = arith.select %le3A_370, %slice3A_374, %slice3A_375 : vector<1x512xi1>, vector<1x512xi32>
    %eq3A_377 = vector.broadcast %select_n3A_376 : vector<1x512xi32> to vector<128x512xi32>
    %eq3A_378 = arith.cmpi eq, %select_n3A_310, %eq3A_377 : vector<128x512xi32>
    %select_n3A_379 = arith.select %eq3A_378, %select_n3A_313, %select_n3A_309 : vector<128x512xi1>, vector<128x512xf32>
    %select_n3A_380 = arith.select %eq3A_378, %select_n3A_35, %select_n3A_310 : vector<128x512xi1>, vector<128x512xi32>
    %jit3A_381 = arith.constant 0x7F800000 : f32
    %broadcast_in_dim3A_382 = vector.broadcast %jit3A_381 : f32 to vector<128x512xf32>
    %select_n3A_383 = arith.select %eq3A_378, %broadcast_in_dim3A_382, %select_n3A_313 : vector<128x512xi1>, vector<128x512xf32>
    %slice3A_384 = vector.extract_strided_slice %select_n3A_379 {offsets = [0, 0], sizes = [64, 512], strides = [1, 1]} : vector<128x512xf32> to vector<64x512xf32>
    %slice3A_385 = vector.extract_strided_slice %select_n3A_379 {offsets = [64, 0], sizes = [64, 512], strides = [1, 1]} : vector<128x512xf32> to vector<64x512xf32>
    %le3A_386 = arith.cmpf ole, %slice3A_384, %slice3A_385 : vector<64x512xf32>
    %slice3A_387 = vector.extract_strided_slice %select_n3A_379 {offsets = [0, 0], sizes = [64, 512], strides = [1, 1]} : vector<128x512xf32> to vector<64x512xf32>
    %slice3A_388 = vector.extract_strided_slice %select_n3A_379 {offsets = [64, 0], sizes = [64, 512], strides = [1, 1]} : vector<128x512xf32> to vector<64x512xf32>
    %min3A_389 = arith.minimumf %slice3A_387, %slice3A_388 : vector<64x512xf32>
    %slice3A_390 = vector.extract_strided_slice %select_n3A_380 {offsets = [0, 0], sizes = [64, 512], strides = [1, 1]} : vector<128x512xi32> to vector<64x512xi32>
    %slice3A_391 = vector.extract_strided_slice %select_n3A_380 {offsets = [64, 0], sizes = [64, 512], strides = [1, 1]} : vector<128x512xi32> to vector<64x512xi32>
    %select_n3A_392 = arith.select %le3A_386, %slice3A_390, %slice3A_391 : vector<64x512xi1>, vector<64x512xi32>
    %slice3A_393 = vector.extract_strided_slice %min3A_389 {offsets = [0, 0], sizes = [32, 512], strides = [1, 1]} : vector<64x512xf32> to vector<32x512xf32>
    %slice3A_394 = vector.extract_strided_slice %min3A_389 {offsets = [32, 0], sizes = [32, 512], strides = [1, 1]} : vector<64x512xf32> to vector<32x512xf32>
    %le3A_395 = arith.cmpf ole, %slice3A_393, %slice3A_394 : vector<32x512xf32>
    %slice3A_396 = vector.extract_strided_slice %min3A_389 {offsets = [0, 0], sizes = [32, 512], strides = [1, 1]} : vector<64x512xf32> to vector<32x512xf32>
    %slice3A_397 = vector.extract_strided_slice %min3A_389 {offsets = [32, 0], sizes = [32, 512], strides = [1, 1]} : vector<64x512xf32> to vector<32x512xf32>
    %min3A_398 = arith.minimumf %slice3A_396, %slice3A_397 : vector<32x512xf32>
    %slice3A_399 = vector.extract_strided_slice %select_n3A_392 {offsets = [0, 0], sizes = [32, 512], strides = [1, 1]} : vector<64x512xi32> to vector<32x512xi32>
    %slice3A_400 = vector.extract_strided_slice %select_n3A_392 {offsets = [32, 0], sizes = [32, 512], strides = [1, 1]} : vector<64x512xi32> to vector<32x512xi32>
    %select_n3A_401 = arith.select %le3A_395, %slice3A_399, %slice3A_400 : vector<32x512xi1>, vector<32x512xi32>
    %slice3A_402 = vector.extract_strided_slice %min3A_398 {offsets = [0, 0], sizes = [16, 512], strides = [1, 1]} : vector<32x512xf32> to vector<16x512xf32>
    %slice3A_403 = vector.extract_strided_slice %min3A_398 {offsets = [16, 0], sizes = [16, 512], strides = [1, 1]} : vector<32x512xf32> to vector<16x512xf32>
    %le3A_404 = arith.cmpf ole, %slice3A_402, %slice3A_403 : vector<16x512xf32>
    %slice3A_405 = vector.extract_strided_slice %min3A_398 {offsets = [0, 0], sizes = [16, 512], strides = [1, 1]} : vector<32x512xf32> to vector<16x512xf32>
    %slice3A_406 = vector.extract_strided_slice %min3A_398 {offsets = [16, 0], sizes = [16, 512], strides = [1, 1]} : vector<32x512xf32> to vector<16x512xf32>
    %min3A_407 = arith.minimumf %slice3A_405, %slice3A_406 : vector<16x512xf32>
    %slice3A_408 = vector.extract_strided_slice %select_n3A_401 {offsets = [0, 0], sizes = [16, 512], strides = [1, 1]} : vector<32x512xi32> to vector<16x512xi32>
    %slice3A_409 = vector.extract_strided_slice %select_n3A_401 {offsets = [16, 0], sizes = [16, 512], strides = [1, 1]} : vector<32x512xi32> to vector<16x512xi32>
    %select_n3A_410 = arith.select %le3A_404, %slice3A_408, %slice3A_409 : vector<16x512xi1>, vector<16x512xi32>
    %slice3A_411 = vector.extract_strided_slice %min3A_407 {offsets = [0, 0], sizes = [8, 512], strides = [1, 1]} : vector<16x512xf32> to vector<8x512xf32>
    %slice3A_412 = vector.extract_strided_slice %min3A_407 {offsets = [8, 0], sizes = [8, 512], strides = [1, 1]} : vector<16x512xf32> to vector<8x512xf32>
    %le3A_413 = arith.cmpf ole, %slice3A_411, %slice3A_412 : vector<8x512xf32>
    %slice3A_414 = vector.extract_strided_slice %min3A_407 {offsets = [0, 0], sizes = [8, 512], strides = [1, 1]} : vector<16x512xf32> to vector<8x512xf32>
    %slice3A_415 = vector.extract_strided_slice %min3A_407 {offsets = [8, 0], sizes = [8, 512], strides = [1, 1]} : vector<16x512xf32> to vector<8x512xf32>
    %min3A_416 = arith.minimumf %slice3A_414, %slice3A_415 : vector<8x512xf32>
    %slice3A_417 = vector.extract_strided_slice %select_n3A_410 {offsets = [0, 0], sizes = [8, 512], strides = [1, 1]} : vector<16x512xi32> to vector<8x512xi32>
    %slice3A_418 = vector.extract_strided_slice %select_n3A_410 {offsets = [8, 0], sizes = [8, 512], strides = [1, 1]} : vector<16x512xi32> to vector<8x512xi32>
    %select_n3A_419 = arith.select %le3A_413, %slice3A_417, %slice3A_418 : vector<8x512xi1>, vector<8x512xi32>
    %slice3A_420 = vector.extract_strided_slice %min3A_416 {offsets = [0, 0], sizes = [4, 512], strides = [1, 1]} : vector<8x512xf32> to vector<4x512xf32>
    %slice3A_421 = vector.extract_strided_slice %min3A_416 {offsets = [4, 0], sizes = [4, 512], strides = [1, 1]} : vector<8x512xf32> to vector<4x512xf32>
    %le3A_422 = arith.cmpf ole, %slice3A_420, %slice3A_421 : vector<4x512xf32>
    %slice3A_423 = vector.extract_strided_slice %min3A_416 {offsets = [0, 0], sizes = [4, 512], strides = [1, 1]} : vector<8x512xf32> to vector<4x512xf32>
    %slice3A_424 = vector.extract_strided_slice %min3A_416 {offsets = [4, 0], sizes = [4, 512], strides = [1, 1]} : vector<8x512xf32> to vector<4x512xf32>
    %min3A_425 = arith.minimumf %slice3A_423, %slice3A_424 : vector<4x512xf32>
    %slice3A_426 = vector.extract_strided_slice %select_n3A_419 {offsets = [0, 0], sizes = [4, 512], strides = [1, 1]} : vector<8x512xi32> to vector<4x512xi32>
    %slice3A_427 = vector.extract_strided_slice %select_n3A_419 {offsets = [4, 0], sizes = [4, 512], strides = [1, 1]} : vector<8x512xi32> to vector<4x512xi32>
    %select_n3A_428 = arith.select %le3A_422, %slice3A_426, %slice3A_427 : vector<4x512xi1>, vector<4x512xi32>
    %slice3A_429 = vector.extract_strided_slice %min3A_425 {offsets = [0, 0], sizes = [2, 512], strides = [1, 1]} : vector<4x512xf32> to vector<2x512xf32>
    %slice3A_430 = vector.extract_strided_slice %min3A_425 {offsets = [2, 0], sizes = [2, 512], strides = [1, 1]} : vector<4x512xf32> to vector<2x512xf32>
    %le3A_431 = arith.cmpf ole, %slice3A_429, %slice3A_430 : vector<2x512xf32>
    %slice3A_432 = vector.extract_strided_slice %min3A_425 {offsets = [0, 0], sizes = [2, 512], strides = [1, 1]} : vector<4x512xf32> to vector<2x512xf32>
    %slice3A_433 = vector.extract_strided_slice %min3A_425 {offsets = [2, 0], sizes = [2, 512], strides = [1, 1]} : vector<4x512xf32> to vector<2x512xf32>
    %min3A_434 = arith.minimumf %slice3A_432, %slice3A_433 : vector<2x512xf32>
    %slice3A_435 = vector.extract_strided_slice %select_n3A_428 {offsets = [0, 0], sizes = [2, 512], strides = [1, 1]} : vector<4x512xi32> to vector<2x512xi32>
    %slice3A_436 = vector.extract_strided_slice %select_n3A_428 {offsets = [2, 0], sizes = [2, 512], strides = [1, 1]} : vector<4x512xi32> to vector<2x512xi32>
    %select_n3A_437 = arith.select %le3A_431, %slice3A_435, %slice3A_436 : vector<2x512xi1>, vector<2x512xi32>
    %slice3A_438 = vector.extract_strided_slice %min3A_434 {offsets = [0, 0], sizes = [1, 512], strides = [1, 1]} : vector<2x512xf32> to vector<1x512xf32>
    %slice3A_439 = vector.extract_strided_slice %min3A_434 {offsets = [1, 0], sizes = [1, 512], strides = [1, 1]} : vector<2x512xf32> to vector<1x512xf32>
    %le3A_440 = arith.cmpf ole, %slice3A_438, %slice3A_439 : vector<1x512xf32>
    %slice3A_441 = vector.extract_strided_slice %min3A_434 {offsets = [0, 0], sizes = [1, 512], strides = [1, 1]} : vector<2x512xf32> to vector<1x512xf32>
    %slice3A_442 = vector.extract_strided_slice %min3A_434 {offsets = [1, 0], sizes = [1, 512], strides = [1, 1]} : vector<2x512xf32> to vector<1x512xf32>
    %min3A_443 = arith.minimumf %slice3A_441, %slice3A_442 : vector<1x512xf32>
    %slice3A_444 = vector.extract_strided_slice %select_n3A_437 {offsets = [0, 0], sizes = [1, 512], strides = [1, 1]} : vector<2x512xi32> to vector<1x512xi32>
    %slice3A_445 = vector.extract_strided_slice %select_n3A_437 {offsets = [1, 0], sizes = [1, 512], strides = [1, 1]} : vector<2x512xi32> to vector<1x512xi32>
    %select_n3A_446 = arith.select %le3A_440, %slice3A_444, %slice3A_445 : vector<1x512xi1>, vector<1x512xi32>
    %eq3A_447 = vector.broadcast %select_n3A_446 : vector<1x512xi32> to vector<128x512xi32>
    %eq3A_448 = arith.cmpi eq, %select_n3A_380, %eq3A_447 : vector<128x512xi32>
    %select_n3A_449 = arith.select %eq3A_448, %select_n3A_383, %select_n3A_379 : vector<128x512xi1>, vector<128x512xf32>
    %select_n3A_450 = arith.select %eq3A_448, %select_n3A_35, %select_n3A_380 : vector<128x512xi1>, vector<128x512xi32>
    %jit3A_451 = arith.constant 0x7F800000 : f32
    %broadcast_in_dim3A_452 = vector.broadcast %jit3A_451 : f32 to vector<128x512xf32>
    %select_n3A_453 = arith.select %eq3A_448, %broadcast_in_dim3A_452, %select_n3A_383 : vector<128x512xi1>, vector<128x512xf32>
    %slice3A_454 = vector.extract_strided_slice %select_n3A_449 {offsets = [0, 0], sizes = [64, 512], strides = [1, 1]} : vector<128x512xf32> to vector<64x512xf32>
    %slice3A_455 = vector.extract_strided_slice %select_n3A_449 {offsets = [64, 0], sizes = [64, 512], strides = [1, 1]} : vector<128x512xf32> to vector<64x512xf32>
    %le3A_456 = arith.cmpf ole, %slice3A_454, %slice3A_455 : vector<64x512xf32>
    %slice3A_457 = vector.extract_strided_slice %select_n3A_449 {offsets = [0, 0], sizes = [64, 512], strides = [1, 1]} : vector<128x512xf32> to vector<64x512xf32>
    %slice3A_458 = vector.extract_strided_slice %select_n3A_449 {offsets = [64, 0], sizes = [64, 512], strides = [1, 1]} : vector<128x512xf32> to vector<64x512xf32>
    %min3A_459 = arith.minimumf %slice3A_457, %slice3A_458 : vector<64x512xf32>
    %slice3A_460 = vector.extract_strided_slice %select_n3A_450 {offsets = [0, 0], sizes = [64, 512], strides = [1, 1]} : vector<128x512xi32> to vector<64x512xi32>
    %slice3A_461 = vector.extract_strided_slice %select_n3A_450 {offsets = [64, 0], sizes = [64, 512], strides = [1, 1]} : vector<128x512xi32> to vector<64x512xi32>
    %select_n3A_462 = arith.select %le3A_456, %slice3A_460, %slice3A_461 : vector<64x512xi1>, vector<64x512xi32>
    %slice3A_463 = vector.extract_strided_slice %min3A_459 {offsets = [0, 0], sizes = [32, 512], strides = [1, 1]} : vector<64x512xf32> to vector<32x512xf32>
    %slice3A_464 = vector.extract_strided_slice %min3A_459 {offsets = [32, 0], sizes = [32, 512], strides = [1, 1]} : vector<64x512xf32> to vector<32x512xf32>
    %le3A_465 = arith.cmpf ole, %slice3A_463, %slice3A_464 : vector<32x512xf32>
    %slice3A_466 = vector.extract_strided_slice %min3A_459 {offsets = [0, 0], sizes = [32, 512], strides = [1, 1]} : vector<64x512xf32> to vector<32x512xf32>
    %slice3A_467 = vector.extract_strided_slice %min3A_459 {offsets = [32, 0], sizes = [32, 512], strides = [1, 1]} : vector<64x512xf32> to vector<32x512xf32>
    %min3A_468 = arith.minimumf %slice3A_466, %slice3A_467 : vector<32x512xf32>
    %slice3A_469 = vector.extract_strided_slice %select_n3A_462 {offsets = [0, 0], sizes = [32, 512], strides = [1, 1]} : vector<64x512xi32> to vector<32x512xi32>
    %slice3A_470 = vector.extract_strided_slice %select_n3A_462 {offsets = [32, 0], sizes = [32, 512], strides = [1, 1]} : vector<64x512xi32> to vector<32x512xi32>
    %select_n3A_471 = arith.select %le3A_465, %slice3A_469, %slice3A_470 : vector<32x512xi1>, vector<32x512xi32>
    %slice3A_472 = vector.extract_strided_slice %min3A_468 {offsets = [0, 0], sizes = [16, 512], strides = [1, 1]} : vector<32x512xf32> to vector<16x512xf32>
    %slice3A_473 = vector.extract_strided_slice %min3A_468 {offsets = [16, 0], sizes = [16, 512], strides = [1, 1]} : vector<32x512xf32> to vector<16x512xf32>
    %le3A_474 = arith.cmpf ole, %slice3A_472, %slice3A_473 : vector<16x512xf32>
    %slice3A_475 = vector.extract_strided_slice %min3A_468 {offsets = [0, 0], sizes = [16, 512], strides = [1, 1]} : vector<32x512xf32> to vector<16x512xf32>
    %slice3A_476 = vector.extract_strided_slice %min3A_468 {offsets = [16, 0], sizes = [16, 512], strides = [1, 1]} : vector<32x512xf32> to vector<16x512xf32>
    %min3A_477 = arith.minimumf %slice3A_475, %slice3A_476 : vector<16x512xf32>
    %slice3A_478 = vector.extract_strided_slice %select_n3A_471 {offsets = [0, 0], sizes = [16, 512], strides = [1, 1]} : vector<32x512xi32> to vector<16x512xi32>
    %slice3A_479 = vector.extract_strided_slice %select_n3A_471 {offsets = [16, 0], sizes = [16, 512], strides = [1, 1]} : vector<32x512xi32> to vector<16x512xi32>
    %select_n3A_480 = arith.select %le3A_474, %slice3A_478, %slice3A_479 : vector<16x512xi1>, vector<16x512xi32>
    %slice3A_481 = vector.extract_strided_slice %min3A_477 {offsets = [0, 0], sizes = [8, 512], strides = [1, 1]} : vector<16x512xf32> to vector<8x512xf32>
    %slice3A_482 = vector.extract_strided_slice %min3A_477 {offsets = [8, 0], sizes = [8, 512], strides = [1, 1]} : vector<16x512xf32> to vector<8x512xf32>
    %le3A_483 = arith.cmpf ole, %slice3A_481, %slice3A_482 : vector<8x512xf32>
    %slice3A_484 = vector.extract_strided_slice %min3A_477 {offsets = [0, 0], sizes = [8, 512], strides = [1, 1]} : vector<16x512xf32> to vector<8x512xf32>
    %slice3A_485 = vector.extract_strided_slice %min3A_477 {offsets = [8, 0], sizes = [8, 512], strides = [1, 1]} : vector<16x512xf32> to vector<8x512xf32>
    %min3A_486 = arith.minimumf %slice3A_484, %slice3A_485 : vector<8x512xf32>
    %slice3A_487 = vector.extract_strided_slice %select_n3A_480 {offsets = [0, 0], sizes = [8, 512], strides = [1, 1]} : vector<16x512xi32> to vector<8x512xi32>
    %slice3A_488 = vector.extract_strided_slice %select_n3A_480 {offsets = [8, 0], sizes = [8, 512], strides = [1, 1]} : vector<16x512xi32> to vector<8x512xi32>
    %select_n3A_489 = arith.select %le3A_483, %slice3A_487, %slice3A_488 : vector<8x512xi1>, vector<8x512xi32>
    %slice3A_490 = vector.extract_strided_slice %min3A_486 {offsets = [0, 0], sizes = [4, 512], strides = [1, 1]} : vector<8x512xf32> to vector<4x512xf32>
    %slice3A_491 = vector.extract_strided_slice %min3A_486 {offsets = [4, 0], sizes = [4, 512], strides = [1, 1]} : vector<8x512xf32> to vector<4x512xf32>
    %le3A_492 = arith.cmpf ole, %slice3A_490, %slice3A_491 : vector<4x512xf32>
    %slice3A_493 = vector.extract_strided_slice %min3A_486 {offsets = [0, 0], sizes = [4, 512], strides = [1, 1]} : vector<8x512xf32> to vector<4x512xf32>
    %slice3A_494 = vector.extract_strided_slice %min3A_486 {offsets = [4, 0], sizes = [4, 512], strides = [1, 1]} : vector<8x512xf32> to vector<4x512xf32>
    %min3A_495 = arith.minimumf %slice3A_493, %slice3A_494 : vector<4x512xf32>
    %slice3A_496 = vector.extract_strided_slice %select_n3A_489 {offsets = [0, 0], sizes = [4, 512], strides = [1, 1]} : vector<8x512xi32> to vector<4x512xi32>
    %slice3A_497 = vector.extract_strided_slice %select_n3A_489 {offsets = [4, 0], sizes = [4, 512], strides = [1, 1]} : vector<8x512xi32> to vector<4x512xi32>
    %select_n3A_498 = arith.select %le3A_492, %slice3A_496, %slice3A_497 : vector<4x512xi1>, vector<4x512xi32>
    %slice3A_499 = vector.extract_strided_slice %min3A_495 {offsets = [0, 0], sizes = [2, 512], strides = [1, 1]} : vector<4x512xf32> to vector<2x512xf32>
    %slice3A_500 = vector.extract_strided_slice %min3A_495 {offsets = [2, 0], sizes = [2, 512], strides = [1, 1]} : vector<4x512xf32> to vector<2x512xf32>
    %le3A_501 = arith.cmpf ole, %slice3A_499, %slice3A_500 : vector<2x512xf32>
    %slice3A_502 = vector.extract_strided_slice %min3A_495 {offsets = [0, 0], sizes = [2, 512], strides = [1, 1]} : vector<4x512xf32> to vector<2x512xf32>
    %slice3A_503 = vector.extract_strided_slice %min3A_495 {offsets = [2, 0], sizes = [2, 512], strides = [1, 1]} : vector<4x512xf32> to vector<2x512xf32>
    %min3A_504 = arith.minimumf %slice3A_502, %slice3A_503 : vector<2x512xf32>
    %slice3A_505 = vector.extract_strided_slice %select_n3A_498 {offsets = [0, 0], sizes = [2, 512], strides = [1, 1]} : vector<4x512xi32> to vector<2x512xi32>
    %slice3A_506 = vector.extract_strided_slice %select_n3A_498 {offsets = [2, 0], sizes = [2, 512], strides = [1, 1]} : vector<4x512xi32> to vector<2x512xi32>
    %select_n3A_507 = arith.select %le3A_501, %slice3A_505, %slice3A_506 : vector<2x512xi1>, vector<2x512xi32>
    %slice3A_508 = vector.extract_strided_slice %min3A_504 {offsets = [0, 0], sizes = [1, 512], strides = [1, 1]} : vector<2x512xf32> to vector<1x512xf32>
    %slice3A_509 = vector.extract_strided_slice %min3A_504 {offsets = [1, 0], sizes = [1, 512], strides = [1, 1]} : vector<2x512xf32> to vector<1x512xf32>
    %le3A_510 = arith.cmpf ole, %slice3A_508, %slice3A_509 : vector<1x512xf32>
    %slice3A_511 = vector.extract_strided_slice %min3A_504 {offsets = [0, 0], sizes = [1, 512], strides = [1, 1]} : vector<2x512xf32> to vector<1x512xf32>
    %slice3A_512 = vector.extract_strided_slice %min3A_504 {offsets = [1, 0], sizes = [1, 512], strides = [1, 1]} : vector<2x512xf32> to vector<1x512xf32>
    %min3A_513 = arith.minimumf %slice3A_511, %slice3A_512 : vector<1x512xf32>
    %slice3A_514 = vector.extract_strided_slice %select_n3A_507 {offsets = [0, 0], sizes = [1, 512], strides = [1, 1]} : vector<2x512xi32> to vector<1x512xi32>
    %slice3A_515 = vector.extract_strided_slice %select_n3A_507 {offsets = [1, 0], sizes = [1, 512], strides = [1, 1]} : vector<2x512xi32> to vector<1x512xi32>
    %select_n3A_516 = arith.select %le3A_510, %slice3A_514, %slice3A_515 : vector<1x512xi1>, vector<1x512xi32>
    %eq3A_517 = vector.broadcast %select_n3A_516 : vector<1x512xi32> to vector<128x512xi32>
    %eq3A_518 = arith.cmpi eq, %select_n3A_450, %eq3A_517 : vector<128x512xi32>
    %select_n3A_519 = arith.select %eq3A_518, %select_n3A_453, %select_n3A_449 : vector<128x512xi1>, vector<128x512xf32>
    %select_n3A_520 = arith.select %eq3A_518, %select_n3A_35, %select_n3A_450 : vector<128x512xi1>, vector<128x512xi32>
    %slice3A_521 = vector.extract_strided_slice %select_n3A_519 {offsets = [0, 0], sizes = [64, 512], strides = [1, 1]} : vector<128x512xf32> to vector<64x512xf32>
    %slice3A_522 = vector.extract_strided_slice %select_n3A_519 {offsets = [64, 0], sizes = [64, 512], strides = [1, 1]} : vector<128x512xf32> to vector<64x512xf32>
    %le3A_523 = arith.cmpf ole, %slice3A_521, %slice3A_522 : vector<64x512xf32>
    %slice3A_524 = vector.extract_strided_slice %select_n3A_519 {offsets = [0, 0], sizes = [64, 512], strides = [1, 1]} : vector<128x512xf32> to vector<64x512xf32>
    %slice3A_525 = vector.extract_strided_slice %select_n3A_519 {offsets = [64, 0], sizes = [64, 512], strides = [1, 1]} : vector<128x512xf32> to vector<64x512xf32>
    %min3A_526 = arith.minimumf %slice3A_524, %slice3A_525 : vector<64x512xf32>
    %slice3A_527 = vector.extract_strided_slice %select_n3A_520 {offsets = [0, 0], sizes = [64, 512], strides = [1, 1]} : vector<128x512xi32> to vector<64x512xi32>
    %slice3A_528 = vector.extract_strided_slice %select_n3A_520 {offsets = [64, 0], sizes = [64, 512], strides = [1, 1]} : vector<128x512xi32> to vector<64x512xi32>
    %select_n3A_529 = arith.select %le3A_523, %slice3A_527, %slice3A_528 : vector<64x512xi1>, vector<64x512xi32>
    %slice3A_530 = vector.extract_strided_slice %min3A_526 {offsets = [0, 0], sizes = [32, 512], strides = [1, 1]} : vector<64x512xf32> to vector<32x512xf32>
    %slice3A_531 = vector.extract_strided_slice %min3A_526 {offsets = [32, 0], sizes = [32, 512], strides = [1, 1]} : vector<64x512xf32> to vector<32x512xf32>
    %le3A_532 = arith.cmpf ole, %slice3A_530, %slice3A_531 : vector<32x512xf32>
    %slice3A_533 = vector.extract_strided_slice %min3A_526 {offsets = [0, 0], sizes = [32, 512], strides = [1, 1]} : vector<64x512xf32> to vector<32x512xf32>
    %slice3A_534 = vector.extract_strided_slice %min3A_526 {offsets = [32, 0], sizes = [32, 512], strides = [1, 1]} : vector<64x512xf32> to vector<32x512xf32>
    %min3A_535 = arith.minimumf %slice3A_533, %slice3A_534 : vector<32x512xf32>
    %slice3A_536 = vector.extract_strided_slice %select_n3A_529 {offsets = [0, 0], sizes = [32, 512], strides = [1, 1]} : vector<64x512xi32> to vector<32x512xi32>
    %slice3A_537 = vector.extract_strided_slice %select_n3A_529 {offsets = [32, 0], sizes = [32, 512], strides = [1, 1]} : vector<64x512xi32> to vector<32x512xi32>
    %select_n3A_538 = arith.select %le3A_532, %slice3A_536, %slice3A_537 : vector<32x512xi1>, vector<32x512xi32>
    %slice3A_539 = vector.extract_strided_slice %min3A_535 {offsets = [0, 0], sizes = [16, 512], strides = [1, 1]} : vector<32x512xf32> to vector<16x512xf32>
    %slice3A_540 = vector.extract_strided_slice %min3A_535 {offsets = [16, 0], sizes = [16, 512], strides = [1, 1]} : vector<32x512xf32> to vector<16x512xf32>
    %le3A_541 = arith.cmpf ole, %slice3A_539, %slice3A_540 : vector<16x512xf32>
    %slice3A_542 = vector.extract_strided_slice %min3A_535 {offsets = [0, 0], sizes = [16, 512], strides = [1, 1]} : vector<32x512xf32> to vector<16x512xf32>
    %slice3A_543 = vector.extract_strided_slice %min3A_535 {offsets = [16, 0], sizes = [16, 512], strides = [1, 1]} : vector<32x512xf32> to vector<16x512xf32>
    %min3A_544 = arith.minimumf %slice3A_542, %slice3A_543 : vector<16x512xf32>
    %slice3A_545 = vector.extract_strided_slice %select_n3A_538 {offsets = [0, 0], sizes = [16, 512], strides = [1, 1]} : vector<32x512xi32> to vector<16x512xi32>
    %slice3A_546 = vector.extract_strided_slice %select_n3A_538 {offsets = [16, 0], sizes = [16, 512], strides = [1, 1]} : vector<32x512xi32> to vector<16x512xi32>
    %select_n3A_547 = arith.select %le3A_541, %slice3A_545, %slice3A_546 : vector<16x512xi1>, vector<16x512xi32>
    %slice3A_548 = vector.extract_strided_slice %min3A_544 {offsets = [0, 0], sizes = [8, 512], strides = [1, 1]} : vector<16x512xf32> to vector<8x512xf32>
    %slice3A_549 = vector.extract_strided_slice %min3A_544 {offsets = [8, 0], sizes = [8, 512], strides = [1, 1]} : vector<16x512xf32> to vector<8x512xf32>
    %le3A_550 = arith.cmpf ole, %slice3A_548, %slice3A_549 : vector<8x512xf32>
    %slice3A_551 = vector.extract_strided_slice %min3A_544 {offsets = [0, 0], sizes = [8, 512], strides = [1, 1]} : vector<16x512xf32> to vector<8x512xf32>
    %slice3A_552 = vector.extract_strided_slice %min3A_544 {offsets = [8, 0], sizes = [8, 512], strides = [1, 1]} : vector<16x512xf32> to vector<8x512xf32>
    %min3A_553 = arith.minimumf %slice3A_551, %slice3A_552 : vector<8x512xf32>
    %slice3A_554 = vector.extract_strided_slice %select_n3A_547 {offsets = [0, 0], sizes = [8, 512], strides = [1, 1]} : vector<16x512xi32> to vector<8x512xi32>
    %slice3A_555 = vector.extract_strided_slice %select_n3A_547 {offsets = [8, 0], sizes = [8, 512], strides = [1, 1]} : vector<16x512xi32> to vector<8x512xi32>
    %select_n3A_556 = arith.select %le3A_550, %slice3A_554, %slice3A_555 : vector<8x512xi1>, vector<8x512xi32>
    %slice3A_557 = vector.extract_strided_slice %min3A_553 {offsets = [0, 0], sizes = [4, 512], strides = [1, 1]} : vector<8x512xf32> to vector<4x512xf32>
    %slice3A_558 = vector.extract_strided_slice %min3A_553 {offsets = [4, 0], sizes = [4, 512], strides = [1, 1]} : vector<8x512xf32> to vector<4x512xf32>
    %le3A_559 = arith.cmpf ole, %slice3A_557, %slice3A_558 : vector<4x512xf32>
    %slice3A_560 = vector.extract_strided_slice %min3A_553 {offsets = [0, 0], sizes = [4, 512], strides = [1, 1]} : vector<8x512xf32> to vector<4x512xf32>
    %slice3A_561 = vector.extract_strided_slice %min3A_553 {offsets = [4, 0], sizes = [4, 512], strides = [1, 1]} : vector<8x512xf32> to vector<4x512xf32>
    %min3A_562 = arith.minimumf %slice3A_560, %slice3A_561 : vector<4x512xf32>
    %slice3A_563 = vector.extract_strided_slice %select_n3A_556 {offsets = [0, 0], sizes = [4, 512], strides = [1, 1]} : vector<8x512xi32> to vector<4x512xi32>
    %slice3A_564 = vector.extract_strided_slice %select_n3A_556 {offsets = [4, 0], sizes = [4, 512], strides = [1, 1]} : vector<8x512xi32> to vector<4x512xi32>
    %select_n3A_565 = arith.select %le3A_559, %slice3A_563, %slice3A_564 : vector<4x512xi1>, vector<4x512xi32>
    %slice3A_566 = vector.extract_strided_slice %min3A_562 {offsets = [0, 0], sizes = [2, 512], strides = [1, 1]} : vector<4x512xf32> to vector<2x512xf32>
    %slice3A_567 = vector.extract_strided_slice %min3A_562 {offsets = [2, 0], sizes = [2, 512], strides = [1, 1]} : vector<4x512xf32> to vector<2x512xf32>
    %le3A_568 = arith.cmpf ole, %slice3A_566, %slice3A_567 : vector<2x512xf32>
    %slice3A_569 = vector.extract_strided_slice %min3A_562 {offsets = [0, 0], sizes = [2, 512], strides = [1, 1]} : vector<4x512xf32> to vector<2x512xf32>
    %slice3A_570 = vector.extract_strided_slice %min3A_562 {offsets = [2, 0], sizes = [2, 512], strides = [1, 1]} : vector<4x512xf32> to vector<2x512xf32>
    %min3A_571 = arith.minimumf %slice3A_569, %slice3A_570 : vector<2x512xf32>
    %slice3A_572 = vector.extract_strided_slice %select_n3A_565 {offsets = [0, 0], sizes = [2, 512], strides = [1, 1]} : vector<4x512xi32> to vector<2x512xi32>
    %slice3A_573 = vector.extract_strided_slice %select_n3A_565 {offsets = [2, 0], sizes = [2, 512], strides = [1, 1]} : vector<4x512xi32> to vector<2x512xi32>
    %select_n3A_574 = arith.select %le3A_568, %slice3A_572, %slice3A_573 : vector<2x512xi1>, vector<2x512xi32>
    %slice3A_575 = vector.extract_strided_slice %min3A_571 {offsets = [0, 0], sizes = [1, 512], strides = [1, 1]} : vector<2x512xf32> to vector<1x512xf32>
    %slice3A_576 = vector.extract_strided_slice %min3A_571 {offsets = [1, 0], sizes = [1, 512], strides = [1, 1]} : vector<2x512xf32> to vector<1x512xf32>
    %le3A_577 = arith.cmpf ole, %slice3A_575, %slice3A_576 : vector<1x512xf32>
    %slice3A_578 = vector.extract_strided_slice %min3A_571 {offsets = [0, 0], sizes = [1, 512], strides = [1, 1]} : vector<2x512xf32> to vector<1x512xf32>
    %slice3A_579 = vector.extract_strided_slice %min3A_571 {offsets = [1, 0], sizes = [1, 512], strides = [1, 1]} : vector<2x512xf32> to vector<1x512xf32>
    %min3A_580 = arith.minimumf %slice3A_578, %slice3A_579 : vector<1x512xf32>
    %slice3A_581 = vector.extract_strided_slice %select_n3A_574 {offsets = [0, 0], sizes = [1, 512], strides = [1, 1]} : vector<2x512xi32> to vector<1x512xi32>
    %slice3A_582 = vector.extract_strided_slice %select_n3A_574 {offsets = [1, 0], sizes = [1, 512], strides = [1, 1]} : vector<2x512xi32> to vector<1x512xi32>
    %select_n3A_583 = arith.select %le3A_577, %slice3A_581, %slice3A_582 : vector<1x512xi1>, vector<1x512xi32>
    %concatenate3A = tpu.concatenate %min3A_95, %min3A_163, %min3A_233, %min3A_303, %min3A_373, %min3A_443, %min3A_513, %min3A_580 in 0 : vector<1x512xf32>, vector<1x512xf32>, vector<1x512xf32>, vector<1x512xf32>, vector<1x512xf32>, vector<1x512xf32>, vector<1x512xf32>, vector<1x512xf32> -> vector<8x512xf32>
    %concatenate3A_584 = tpu.concatenate %select_n3A_98, %select_n3A_166, %select_n3A_236, %select_n3A_306, %select_n3A_376, %select_n3A_446, %select_n3A_516, %select_n3A_583 in 0 : vector<1x512xi32>, vector<1x512xi32>, vector<1x512xi32>, vector<1x512xi32>, vector<1x512xi32>, vector<1x512xi32>, vector<1x512xi32>, vector<1x512xi32> -> vector<8x512xi32>
    %slice3A_585 = vector.extract_strided_slice %add3A_22 {offsets = [256, 0], sizes = [256, 512], strides = [1, 1]} : vector<512x512xf32> to vector<256x512xf32>
    %slice3A_586 = vector.extract_strided_slice %iota3A {offsets = [256, 0], sizes = [256, 512], strides = [1, 1]} : vector<512x512xi32> to vector<256x512xi32>
    %slice3A_587 = vector.extract_strided_slice %slice3A_585 {offsets = [0, 0], sizes = [128, 512], strides = [1, 1]} : vector<256x512xf32> to vector<128x512xf32>
    %slice3A_588 = vector.extract_strided_slice %slice3A_585 {offsets = [128, 0], sizes = [128, 512], strides = [1, 1]} : vector<256x512xf32> to vector<128x512xf32>
    %le3A_589 = arith.cmpf ole, %slice3A_587, %slice3A_588 : vector<128x512xf32>
    %slice3A_590 = vector.extract_strided_slice %slice3A_585 {offsets = [0, 0], sizes = [128, 512], strides = [1, 1]} : vector<256x512xf32> to vector<128x512xf32>
    %slice3A_591 = vector.extract_strided_slice %slice3A_585 {offsets = [128, 0], sizes = [128, 512], strides = [1, 1]} : vector<256x512xf32> to vector<128x512xf32>
    %min3A_592 = arith.minimumf %slice3A_590, %slice3A_591 : vector<128x512xf32>
    %slice3A_593 = vector.extract_strided_slice %slice3A_586 {offsets = [0, 0], sizes = [128, 512], strides = [1, 1]} : vector<256x512xi32> to vector<128x512xi32>
    %slice3A_594 = vector.extract_strided_slice %slice3A_586 {offsets = [128, 0], sizes = [128, 512], strides = [1, 1]} : vector<256x512xi32> to vector<128x512xi32>
    %select_n3A_595 = arith.select %le3A_589, %slice3A_593, %slice3A_594 : vector<128x512xi1>, vector<128x512xi32>
    %slice3A_596 = vector.extract_strided_slice %slice3A_585 {offsets = [0, 0], sizes = [128, 512], strides = [1, 1]} : vector<256x512xf32> to vector<128x512xf32>
    %slice3A_597 = vector.extract_strided_slice %slice3A_585 {offsets = [128, 0], sizes = [128, 512], strides = [1, 1]} : vector<256x512xf32> to vector<128x512xf32>
    %max3A_598 = arith.maximumf %slice3A_596, %slice3A_597 : vector<128x512xf32>
    %slice3A_599 = vector.extract_strided_slice %slice3A_586 {offsets = [128, 0], sizes = [128, 512], strides = [1, 1]} : vector<256x512xi32> to vector<128x512xi32>
    %slice3A_600 = vector.extract_strided_slice %slice3A_586 {offsets = [0, 0], sizes = [128, 512], strides = [1, 1]} : vector<256x512xi32> to vector<128x512xi32>
    %select_n3A_601 = arith.select %le3A_589, %slice3A_599, %slice3A_600 : vector<128x512xi1>, vector<128x512xi32>
    %slice3A_602 = vector.extract_strided_slice %min3A_592 {offsets = [0, 0], sizes = [64, 512], strides = [1, 1]} : vector<128x512xf32> to vector<64x512xf32>
    %slice3A_603 = vector.extract_strided_slice %min3A_592 {offsets = [64, 0], sizes = [64, 512], strides = [1, 1]} : vector<128x512xf32> to vector<64x512xf32>
    %le3A_604 = arith.cmpf ole, %slice3A_602, %slice3A_603 : vector<64x512xf32>
    %slice3A_605 = vector.extract_strided_slice %min3A_592 {offsets = [0, 0], sizes = [64, 512], strides = [1, 1]} : vector<128x512xf32> to vector<64x512xf32>
    %slice3A_606 = vector.extract_strided_slice %min3A_592 {offsets = [64, 0], sizes = [64, 512], strides = [1, 1]} : vector<128x512xf32> to vector<64x512xf32>
    %min3A_607 = arith.minimumf %slice3A_605, %slice3A_606 : vector<64x512xf32>
    %slice3A_608 = vector.extract_strided_slice %select_n3A_595 {offsets = [0, 0], sizes = [64, 512], strides = [1, 1]} : vector<128x512xi32> to vector<64x512xi32>
    %slice3A_609 = vector.extract_strided_slice %select_n3A_595 {offsets = [64, 0], sizes = [64, 512], strides = [1, 1]} : vector<128x512xi32> to vector<64x512xi32>
    %select_n3A_610 = arith.select %le3A_604, %slice3A_608, %slice3A_609 : vector<64x512xi1>, vector<64x512xi32>
    %slice3A_611 = vector.extract_strided_slice %min3A_607 {offsets = [0, 0], sizes = [32, 512], strides = [1, 1]} : vector<64x512xf32> to vector<32x512xf32>
    %slice3A_612 = vector.extract_strided_slice %min3A_607 {offsets = [32, 0], sizes = [32, 512], strides = [1, 1]} : vector<64x512xf32> to vector<32x512xf32>
    %le3A_613 = arith.cmpf ole, %slice3A_611, %slice3A_612 : vector<32x512xf32>
    %slice3A_614 = vector.extract_strided_slice %min3A_607 {offsets = [0, 0], sizes = [32, 512], strides = [1, 1]} : vector<64x512xf32> to vector<32x512xf32>
    %slice3A_615 = vector.extract_strided_slice %min3A_607 {offsets = [32, 0], sizes = [32, 512], strides = [1, 1]} : vector<64x512xf32> to vector<32x512xf32>
    %min3A_616 = arith.minimumf %slice3A_614, %slice3A_615 : vector<32x512xf32>
    %slice3A_617 = vector.extract_strided_slice %select_n3A_610 {offsets = [0, 0], sizes = [32, 512], strides = [1, 1]} : vector<64x512xi32> to vector<32x512xi32>
    %slice3A_618 = vector.extract_strided_slice %select_n3A_610 {offsets = [32, 0], sizes = [32, 512], strides = [1, 1]} : vector<64x512xi32> to vector<32x512xi32>
    %select_n3A_619 = arith.select %le3A_613, %slice3A_617, %slice3A_618 : vector<32x512xi1>, vector<32x512xi32>
    %slice3A_620 = vector.extract_strided_slice %min3A_616 {offsets = [0, 0], sizes = [16, 512], strides = [1, 1]} : vector<32x512xf32> to vector<16x512xf32>
    %slice3A_621 = vector.extract_strided_slice %min3A_616 {offsets = [16, 0], sizes = [16, 512], strides = [1, 1]} : vector<32x512xf32> to vector<16x512xf32>
    %le3A_622 = arith.cmpf ole, %slice3A_620, %slice3A_621 : vector<16x512xf32>
    %slice3A_623 = vector.extract_strided_slice %min3A_616 {offsets = [0, 0], sizes = [16, 512], strides = [1, 1]} : vector<32x512xf32> to vector<16x512xf32>
    %slice3A_624 = vector.extract_strided_slice %min3A_616 {offsets = [16, 0], sizes = [16, 512], strides = [1, 1]} : vector<32x512xf32> to vector<16x512xf32>
    %min3A_625 = arith.minimumf %slice3A_623, %slice3A_624 : vector<16x512xf32>
    %slice3A_626 = vector.extract_strided_slice %select_n3A_619 {offsets = [0, 0], sizes = [16, 512], strides = [1, 1]} : vector<32x512xi32> to vector<16x512xi32>
    %slice3A_627 = vector.extract_strided_slice %select_n3A_619 {offsets = [16, 0], sizes = [16, 512], strides = [1, 1]} : vector<32x512xi32> to vector<16x512xi32>
    %select_n3A_628 = arith.select %le3A_622, %slice3A_626, %slice3A_627 : vector<16x512xi1>, vector<16x512xi32>
    %slice3A_629 = vector.extract_strided_slice %min3A_625 {offsets = [0, 0], sizes = [8, 512], strides = [1, 1]} : vector<16x512xf32> to vector<8x512xf32>
    %slice3A_630 = vector.extract_strided_slice %min3A_625 {offsets = [8, 0], sizes = [8, 512], strides = [1, 1]} : vector<16x512xf32> to vector<8x512xf32>
    %le3A_631 = arith.cmpf ole, %slice3A_629, %slice3A_630 : vector<8x512xf32>
    %slice3A_632 = vector.extract_strided_slice %min3A_625 {offsets = [0, 0], sizes = [8, 512], strides = [1, 1]} : vector<16x512xf32> to vector<8x512xf32>
    %slice3A_633 = vector.extract_strided_slice %min3A_625 {offsets = [8, 0], sizes = [8, 512], strides = [1, 1]} : vector<16x512xf32> to vector<8x512xf32>
    %min3A_634 = arith.minimumf %slice3A_632, %slice3A_633 : vector<8x512xf32>
    %slice3A_635 = vector.extract_strided_slice %select_n3A_628 {offsets = [0, 0], sizes = [8, 512], strides = [1, 1]} : vector<16x512xi32> to vector<8x512xi32>
    %slice3A_636 = vector.extract_strided_slice %select_n3A_628 {offsets = [8, 0], sizes = [8, 512], strides = [1, 1]} : vector<16x512xi32> to vector<8x512xi32>
    %select_n3A_637 = arith.select %le3A_631, %slice3A_635, %slice3A_636 : vector<8x512xi1>, vector<8x512xi32>
    %slice3A_638 = vector.extract_strided_slice %min3A_634 {offsets = [0, 0], sizes = [4, 512], strides = [1, 1]} : vector<8x512xf32> to vector<4x512xf32>
    %slice3A_639 = vector.extract_strided_slice %min3A_634 {offsets = [4, 0], sizes = [4, 512], strides = [1, 1]} : vector<8x512xf32> to vector<4x512xf32>
    %le3A_640 = arith.cmpf ole, %slice3A_638, %slice3A_639 : vector<4x512xf32>
    %slice3A_641 = vector.extract_strided_slice %min3A_634 {offsets = [0, 0], sizes = [4, 512], strides = [1, 1]} : vector<8x512xf32> to vector<4x512xf32>
    %slice3A_642 = vector.extract_strided_slice %min3A_634 {offsets = [4, 0], sizes = [4, 512], strides = [1, 1]} : vector<8x512xf32> to vector<4x512xf32>
    %min3A_643 = arith.minimumf %slice3A_641, %slice3A_642 : vector<4x512xf32>
    %slice3A_644 = vector.extract_strided_slice %select_n3A_637 {offsets = [0, 0], sizes = [4, 512], strides = [1, 1]} : vector<8x512xi32> to vector<4x512xi32>
    %slice3A_645 = vector.extract_strided_slice %select_n3A_637 {offsets = [4, 0], sizes = [4, 512], strides = [1, 1]} : vector<8x512xi32> to vector<4x512xi32>
    %select_n3A_646 = arith.select %le3A_640, %slice3A_644, %slice3A_645 : vector<4x512xi1>, vector<4x512xi32>
    %slice3A_647 = vector.extract_strided_slice %min3A_643 {offsets = [0, 0], sizes = [2, 512], strides = [1, 1]} : vector<4x512xf32> to vector<2x512xf32>
    %slice3A_648 = vector.extract_strided_slice %min3A_643 {offsets = [2, 0], sizes = [2, 512], strides = [1, 1]} : vector<4x512xf32> to vector<2x512xf32>
    %le3A_649 = arith.cmpf ole, %slice3A_647, %slice3A_648 : vector<2x512xf32>
    %slice3A_650 = vector.extract_strided_slice %min3A_643 {offsets = [0, 0], sizes = [2, 512], strides = [1, 1]} : vector<4x512xf32> to vector<2x512xf32>
    %slice3A_651 = vector.extract_strided_slice %min3A_643 {offsets = [2, 0], sizes = [2, 512], strides = [1, 1]} : vector<4x512xf32> to vector<2x512xf32>
    %min3A_652 = arith.minimumf %slice3A_650, %slice3A_651 : vector<2x512xf32>
    %slice3A_653 = vector.extract_strided_slice %select_n3A_646 {offsets = [0, 0], sizes = [2, 512], strides = [1, 1]} : vector<4x512xi32> to vector<2x512xi32>
    %slice3A_654 = vector.extract_strided_slice %select_n3A_646 {offsets = [2, 0], sizes = [2, 512], strides = [1, 1]} : vector<4x512xi32> to vector<2x512xi32>
    %select_n3A_655 = arith.select %le3A_649, %slice3A_653, %slice3A_654 : vector<2x512xi1>, vector<2x512xi32>
    %slice3A_656 = vector.extract_strided_slice %min3A_652 {offsets = [0, 0], sizes = [1, 512], strides = [1, 1]} : vector<2x512xf32> to vector<1x512xf32>
    %slice3A_657 = vector.extract_strided_slice %min3A_652 {offsets = [1, 0], sizes = [1, 512], strides = [1, 1]} : vector<2x512xf32> to vector<1x512xf32>
    %le3A_658 = arith.cmpf ole, %slice3A_656, %slice3A_657 : vector<1x512xf32>
    %slice3A_659 = vector.extract_strided_slice %min3A_652 {offsets = [0, 0], sizes = [1, 512], strides = [1, 1]} : vector<2x512xf32> to vector<1x512xf32>
    %slice3A_660 = vector.extract_strided_slice %min3A_652 {offsets = [1, 0], sizes = [1, 512], strides = [1, 1]} : vector<2x512xf32> to vector<1x512xf32>
    %min3A_661 = arith.minimumf %slice3A_659, %slice3A_660 : vector<1x512xf32>
    %slice3A_662 = vector.extract_strided_slice %select_n3A_655 {offsets = [0, 0], sizes = [1, 512], strides = [1, 1]} : vector<2x512xi32> to vector<1x512xi32>
    %slice3A_663 = vector.extract_strided_slice %select_n3A_655 {offsets = [1, 0], sizes = [1, 512], strides = [1, 1]} : vector<2x512xi32> to vector<1x512xi32>
    %select_n3A_664 = arith.select %le3A_658, %slice3A_662, %slice3A_663 : vector<1x512xi1>, vector<1x512xi32>
    %eq3A_665 = vector.broadcast %select_n3A_664 : vector<1x512xi32> to vector<128x512xi32>
    %eq3A_666 = arith.cmpi eq, %select_n3A_595, %eq3A_665 : vector<128x512xi32>
    %select_n3A_667 = arith.select %eq3A_666, %max3A_598, %min3A_592 : vector<128x512xi1>, vector<128x512xf32>
    %select_n3A_668 = arith.select %eq3A_666, %select_n3A_601, %select_n3A_595 : vector<128x512xi1>, vector<128x512xi32>
    %jit3A_669 = arith.constant 0x7F800000 : f32
    %broadcast_in_dim3A_670 = vector.broadcast %jit3A_669 : f32 to vector<128x512xf32>
    %select_n3A_671 = arith.select %eq3A_666, %broadcast_in_dim3A_670, %max3A_598 : vector<128x512xi1>, vector<128x512xf32>
    %slice3A_672 = vector.extract_strided_slice %select_n3A_667 {offsets = [0, 0], sizes = [64, 512], strides = [1, 1]} : vector<128x512xf32> to vector<64x512xf32>
    %slice3A_673 = vector.extract_strided_slice %select_n3A_667 {offsets = [64, 0], sizes = [64, 512], strides = [1, 1]} : vector<128x512xf32> to vector<64x512xf32>
    %le3A_674 = arith.cmpf ole, %slice3A_672, %slice3A_673 : vector<64x512xf32>
    %slice3A_675 = vector.extract_strided_slice %select_n3A_667 {offsets = [0, 0], sizes = [64, 512], strides = [1, 1]} : vector<128x512xf32> to vector<64x512xf32>
    %slice3A_676 = vector.extract_strided_slice %select_n3A_667 {offsets = [64, 0], sizes = [64, 512], strides = [1, 1]} : vector<128x512xf32> to vector<64x512xf32>
    %min3A_677 = arith.minimumf %slice3A_675, %slice3A_676 : vector<64x512xf32>
    %slice3A_678 = vector.extract_strided_slice %select_n3A_668 {offsets = [0, 0], sizes = [64, 512], strides = [1, 1]} : vector<128x512xi32> to vector<64x512xi32>
    %slice3A_679 = vector.extract_strided_slice %select_n3A_668 {offsets = [64, 0], sizes = [64, 512], strides = [1, 1]} : vector<128x512xi32> to vector<64x512xi32>
    %select_n3A_680 = arith.select %le3A_674, %slice3A_678, %slice3A_679 : vector<64x512xi1>, vector<64x512xi32>
    %slice3A_681 = vector.extract_strided_slice %min3A_677 {offsets = [0, 0], sizes = [32, 512], strides = [1, 1]} : vector<64x512xf32> to vector<32x512xf32>
    %slice3A_682 = vector.extract_strided_slice %min3A_677 {offsets = [32, 0], sizes = [32, 512], strides = [1, 1]} : vector<64x512xf32> to vector<32x512xf32>
    %le3A_683 = arith.cmpf ole, %slice3A_681, %slice3A_682 : vector<32x512xf32>
    %slice3A_684 = vector.extract_strided_slice %min3A_677 {offsets = [0, 0], sizes = [32, 512], strides = [1, 1]} : vector<64x512xf32> to vector<32x512xf32>
    %slice3A_685 = vector.extract_strided_slice %min3A_677 {offsets = [32, 0], sizes = [32, 512], strides = [1, 1]} : vector<64x512xf32> to vector<32x512xf32>
    %min3A_686 = arith.minimumf %slice3A_684, %slice3A_685 : vector<32x512xf32>
    %slice3A_687 = vector.extract_strided_slice %select_n3A_680 {offsets = [0, 0], sizes = [32, 512], strides = [1, 1]} : vector<64x512xi32> to vector<32x512xi32>
    %slice3A_688 = vector.extract_strided_slice %select_n3A_680 {offsets = [32, 0], sizes = [32, 512], strides = [1, 1]} : vector<64x512xi32> to vector<32x512xi32>
    %select_n3A_689 = arith.select %le3A_683, %slice3A_687, %slice3A_688 : vector<32x512xi1>, vector<32x512xi32>
    %slice3A_690 = vector.extract_strided_slice %min3A_686 {offsets = [0, 0], sizes = [16, 512], strides = [1, 1]} : vector<32x512xf32> to vector<16x512xf32>
    %slice3A_691 = vector.extract_strided_slice %min3A_686 {offsets = [16, 0], sizes = [16, 512], strides = [1, 1]} : vector<32x512xf32> to vector<16x512xf32>
    %le3A_692 = arith.cmpf ole, %slice3A_690, %slice3A_691 : vector<16x512xf32>
    %slice3A_693 = vector.extract_strided_slice %min3A_686 {offsets = [0, 0], sizes = [16, 512], strides = [1, 1]} : vector<32x512xf32> to vector<16x512xf32>
    %slice3A_694 = vector.extract_strided_slice %min3A_686 {offsets = [16, 0], sizes = [16, 512], strides = [1, 1]} : vector<32x512xf32> to vector<16x512xf32>
    %min3A_695 = arith.minimumf %slice3A_693, %slice3A_694 : vector<16x512xf32>
    %slice3A_696 = vector.extract_strided_slice %select_n3A_689 {offsets = [0, 0], sizes = [16, 512], strides = [1, 1]} : vector<32x512xi32> to vector<16x512xi32>
    %slice3A_697 = vector.extract_strided_slice %select_n3A_689 {offsets = [16, 0], sizes = [16, 512], strides = [1, 1]} : vector<32x512xi32> to vector<16x512xi32>
    %select_n3A_698 = arith.select %le3A_692, %slice3A_696, %slice3A_697 : vector<16x512xi1>, vector<16x512xi32>
    %slice3A_699 = vector.extract_strided_slice %min3A_695 {offsets = [0, 0], sizes = [8, 512], strides = [1, 1]} : vector<16x512xf32> to vector<8x512xf32>
    %slice3A_700 = vector.extract_strided_slice %min3A_695 {offsets = [8, 0], sizes = [8, 512], strides = [1, 1]} : vector<16x512xf32> to vector<8x512xf32>
    %le3A_701 = arith.cmpf ole, %slice3A_699, %slice3A_700 : vector<8x512xf32>
    %slice3A_702 = vector.extract_strided_slice %min3A_695 {offsets = [0, 0], sizes = [8, 512], strides = [1, 1]} : vector<16x512xf32> to vector<8x512xf32>
    %slice3A_703 = vector.extract_strided_slice %min3A_695 {offsets = [8, 0], sizes = [8, 512], strides = [1, 1]} : vector<16x512xf32> to vector<8x512xf32>
    %min3A_704 = arith.minimumf %slice3A_702, %slice3A_703 : vector<8x512xf32>
    %slice3A_705 = vector.extract_strided_slice %select_n3A_698 {offsets = [0, 0], sizes = [8, 512], strides = [1, 1]} : vector<16x512xi32> to vector<8x512xi32>
    %slice3A_706 = vector.extract_strided_slice %select_n3A_698 {offsets = [8, 0], sizes = [8, 512], strides = [1, 1]} : vector<16x512xi32> to vector<8x512xi32>
    %select_n3A_707 = arith.select %le3A_701, %slice3A_705, %slice3A_706 : vector<8x512xi1>, vector<8x512xi32>
    %slice3A_708 = vector.extract_strided_slice %min3A_704 {offsets = [0, 0], sizes = [4, 512], strides = [1, 1]} : vector<8x512xf32> to vector<4x512xf32>
    %slice3A_709 = vector.extract_strided_slice %min3A_704 {offsets = [4, 0], sizes = [4, 512], strides = [1, 1]} : vector<8x512xf32> to vector<4x512xf32>
    %le3A_710 = arith.cmpf ole, %slice3A_708, %slice3A_709 : vector<4x512xf32>
    %slice3A_711 = vector.extract_strided_slice %min3A_704 {offsets = [0, 0], sizes = [4, 512], strides = [1, 1]} : vector<8x512xf32> to vector<4x512xf32>
    %slice3A_712 = vector.extract_strided_slice %min3A_704 {offsets = [4, 0], sizes = [4, 512], strides = [1, 1]} : vector<8x512xf32> to vector<4x512xf32>
    %min3A_713 = arith.minimumf %slice3A_711, %slice3A_712 : vector<4x512xf32>
    %slice3A_714 = vector.extract_strided_slice %select_n3A_707 {offsets = [0, 0], sizes = [4, 512], strides = [1, 1]} : vector<8x512xi32> to vector<4x512xi32>
    %slice3A_715 = vector.extract_strided_slice %select_n3A_707 {offsets = [4, 0], sizes = [4, 512], strides = [1, 1]} : vector<8x512xi32> to vector<4x512xi32>
    %select_n3A_716 = arith.select %le3A_710, %slice3A_714, %slice3A_715 : vector<4x512xi1>, vector<4x512xi32>
    %slice3A_717 = vector.extract_strided_slice %min3A_713 {offsets = [0, 0], sizes = [2, 512], strides = [1, 1]} : vector<4x512xf32> to vector<2x512xf32>
    %slice3A_718 = vector.extract_strided_slice %min3A_713 {offsets = [2, 0], sizes = [2, 512], strides = [1, 1]} : vector<4x512xf32> to vector<2x512xf32>
    %le3A_719 = arith.cmpf ole, %slice3A_717, %slice3A_718 : vector<2x512xf32>
    %slice3A_720 = vector.extract_strided_slice %min3A_713 {offsets = [0, 0], sizes = [2, 512], strides = [1, 1]} : vector<4x512xf32> to vector<2x512xf32>
    %slice3A_721 = vector.extract_strided_slice %min3A_713 {offsets = [2, 0], sizes = [2, 512], strides = [1, 1]} : vector<4x512xf32> to vector<2x512xf32>
    %min3A_722 = arith.minimumf %slice3A_720, %slice3A_721 : vector<2x512xf32>
    %slice3A_723 = vector.extract_strided_slice %select_n3A_716 {offsets = [0, 0], sizes = [2, 512], strides = [1, 1]} : vector<4x512xi32> to vector<2x512xi32>
    %slice3A_724 = vector.extract_strided_slice %select_n3A_716 {offsets = [2, 0], sizes = [2, 512], strides = [1, 1]} : vector<4x512xi32> to vector<2x512xi32>
    %select_n3A_725 = arith.select %le3A_719, %slice3A_723, %slice3A_724 : vector<2x512xi1>, vector<2x512xi32>
    %slice3A_726 = vector.extract_strided_slice %min3A_722 {offsets = [0, 0], sizes = [1, 512], strides = [1, 1]} : vector<2x512xf32> to vector<1x512xf32>
    %slice3A_727 = vector.extract_strided_slice %min3A_722 {offsets = [1, 0], sizes = [1, 512], strides = [1, 1]} : vector<2x512xf32> to vector<1x512xf32>
    %le3A_728 = arith.cmpf ole, %slice3A_726, %slice3A_727 : vector<1x512xf32>
    %slice3A_729 = vector.extract_strided_slice %min3A_722 {offsets = [0, 0], sizes = [1, 512], strides = [1, 1]} : vector<2x512xf32> to vector<1x512xf32>
    %slice3A_730 = vector.extract_strided_slice %min3A_722 {offsets = [1, 0], sizes = [1, 512], strides = [1, 1]} : vector<2x512xf32> to vector<1x512xf32>
    %min3A_731 = arith.minimumf %slice3A_729, %slice3A_730 : vector<1x512xf32>
    %slice3A_732 = vector.extract_strided_slice %select_n3A_725 {offsets = [0, 0], sizes = [1, 512], strides = [1, 1]} : vector<2x512xi32> to vector<1x512xi32>
    %slice3A_733 = vector.extract_strided_slice %select_n3A_725 {offsets = [1, 0], sizes = [1, 512], strides = [1, 1]} : vector<2x512xi32> to vector<1x512xi32>
    %select_n3A_734 = arith.select %le3A_728, %slice3A_732, %slice3A_733 : vector<1x512xi1>, vector<1x512xi32>
    %eq3A_735 = vector.broadcast %select_n3A_734 : vector<1x512xi32> to vector<128x512xi32>
    %eq3A_736 = arith.cmpi eq, %select_n3A_668, %eq3A_735 : vector<128x512xi32>
    %select_n3A_737 = arith.select %eq3A_736, %select_n3A_671, %select_n3A_667 : vector<128x512xi1>, vector<128x512xf32>
    %select_n3A_738 = arith.select %eq3A_736, %select_n3A_601, %select_n3A_668 : vector<128x512xi1>, vector<128x512xi32>
    %jit3A_739 = arith.constant 0x7F800000 : f32
    %broadcast_in_dim3A_740 = vector.broadcast %jit3A_739 : f32 to vector<128x512xf32>
    %select_n3A_741 = arith.select %eq3A_736, %broadcast_in_dim3A_740, %select_n3A_671 : vector<128x512xi1>, vector<128x512xf32>
    %slice3A_742 = vector.extract_strided_slice %select_n3A_737 {offsets = [0, 0], sizes = [64, 512], strides = [1, 1]} : vector<128x512xf32> to vector<64x512xf32>
    %slice3A_743 = vector.extract_strided_slice %select_n3A_737 {offsets = [64, 0], sizes = [64, 512], strides = [1, 1]} : vector<128x512xf32> to vector<64x512xf32>
    %le3A_744 = arith.cmpf ole, %slice3A_742, %slice3A_743 : vector<64x512xf32>
    %slice3A_745 = vector.extract_strided_slice %select_n3A_737 {offsets = [0, 0], sizes = [64, 512], strides = [1, 1]} : vector<128x512xf32> to vector<64x512xf32>
    %slice3A_746 = vector.extract_strided_slice %select_n3A_737 {offsets = [64, 0], sizes = [64, 512], strides = [1, 1]} : vector<128x512xf32> to vector<64x512xf32>
    %min3A_747 = arith.minimumf %slice3A_745, %slice3A_746 : vector<64x512xf32>
    %slice3A_748 = vector.extract_strided_slice %select_n3A_738 {offsets = [0, 0], sizes = [64, 512], strides = [1, 1]} : vector<128x512xi32> to vector<64x512xi32>
    %slice3A_749 = vector.extract_strided_slice %select_n3A_738 {offsets = [64, 0], sizes = [64, 512], strides = [1, 1]} : vector<128x512xi32> to vector<64x512xi32>
    %select_n3A_750 = arith.select %le3A_744, %slice3A_748, %slice3A_749 : vector<64x512xi1>, vector<64x512xi32>
    %slice3A_751 = vector.extract_strided_slice %min3A_747 {offsets = [0, 0], sizes = [32, 512], strides = [1, 1]} : vector<64x512xf32> to vector<32x512xf32>
    %slice3A_752 = vector.extract_strided_slice %min3A_747 {offsets = [32, 0], sizes = [32, 512], strides = [1, 1]} : vector<64x512xf32> to vector<32x512xf32>
    %le3A_753 = arith.cmpf ole, %slice3A_751, %slice3A_752 : vector<32x512xf32>
    %slice3A_754 = vector.extract_strided_slice %min3A_747 {offsets = [0, 0], sizes = [32, 512], strides = [1, 1]} : vector<64x512xf32> to vector<32x512xf32>
    %slice3A_755 = vector.extract_strided_slice %min3A_747 {offsets = [32, 0], sizes = [32, 512], strides = [1, 1]} : vector<64x512xf32> to vector<32x512xf32>
    %min3A_756 = arith.minimumf %slice3A_754, %slice3A_755 : vector<32x512xf32>
    %slice3A_757 = vector.extract_strided_slice %select_n3A_750 {offsets = [0, 0], sizes = [32, 512], strides = [1, 1]} : vector<64x512xi32> to vector<32x512xi32>
    %slice3A_758 = vector.extract_strided_slice %select_n3A_750 {offsets = [32, 0], sizes = [32, 512], strides = [1, 1]} : vector<64x512xi32> to vector<32x512xi32>
    %select_n3A_759 = arith.select %le3A_753, %slice3A_757, %slice3A_758 : vector<32x512xi1>, vector<32x512xi32>
    %slice3A_760 = vector.extract_strided_slice %min3A_756 {offsets = [0, 0], sizes = [16, 512], strides = [1, 1]} : vector<32x512xf32> to vector<16x512xf32>
    %slice3A_761 = vector.extract_strided_slice %min3A_756 {offsets = [16, 0], sizes = [16, 512], strides = [1, 1]} : vector<32x512xf32> to vector<16x512xf32>
    %le3A_762 = arith.cmpf ole, %slice3A_760, %slice3A_761 : vector<16x512xf32>
    %slice3A_763 = vector.extract_strided_slice %min3A_756 {offsets = [0, 0], sizes = [16, 512], strides = [1, 1]} : vector<32x512xf32> to vector<16x512xf32>
    %slice3A_764 = vector.extract_strided_slice %min3A_756 {offsets = [16, 0], sizes = [16, 512], strides = [1, 1]} : vector<32x512xf32> to vector<16x512xf32>
    %min3A_765 = arith.minimumf %slice3A_763, %slice3A_764 : vector<16x512xf32>
    %slice3A_766 = vector.extract_strided_slice %select_n3A_759 {offsets = [0, 0], sizes = [16, 512], strides = [1, 1]} : vector<32x512xi32> to vector<16x512xi32>
    %slice3A_767 = vector.extract_strided_slice %select_n3A_759 {offsets = [16, 0], sizes = [16, 512], strides = [1, 1]} : vector<32x512xi32> to vector<16x512xi32>
    %select_n3A_768 = arith.select %le3A_762, %slice3A_766, %slice3A_767 : vector<16x512xi1>, vector<16x512xi32>
    %slice3A_769 = vector.extract_strided_slice %min3A_765 {offsets = [0, 0], sizes = [8, 512], strides = [1, 1]} : vector<16x512xf32> to vector<8x512xf32>
    %slice3A_770 = vector.extract_strided_slice %min3A_765 {offsets = [8, 0], sizes = [8, 512], strides = [1, 1]} : vector<16x512xf32> to vector<8x512xf32>
    %le3A_771 = arith.cmpf ole, %slice3A_769, %slice3A_770 : vector<8x512xf32>
    %slice3A_772 = vector.extract_strided_slice %min3A_765 {offsets = [0, 0], sizes = [8, 512], strides = [1, 1]} : vector<16x512xf32> to vector<8x512xf32>
    %slice3A_773 = vector.extract_strided_slice %min3A_765 {offsets = [8, 0], sizes = [8, 512], strides = [1, 1]} : vector<16x512xf32> to vector<8x512xf32>
    %min3A_774 = arith.minimumf %slice3A_772, %slice3A_773 : vector<8x512xf32>
    %slice3A_775 = vector.extract_strided_slice %select_n3A_768 {offsets = [0, 0], sizes = [8, 512], strides = [1, 1]} : vector<16x512xi32> to vector<8x512xi32>
    %slice3A_776 = vector.extract_strided_slice %select_n3A_768 {offsets = [8, 0], sizes = [8, 512], strides = [1, 1]} : vector<16x512xi32> to vector<8x512xi32>
    %select_n3A_777 = arith.select %le3A_771, %slice3A_775, %slice3A_776 : vector<8x512xi1>, vector<8x512xi32>
    %slice3A_778 = vector.extract_strided_slice %min3A_774 {offsets = [0, 0], sizes = [4, 512], strides = [1, 1]} : vector<8x512xf32> to vector<4x512xf32>
    %slice3A_779 = vector.extract_strided_slice %min3A_774 {offsets = [4, 0], sizes = [4, 512], strides = [1, 1]} : vector<8x512xf32> to vector<4x512xf32>
    %le3A_780 = arith.cmpf ole, %slice3A_778, %slice3A_779 : vector<4x512xf32>
    %slice3A_781 = vector.extract_strided_slice %min3A_774 {offsets = [0, 0], sizes = [4, 512], strides = [1, 1]} : vector<8x512xf32> to vector<4x512xf32>
    %slice3A_782 = vector.extract_strided_slice %min3A_774 {offsets = [4, 0], sizes = [4, 512], strides = [1, 1]} : vector<8x512xf32> to vector<4x512xf32>
    %min3A_783 = arith.minimumf %slice3A_781, %slice3A_782 : vector<4x512xf32>
    %slice3A_784 = vector.extract_strided_slice %select_n3A_777 {offsets = [0, 0], sizes = [4, 512], strides = [1, 1]} : vector<8x512xi32> to vector<4x512xi32>
    %slice3A_785 = vector.extract_strided_slice %select_n3A_777 {offsets = [4, 0], sizes = [4, 512], strides = [1, 1]} : vector<8x512xi32> to vector<4x512xi32>
    %select_n3A_786 = arith.select %le3A_780, %slice3A_784, %slice3A_785 : vector<4x512xi1>, vector<4x512xi32>
    %slice3A_787 = vector.extract_strided_slice %min3A_783 {offsets = [0, 0], sizes = [2, 512], strides = [1, 1]} : vector<4x512xf32> to vector<2x512xf32>
    %slice3A_788 = vector.extract_strided_slice %min3A_783 {offsets = [2, 0], sizes = [2, 512], strides = [1, 1]} : vector<4x512xf32> to vector<2x512xf32>
    %le3A_789 = arith.cmpf ole, %slice3A_787, %slice3A_788 : vector<2x512xf32>
    %slice3A_790 = vector.extract_strided_slice %min3A_783 {offsets = [0, 0], sizes = [2, 512], strides = [1, 1]} : vector<4x512xf32> to vector<2x512xf32>
    %slice3A_791 = vector.extract_strided_slice %min3A_783 {offsets = [2, 0], sizes = [2, 512], strides = [1, 1]} : vector<4x512xf32> to vector<2x512xf32>
    %min3A_792 = arith.minimumf %slice3A_790, %slice3A_791 : vector<2x512xf32>
    %slice3A_793 = vector.extract_strided_slice %select_n3A_786 {offsets = [0, 0], sizes = [2, 512], strides = [1, 1]} : vector<4x512xi32> to vector<2x512xi32>
    %slice3A_794 = vector.extract_strided_slice %select_n3A_786 {offsets = [2, 0], sizes = [2, 512], strides = [1, 1]} : vector<4x512xi32> to vector<2x512xi32>
    %select_n3A_795 = arith.select %le3A_789, %slice3A_793, %slice3A_794 : vector<2x512xi1>, vector<2x512xi32>
    %slice3A_796 = vector.extract_strided_slice %min3A_792 {offsets = [0, 0], sizes = [1, 512], strides = [1, 1]} : vector<2x512xf32> to vector<1x512xf32>
    %slice3A_797 = vector.extract_strided_slice %min3A_792 {offsets = [1, 0], sizes = [1, 512], strides = [1, 1]} : vector<2x512xf32> to vector<1x512xf32>
    %le3A_798 = arith.cmpf ole, %slice3A_796, %slice3A_797 : vector<1x512xf32>
    %slice3A_799 = vector.extract_strided_slice %min3A_792 {offsets = [0, 0], sizes = [1, 512], strides = [1, 1]} : vector<2x512xf32> to vector<1x512xf32>
    %slice3A_800 = vector.extract_strided_slice %min3A_792 {offsets = [1, 0], sizes = [1, 512], strides = [1, 1]} : vector<2x512xf32> to vector<1x512xf32>
    %min3A_801 = arith.minimumf %slice3A_799, %slice3A_800 : vector<1x512xf32>
    %slice3A_802 = vector.extract_strided_slice %select_n3A_795 {offsets = [0, 0], sizes = [1, 512], strides = [1, 1]} : vector<2x512xi32> to vector<1x512xi32>
    %slice3A_803 = vector.extract_strided_slice %select_n3A_795 {offsets = [1, 0], sizes = [1, 512], strides = [1, 1]} : vector<2x512xi32> to vector<1x512xi32>
    %select_n3A_804 = arith.select %le3A_798, %slice3A_802, %slice3A_803 : vector<1x512xi1>, vector<1x512xi32>
    %eq3A_805 = vector.broadcast %select_n3A_804 : vector<1x512xi32> to vector<128x512xi32>
    %eq3A_806 = arith.cmpi eq, %select_n3A_738, %eq3A_805 : vector<128x512xi32>
    %select_n3A_807 = arith.select %eq3A_806, %select_n3A_741, %select_n3A_737 : vector<128x512xi1>, vector<128x512xf32>
    %select_n3A_808 = arith.select %eq3A_806, %select_n3A_601, %select_n3A_738 : vector<128x512xi1>, vector<128x512xi32>
    %jit3A_809 = arith.constant 0x7F800000 : f32
    %broadcast_in_dim3A_810 = vector.broadcast %jit3A_809 : f32 to vector<128x512xf32>
    %select_n3A_811 = arith.select %eq3A_806, %broadcast_in_dim3A_810, %select_n3A_741 : vector<128x512xi1>, vector<128x512xf32>
    %slice3A_812 = vector.extract_strided_slice %select_n3A_807 {offsets = [0, 0], sizes = [64, 512], strides = [1, 1]} : vector<128x512xf32> to vector<64x512xf32>
    %slice3A_813 = vector.extract_strided_slice %select_n3A_807 {offsets = [64, 0], sizes = [64, 512], strides = [1, 1]} : vector<128x512xf32> to vector<64x512xf32>
    %le3A_814 = arith.cmpf ole, %slice3A_812, %slice3A_813 : vector<64x512xf32>
    %slice3A_815 = vector.extract_strided_slice %select_n3A_807 {offsets = [0, 0], sizes = [64, 512], strides = [1, 1]} : vector<128x512xf32> to vector<64x512xf32>
    %slice3A_816 = vector.extract_strided_slice %select_n3A_807 {offsets = [64, 0], sizes = [64, 512], strides = [1, 1]} : vector<128x512xf32> to vector<64x512xf32>
    %min3A_817 = arith.minimumf %slice3A_815, %slice3A_816 : vector<64x512xf32>
    %slice3A_818 = vector.extract_strided_slice %select_n3A_808 {offsets = [0, 0], sizes = [64, 512], strides = [1, 1]} : vector<128x512xi32> to vector<64x512xi32>
    %slice3A_819 = vector.extract_strided_slice %select_n3A_808 {offsets = [64, 0], sizes = [64, 512], strides = [1, 1]} : vector<128x512xi32> to vector<64x512xi32>
    %select_n3A_820 = arith.select %le3A_814, %slice3A_818, %slice3A_819 : vector<64x512xi1>, vector<64x512xi32>
    %slice3A_821 = vector.extract_strided_slice %min3A_817 {offsets = [0, 0], sizes = [32, 512], strides = [1, 1]} : vector<64x512xf32> to vector<32x512xf32>
    %slice3A_822 = vector.extract_strided_slice %min3A_817 {offsets = [32, 0], sizes = [32, 512], strides = [1, 1]} : vector<64x512xf32> to vector<32x512xf32>
    %le3A_823 = arith.cmpf ole, %slice3A_821, %slice3A_822 : vector<32x512xf32>
    %slice3A_824 = vector.extract_strided_slice %min3A_817 {offsets = [0, 0], sizes = [32, 512], strides = [1, 1]} : vector<64x512xf32> to vector<32x512xf32>
    %slice3A_825 = vector.extract_strided_slice %min3A_817 {offsets = [32, 0], sizes = [32, 512], strides = [1, 1]} : vector<64x512xf32> to vector<32x512xf32>
    %min3A_826 = arith.minimumf %slice3A_824, %slice3A_825 : vector<32x512xf32>
    %slice3A_827 = vector.extract_strided_slice %select_n3A_820 {offsets = [0, 0], sizes = [32, 512], strides = [1, 1]} : vector<64x512xi32> to vector<32x512xi32>
    %slice3A_828 = vector.extract_strided_slice %select_n3A_820 {offsets = [32, 0], sizes = [32, 512], strides = [1, 1]} : vector<64x512xi32> to vector<32x512xi32>
    %select_n3A_829 = arith.select %le3A_823, %slice3A_827, %slice3A_828 : vector<32x512xi1>, vector<32x512xi32>
    %slice3A_830 = vector.extract_strided_slice %min3A_826 {offsets = [0, 0], sizes = [16, 512], strides = [1, 1]} : vector<32x512xf32> to vector<16x512xf32>
    %slice3A_831 = vector.extract_strided_slice %min3A_826 {offsets = [16, 0], sizes = [16, 512], strides = [1, 1]} : vector<32x512xf32> to vector<16x512xf32>
    %le3A_832 = arith.cmpf ole, %slice3A_830, %slice3A_831 : vector<16x512xf32>
    %slice3A_833 = vector.extract_strided_slice %min3A_826 {offsets = [0, 0], sizes = [16, 512], strides = [1, 1]} : vector<32x512xf32> to vector<16x512xf32>
    %slice3A_834 = vector.extract_strided_slice %min3A_826 {offsets = [16, 0], sizes = [16, 512], strides = [1, 1]} : vector<32x512xf32> to vector<16x512xf32>
    %min3A_835 = arith.minimumf %slice3A_833, %slice3A_834 : vector<16x512xf32>
    %slice3A_836 = vector.extract_strided_slice %select_n3A_829 {offsets = [0, 0], sizes = [16, 512], strides = [1, 1]} : vector<32x512xi32> to vector<16x512xi32>
    %slice3A_837 = vector.extract_strided_slice %select_n3A_829 {offsets = [16, 0], sizes = [16, 512], strides = [1, 1]} : vector<32x512xi32> to vector<16x512xi32>
    %select_n3A_838 = arith.select %le3A_832, %slice3A_836, %slice3A_837 : vector<16x512xi1>, vector<16x512xi32>
    %slice3A_839 = vector.extract_strided_slice %min3A_835 {offsets = [0, 0], sizes = [8, 512], strides = [1, 1]} : vector<16x512xf32> to vector<8x512xf32>
    %slice3A_840 = vector.extract_strided_slice %min3A_835 {offsets = [8, 0], sizes = [8, 512], strides = [1, 1]} : vector<16x512xf32> to vector<8x512xf32>
    %le3A_841 = arith.cmpf ole, %slice3A_839, %slice3A_840 : vector<8x512xf32>
    %slice3A_842 = vector.extract_strided_slice %min3A_835 {offsets = [0, 0], sizes = [8, 512], strides = [1, 1]} : vector<16x512xf32> to vector<8x512xf32>
    %slice3A_843 = vector.extract_strided_slice %min3A_835 {offsets = [8, 0], sizes = [8, 512], strides = [1, 1]} : vector<16x512xf32> to vector<8x512xf32>
    %min3A_844 = arith.minimumf %slice3A_842, %slice3A_843 : vector<8x512xf32>
    %slice3A_845 = vector.extract_strided_slice %select_n3A_838 {offsets = [0, 0], sizes = [8, 512], strides = [1, 1]} : vector<16x512xi32> to vector<8x512xi32>
    %slice3A_846 = vector.extract_strided_slice %select_n3A_838 {offsets = [8, 0], sizes = [8, 512], strides = [1, 1]} : vector<16x512xi32> to vector<8x512xi32>
    %select_n3A_847 = arith.select %le3A_841, %slice3A_845, %slice3A_846 : vector<8x512xi1>, vector<8x512xi32>
    %slice3A_848 = vector.extract_strided_slice %min3A_844 {offsets = [0, 0], sizes = [4, 512], strides = [1, 1]} : vector<8x512xf32> to vector<4x512xf32>
    %slice3A_849 = vector.extract_strided_slice %min3A_844 {offsets = [4, 0], sizes = [4, 512], strides = [1, 1]} : vector<8x512xf32> to vector<4x512xf32>
    %le3A_850 = arith.cmpf ole, %slice3A_848, %slice3A_849 : vector<4x512xf32>
    %slice3A_851 = vector.extract_strided_slice %min3A_844 {offsets = [0, 0], sizes = [4, 512], strides = [1, 1]} : vector<8x512xf32> to vector<4x512xf32>
    %slice3A_852 = vector.extract_strided_slice %min3A_844 {offsets = [4, 0], sizes = [4, 512], strides = [1, 1]} : vector<8x512xf32> to vector<4x512xf32>
    %min3A_853 = arith.minimumf %slice3A_851, %slice3A_852 : vector<4x512xf32>
    %slice3A_854 = vector.extract_strided_slice %select_n3A_847 {offsets = [0, 0], sizes = [4, 512], strides = [1, 1]} : vector<8x512xi32> to vector<4x512xi32>
    %slice3A_855 = vector.extract_strided_slice %select_n3A_847 {offsets = [4, 0], sizes = [4, 512], strides = [1, 1]} : vector<8x512xi32> to vector<4x512xi32>
    %select_n3A_856 = arith.select %le3A_850, %slice3A_854, %slice3A_855 : vector<4x512xi1>, vector<4x512xi32>
    %slice3A_857 = vector.extract_strided_slice %min3A_853 {offsets = [0, 0], sizes = [2, 512], strides = [1, 1]} : vector<4x512xf32> to vector<2x512xf32>
    %slice3A_858 = vector.extract_strided_slice %min3A_853 {offsets = [2, 0], sizes = [2, 512], strides = [1, 1]} : vector<4x512xf32> to vector<2x512xf32>
    %le3A_859 = arith.cmpf ole, %slice3A_857, %slice3A_858 : vector<2x512xf32>
    %slice3A_860 = vector.extract_strided_slice %min3A_853 {offsets = [0, 0], sizes = [2, 512], strides = [1, 1]} : vector<4x512xf32> to vector<2x512xf32>
    %slice3A_861 = vector.extract_strided_slice %min3A_853 {offsets = [2, 0], sizes = [2, 512], strides = [1, 1]} : vector<4x512xf32> to vector<2x512xf32>
    %min3A_862 = arith.minimumf %slice3A_860, %slice3A_861 : vector<2x512xf32>
    %slice3A_863 = vector.extract_strided_slice %select_n3A_856 {offsets = [0, 0], sizes = [2, 512], strides = [1, 1]} : vector<4x512xi32> to vector<2x512xi32>
    %slice3A_864 = vector.extract_strided_slice %select_n3A_856 {offsets = [2, 0], sizes = [2, 512], strides = [1, 1]} : vector<4x512xi32> to vector<2x512xi32>
    %select_n3A_865 = arith.select %le3A_859, %slice3A_863, %slice3A_864 : vector<2x512xi1>, vector<2x512xi32>
    %slice3A_866 = vector.extract_strided_slice %min3A_862 {offsets = [0, 0], sizes = [1, 512], strides = [1, 1]} : vector<2x512xf32> to vector<1x512xf32>
    %slice3A_867 = vector.extract_strided_slice %min3A_862 {offsets = [1, 0], sizes = [1, 512], strides = [1, 1]} : vector<2x512xf32> to vector<1x512xf32>
    %le3A_868 = arith.cmpf ole, %slice3A_866, %slice3A_867 : vector<1x512xf32>
    %slice3A_869 = vector.extract_strided_slice %min3A_862 {offsets = [0, 0], sizes = [1, 512], strides = [1, 1]} : vector<2x512xf32> to vector<1x512xf32>
    %slice3A_870 = vector.extract_strided_slice %min3A_862 {offsets = [1, 0], sizes = [1, 512], strides = [1, 1]} : vector<2x512xf32> to vector<1x512xf32>
    %min3A_871 = arith.minimumf %slice3A_869, %slice3A_870 : vector<1x512xf32>
    %slice3A_872 = vector.extract_strided_slice %select_n3A_865 {offsets = [0, 0], sizes = [1, 512], strides = [1, 1]} : vector<2x512xi32> to vector<1x512xi32>
    %slice3A_873 = vector.extract_strided_slice %select_n3A_865 {offsets = [1, 0], sizes = [1, 512], strides = [1, 1]} : vector<2x512xi32> to vector<1x512xi32>
    %select_n3A_874 = arith.select %le3A_868, %slice3A_872, %slice3A_873 : vector<1x512xi1>, vector<1x512xi32>
    %eq3A_875 = vector.broadcast %select_n3A_874 : vector<1x512xi32> to vector<128x512xi32>
    %eq3A_876 = arith.cmpi eq, %select_n3A_808, %eq3A_875 : vector<128x512xi32>
    %select_n3A_877 = arith.select %eq3A_876, %select_n3A_811, %select_n3A_807 : vector<128x512xi1>, vector<128x512xf32>
    %select_n3A_878 = arith.select %eq3A_876, %select_n3A_601, %select_n3A_808 : vector<128x512xi1>, vector<128x512xi32>
    %jit3A_879 = arith.constant 0x7F800000 : f32
    %broadcast_in_dim3A_880 = vector.broadcast %jit3A_879 : f32 to vector<128x512xf32>
    %select_n3A_881 = arith.select %eq3A_876, %broadcast_in_dim3A_880, %select_n3A_811 : vector<128x512xi1>, vector<128x512xf32>
    %slice3A_882 = vector.extract_strided_slice %select_n3A_877 {offsets = [0, 0], sizes = [64, 512], strides = [1, 1]} : vector<128x512xf32> to vector<64x512xf32>
    %slice3A_883 = vector.extract_strided_slice %select_n3A_877 {offsets = [64, 0], sizes = [64, 512], strides = [1, 1]} : vector<128x512xf32> to vector<64x512xf32>
    %le3A_884 = arith.cmpf ole, %slice3A_882, %slice3A_883 : vector<64x512xf32>
    %slice3A_885 = vector.extract_strided_slice %select_n3A_877 {offsets = [0, 0], sizes = [64, 512], strides = [1, 1]} : vector<128x512xf32> to vector<64x512xf32>
    %slice3A_886 = vector.extract_strided_slice %select_n3A_877 {offsets = [64, 0], sizes = [64, 512], strides = [1, 1]} : vector<128x512xf32> to vector<64x512xf32>
    %min3A_887 = arith.minimumf %slice3A_885, %slice3A_886 : vector<64x512xf32>
    %slice3A_888 = vector.extract_strided_slice %select_n3A_878 {offsets = [0, 0], sizes = [64, 512], strides = [1, 1]} : vector<128x512xi32> to vector<64x512xi32>
    %slice3A_889 = vector.extract_strided_slice %select_n3A_878 {offsets = [64, 0], sizes = [64, 512], strides = [1, 1]} : vector<128x512xi32> to vector<64x512xi32>
    %select_n3A_890 = arith.select %le3A_884, %slice3A_888, %slice3A_889 : vector<64x512xi1>, vector<64x512xi32>
    %slice3A_891 = vector.extract_strided_slice %min3A_887 {offsets = [0, 0], sizes = [32, 512], strides = [1, 1]} : vector<64x512xf32> to vector<32x512xf32>
    %slice3A_892 = vector.extract_strided_slice %min3A_887 {offsets = [32, 0], sizes = [32, 512], strides = [1, 1]} : vector<64x512xf32> to vector<32x512xf32>
    %le3A_893 = arith.cmpf ole, %slice3A_891, %slice3A_892 : vector<32x512xf32>
    %slice3A_894 = vector.extract_strided_slice %min3A_887 {offsets = [0, 0], sizes = [32, 512], strides = [1, 1]} : vector<64x512xf32> to vector<32x512xf32>
    %slice3A_895 = vector.extract_strided_slice %min3A_887 {offsets = [32, 0], sizes = [32, 512], strides = [1, 1]} : vector<64x512xf32> to vector<32x512xf32>
    %min3A_896 = arith.minimumf %slice3A_894, %slice3A_895 : vector<32x512xf32>
    %slice3A_897 = vector.extract_strided_slice %select_n3A_890 {offsets = [0, 0], sizes = [32, 512], strides = [1, 1]} : vector<64x512xi32> to vector<32x512xi32>
    %slice3A_898 = vector.extract_strided_slice %select_n3A_890 {offsets = [32, 0], sizes = [32, 512], strides = [1, 1]} : vector<64x512xi32> to vector<32x512xi32>
    %select_n3A_899 = arith.select %le3A_893, %slice3A_897, %slice3A_898 : vector<32x512xi1>, vector<32x512xi32>
    %slice3A_900 = vector.extract_strided_slice %min3A_896 {offsets = [0, 0], sizes = [16, 512], strides = [1, 1]} : vector<32x512xf32> to vector<16x512xf32>
    %slice3A_901 = vector.extract_strided_slice %min3A_896 {offsets = [16, 0], sizes = [16, 512], strides = [1, 1]} : vector<32x512xf32> to vector<16x512xf32>
    %le3A_902 = arith.cmpf ole, %slice3A_900, %slice3A_901 : vector<16x512xf32>
    %slice3A_903 = vector.extract_strided_slice %min3A_896 {offsets = [0, 0], sizes = [16, 512], strides = [1, 1]} : vector<32x512xf32> to vector<16x512xf32>
    %slice3A_904 = vector.extract_strided_slice %min3A_896 {offsets = [16, 0], sizes = [16, 512], strides = [1, 1]} : vector<32x512xf32> to vector<16x512xf32>
    %min3A_905 = arith.minimumf %slice3A_903, %slice3A_904 : vector<16x512xf32>
    %slice3A_906 = vector.extract_strided_slice %select_n3A_899 {offsets = [0, 0], sizes = [16, 512], strides = [1, 1]} : vector<32x512xi32> to vector<16x512xi32>
    %slice3A_907 = vector.extract_strided_slice %select_n3A_899 {offsets = [16, 0], sizes = [16, 512], strides = [1, 1]} : vector<32x512xi32> to vector<16x512xi32>
    %select_n3A_908 = arith.select %le3A_902, %slice3A_906, %slice3A_907 : vector<16x512xi1>, vector<16x512xi32>
    %slice3A_909 = vector.extract_strided_slice %min3A_905 {offsets = [0, 0], sizes = [8, 512], strides = [1, 1]} : vector<16x512xf32> to vector<8x512xf32>
    %slice3A_910 = vector.extract_strided_slice %min3A_905 {offsets = [8, 0], sizes = [8, 512], strides = [1, 1]} : vector<16x512xf32> to vector<8x512xf32>
    %le3A_911 = arith.cmpf ole, %slice3A_909, %slice3A_910 : vector<8x512xf32>
    %slice3A_912 = vector.extract_strided_slice %min3A_905 {offsets = [0, 0], sizes = [8, 512], strides = [1, 1]} : vector<16x512xf32> to vector<8x512xf32>
    %slice3A_913 = vector.extract_strided_slice %min3A_905 {offsets = [8, 0], sizes = [8, 512], strides = [1, 1]} : vector<16x512xf32> to vector<8x512xf32>
    %min3A_914 = arith.minimumf %slice3A_912, %slice3A_913 : vector<8x512xf32>
    %slice3A_915 = vector.extract_strided_slice %select_n3A_908 {offsets = [0, 0], sizes = [8, 512], strides = [1, 1]} : vector<16x512xi32> to vector<8x512xi32>
    %slice3A_916 = vector.extract_strided_slice %select_n3A_908 {offsets = [8, 0], sizes = [8, 512], strides = [1, 1]} : vector<16x512xi32> to vector<8x512xi32>
    %select_n3A_917 = arith.select %le3A_911, %slice3A_915, %slice3A_916 : vector<8x512xi1>, vector<8x512xi32>
    %slice3A_918 = vector.extract_strided_slice %min3A_914 {offsets = [0, 0], sizes = [4, 512], strides = [1, 1]} : vector<8x512xf32> to vector<4x512xf32>
    %slice3A_919 = vector.extract_strided_slice %min3A_914 {offsets = [4, 0], sizes = [4, 512], strides = [1, 1]} : vector<8x512xf32> to vector<4x512xf32>
    %le3A_920 = arith.cmpf ole, %slice3A_918, %slice3A_919 : vector<4x512xf32>
    %slice3A_921 = vector.extract_strided_slice %min3A_914 {offsets = [0, 0], sizes = [4, 512], strides = [1, 1]} : vector<8x512xf32> to vector<4x512xf32>
    %slice3A_922 = vector.extract_strided_slice %min3A_914 {offsets = [4, 0], sizes = [4, 512], strides = [1, 1]} : vector<8x512xf32> to vector<4x512xf32>
    %min3A_923 = arith.minimumf %slice3A_921, %slice3A_922 : vector<4x512xf32>
    %slice3A_924 = vector.extract_strided_slice %select_n3A_917 {offsets = [0, 0], sizes = [4, 512], strides = [1, 1]} : vector<8x512xi32> to vector<4x512xi32>
    %slice3A_925 = vector.extract_strided_slice %select_n3A_917 {offsets = [4, 0], sizes = [4, 512], strides = [1, 1]} : vector<8x512xi32> to vector<4x512xi32>
    %select_n3A_926 = arith.select %le3A_920, %slice3A_924, %slice3A_925 : vector<4x512xi1>, vector<4x512xi32>
    %slice3A_927 = vector.extract_strided_slice %min3A_923 {offsets = [0, 0], sizes = [2, 512], strides = [1, 1]} : vector<4x512xf32> to vector<2x512xf32>
    %slice3A_928 = vector.extract_strided_slice %min3A_923 {offsets = [2, 0], sizes = [2, 512], strides = [1, 1]} : vector<4x512xf32> to vector<2x512xf32>
    %le3A_929 = arith.cmpf ole, %slice3A_927, %slice3A_928 : vector<2x512xf32>
    %slice3A_930 = vector.extract_strided_slice %min3A_923 {offsets = [0, 0], sizes = [2, 512], strides = [1, 1]} : vector<4x512xf32> to vector<2x512xf32>
    %slice3A_931 = vector.extract_strided_slice %min3A_923 {offsets = [2, 0], sizes = [2, 512], strides = [1, 1]} : vector<4x512xf32> to vector<2x512xf32>
    %min3A_932 = arith.minimumf %slice3A_930, %slice3A_931 : vector<2x512xf32>
    %slice3A_933 = vector.extract_strided_slice %select_n3A_926 {offsets = [0, 0], sizes = [2, 512], strides = [1, 1]} : vector<4x512xi32> to vector<2x512xi32>
    %slice3A_934 = vector.extract_strided_slice %select_n3A_926 {offsets = [2, 0], sizes = [2, 512], strides = [1, 1]} : vector<4x512xi32> to vector<2x512xi32>
    %select_n3A_935 = arith.select %le3A_929, %slice3A_933, %slice3A_934 : vector<2x512xi1>, vector<2x512xi32>
    %slice3A_936 = vector.extract_strided_slice %min3A_932 {offsets = [0, 0], sizes = [1, 512], strides = [1, 1]} : vector<2x512xf32> to vector<1x512xf32>
    %slice3A_937 = vector.extract_strided_slice %min3A_932 {offsets = [1, 0], sizes = [1, 512], strides = [1, 1]} : vector<2x512xf32> to vector<1x512xf32>
    %le3A_938 = arith.cmpf ole, %slice3A_936, %slice3A_937 : vector<1x512xf32>
    %slice3A_939 = vector.extract_strided_slice %min3A_932 {offsets = [0, 0], sizes = [1, 512], strides = [1, 1]} : vector<2x512xf32> to vector<1x512xf32>
    %slice3A_940 = vector.extract_strided_slice %min3A_932 {offsets = [1, 0], sizes = [1, 512], strides = [1, 1]} : vector<2x512xf32> to vector<1x512xf32>
    %min3A_941 = arith.minimumf %slice3A_939, %slice3A_940 : vector<1x512xf32>
    %slice3A_942 = vector.extract_strided_slice %select_n3A_935 {offsets = [0, 0], sizes = [1, 512], strides = [1, 1]} : vector<2x512xi32> to vector<1x512xi32>
    %slice3A_943 = vector.extract_strided_slice %select_n3A_935 {offsets = [1, 0], sizes = [1, 512], strides = [1, 1]} : vector<2x512xi32> to vector<1x512xi32>
    %select_n3A_944 = arith.select %le3A_938, %slice3A_942, %slice3A_943 : vector<1x512xi1>, vector<1x512xi32>
    %eq3A_945 = vector.broadcast %select_n3A_944 : vector<1x512xi32> to vector<128x512xi32>
    %eq3A_946 = arith.cmpi eq, %select_n3A_878, %eq3A_945 : vector<128x512xi32>
    %select_n3A_947 = arith.select %eq3A_946, %select_n3A_881, %select_n3A_877 : vector<128x512xi1>, vector<128x512xf32>
    %select_n3A_948 = arith.select %eq3A_946, %select_n3A_601, %select_n3A_878 : vector<128x512xi1>, vector<128x512xi32>
    %jit3A_949 = arith.constant 0x7F800000 : f32
    %broadcast_in_dim3A_950 = vector.broadcast %jit3A_949 : f32 to vector<128x512xf32>
    %select_n3A_951 = arith.select %eq3A_946, %broadcast_in_dim3A_950, %select_n3A_881 : vector<128x512xi1>, vector<128x512xf32>
    %slice3A_952 = vector.extract_strided_slice %select_n3A_947 {offsets = [0, 0], sizes = [64, 512], strides = [1, 1]} : vector<128x512xf32> to vector<64x512xf32>
    %slice3A_953 = vector.extract_strided_slice %select_n3A_947 {offsets = [64, 0], sizes = [64, 512], strides = [1, 1]} : vector<128x512xf32> to vector<64x512xf32>
    %le3A_954 = arith.cmpf ole, %slice3A_952, %slice3A_953 : vector<64x512xf32>
    %slice3A_955 = vector.extract_strided_slice %select_n3A_947 {offsets = [0, 0], sizes = [64, 512], strides = [1, 1]} : vector<128x512xf32> to vector<64x512xf32>
    %slice3A_956 = vector.extract_strided_slice %select_n3A_947 {offsets = [64, 0], sizes = [64, 512], strides = [1, 1]} : vector<128x512xf32> to vector<64x512xf32>
    %min3A_957 = arith.minimumf %slice3A_955, %slice3A_956 : vector<64x512xf32>
    %slice3A_958 = vector.extract_strided_slice %select_n3A_948 {offsets = [0, 0], sizes = [64, 512], strides = [1, 1]} : vector<128x512xi32> to vector<64x512xi32>
    %slice3A_959 = vector.extract_strided_slice %select_n3A_948 {offsets = [64, 0], sizes = [64, 512], strides = [1, 1]} : vector<128x512xi32> to vector<64x512xi32>
    %select_n3A_960 = arith.select %le3A_954, %slice3A_958, %slice3A_959 : vector<64x512xi1>, vector<64x512xi32>
    %slice3A_961 = vector.extract_strided_slice %min3A_957 {offsets = [0, 0], sizes = [32, 512], strides = [1, 1]} : vector<64x512xf32> to vector<32x512xf32>
    %slice3A_962 = vector.extract_strided_slice %min3A_957 {offsets = [32, 0], sizes = [32, 512], strides = [1, 1]} : vector<64x512xf32> to vector<32x512xf32>
    %le3A_963 = arith.cmpf ole, %slice3A_961, %slice3A_962 : vector<32x512xf32>
    %slice3A_964 = vector.extract_strided_slice %min3A_957 {offsets = [0, 0], sizes = [32, 512], strides = [1, 1]} : vector<64x512xf32> to vector<32x512xf32>
    %slice3A_965 = vector.extract_strided_slice %min3A_957 {offsets = [32, 0], sizes = [32, 512], strides = [1, 1]} : vector<64x512xf32> to vector<32x512xf32>
    %min3A_966 = arith.minimumf %slice3A_964, %slice3A_965 : vector<32x512xf32>
    %slice3A_967 = vector.extract_strided_slice %select_n3A_960 {offsets = [0, 0], sizes = [32, 512], strides = [1, 1]} : vector<64x512xi32> to vector<32x512xi32>
    %slice3A_968 = vector.extract_strided_slice %select_n3A_960 {offsets = [32, 0], sizes = [32, 512], strides = [1, 1]} : vector<64x512xi32> to vector<32x512xi32>
    %select_n3A_969 = arith.select %le3A_963, %slice3A_967, %slice3A_968 : vector<32x512xi1>, vector<32x512xi32>
    %slice3A_970 = vector.extract_strided_slice %min3A_966 {offsets = [0, 0], sizes = [16, 512], strides = [1, 1]} : vector<32x512xf32> to vector<16x512xf32>
    %slice3A_971 = vector.extract_strided_slice %min3A_966 {offsets = [16, 0], sizes = [16, 512], strides = [1, 1]} : vector<32x512xf32> to vector<16x512xf32>
    %le3A_972 = arith.cmpf ole, %slice3A_970, %slice3A_971 : vector<16x512xf32>
    %slice3A_973 = vector.extract_strided_slice %min3A_966 {offsets = [0, 0], sizes = [16, 512], strides = [1, 1]} : vector<32x512xf32> to vector<16x512xf32>
    %slice3A_974 = vector.extract_strided_slice %min3A_966 {offsets = [16, 0], sizes = [16, 512], strides = [1, 1]} : vector<32x512xf32> to vector<16x512xf32>
    %min3A_975 = arith.minimumf %slice3A_973, %slice3A_974 : vector<16x512xf32>
    %slice3A_976 = vector.extract_strided_slice %select_n3A_969 {offsets = [0, 0], sizes = [16, 512], strides = [1, 1]} : vector<32x512xi32> to vector<16x512xi32>
    %slice3A_977 = vector.extract_strided_slice %select_n3A_969 {offsets = [16, 0], sizes = [16, 512], strides = [1, 1]} : vector<32x512xi32> to vector<16x512xi32>
    %select_n3A_978 = arith.select %le3A_972, %slice3A_976, %slice3A_977 : vector<16x512xi1>, vector<16x512xi32>
    %slice3A_979 = vector.extract_strided_slice %min3A_975 {offsets = [0, 0], sizes = [8, 512], strides = [1, 1]} : vector<16x512xf32> to vector<8x512xf32>
    %slice3A_980 = vector.extract_strided_slice %min3A_975 {offsets = [8, 0], sizes = [8, 512], strides = [1, 1]} : vector<16x512xf32> to vector<8x512xf32>
    %le3A_981 = arith.cmpf ole, %slice3A_979, %slice3A_980 : vector<8x512xf32>
    %slice3A_982 = vector.extract_strided_slice %min3A_975 {offsets = [0, 0], sizes = [8, 512], strides = [1, 1]} : vector<16x512xf32> to vector<8x512xf32>
    %slice3A_983 = vector.extract_strided_slice %min3A_975 {offsets = [8, 0], sizes = [8, 512], strides = [1, 1]} : vector<16x512xf32> to vector<8x512xf32>
    %min3A_984 = arith.minimumf %slice3A_982, %slice3A_983 : vector<8x512xf32>
    %slice3A_985 = vector.extract_strided_slice %select_n3A_978 {offsets = [0, 0], sizes = [8, 512], strides = [1, 1]} : vector<16x512xi32> to vector<8x512xi32>
    %slice3A_986 = vector.extract_strided_slice %select_n3A_978 {offsets = [8, 0], sizes = [8, 512], strides = [1, 1]} : vector<16x512xi32> to vector<8x512xi32>
    %select_n3A_987 = arith.select %le3A_981, %slice3A_985, %slice3A_986 : vector<8x512xi1>, vector<8x512xi32>
    %slice3A_988 = vector.extract_strided_slice %min3A_984 {offsets = [0, 0], sizes = [4, 512], strides = [1, 1]} : vector<8x512xf32> to vector<4x512xf32>
    %slice3A_989 = vector.extract_strided_slice %min3A_984 {offsets = [4, 0], sizes = [4, 512], strides = [1, 1]} : vector<8x512xf32> to vector<4x512xf32>
    %le3A_990 = arith.cmpf ole, %slice3A_988, %slice3A_989 : vector<4x512xf32>
    %slice3A_991 = vector.extract_strided_slice %min3A_984 {offsets = [0, 0], sizes = [4, 512], strides = [1, 1]} : vector<8x512xf32> to vector<4x512xf32>
    %slice3A_992 = vector.extract_strided_slice %min3A_984 {offsets = [4, 0], sizes = [4, 512], strides = [1, 1]} : vector<8x512xf32> to vector<4x512xf32>
    %min3A_993 = arith.minimumf %slice3A_991, %slice3A_992 : vector<4x512xf32>
    %slice3A_994 = vector.extract_strided_slice %select_n3A_987 {offsets = [0, 0], sizes = [4, 512], strides = [1, 1]} : vector<8x512xi32> to vector<4x512xi32>
    %slice3A_995 = vector.extract_strided_slice %select_n3A_987 {offsets = [4, 0], sizes = [4, 512], strides = [1, 1]} : vector<8x512xi32> to vector<4x512xi32>
    %select_n3A_996 = arith.select %le3A_990, %slice3A_994, %slice3A_995 : vector<4x512xi1>, vector<4x512xi32>
    %slice3A_997 = vector.extract_strided_slice %min3A_993 {offsets = [0, 0], sizes = [2, 512], strides = [1, 1]} : vector<4x512xf32> to vector<2x512xf32>
    %slice3A_998 = vector.extract_strided_slice %min3A_993 {offsets = [2, 0], sizes = [2, 512], strides = [1, 1]} : vector<4x512xf32> to vector<2x512xf32>
    %le3A_999 = arith.cmpf ole, %slice3A_997, %slice3A_998 : vector<2x512xf32>
    %slice3A_1000 = vector.extract_strided_slice %min3A_993 {offsets = [0, 0], sizes = [2, 512], strides = [1, 1]} : vector<4x512xf32> to vector<2x512xf32>
    %slice3A_1001 = vector.extract_strided_slice %min3A_993 {offsets = [2, 0], sizes = [2, 512], strides = [1, 1]} : vector<4x512xf32> to vector<2x512xf32>
    %min3A_1002 = arith.minimumf %slice3A_1000, %slice3A_1001 : vector<2x512xf32>
    %slice3A_1003 = vector.extract_strided_slice %select_n3A_996 {offsets = [0, 0], sizes = [2, 512], strides = [1, 1]} : vector<4x512xi32> to vector<2x512xi32>
    %slice3A_1004 = vector.extract_strided_slice %select_n3A_996 {offsets = [2, 0], sizes = [2, 512], strides = [1, 1]} : vector<4x512xi32> to vector<2x512xi32>
    %select_n3A_1005 = arith.select %le3A_999, %slice3A_1003, %slice3A_1004 : vector<2x512xi1>, vector<2x512xi32>
    %slice3A_1006 = vector.extract_strided_slice %min3A_1002 {offsets = [0, 0], sizes = [1, 512], strides = [1, 1]} : vector<2x512xf32> to vector<1x512xf32>
    %slice3A_1007 = vector.extract_strided_slice %min3A_1002 {offsets = [1, 0], sizes = [1, 512], strides = [1, 1]} : vector<2x512xf32> to vector<1x512xf32>
    %le3A_1008 = arith.cmpf ole, %slice3A_1006, %slice3A_1007 : vector<1x512xf32>
    %slice3A_1009 = vector.extract_strided_slice %min3A_1002 {offsets = [0, 0], sizes = [1, 512], strides = [1, 1]} : vector<2x512xf32> to vector<1x512xf32>
    %slice3A_1010 = vector.extract_strided_slice %min3A_1002 {offsets = [1, 0], sizes = [1, 512], strides = [1, 1]} : vector<2x512xf32> to vector<1x512xf32>
    %min3A_1011 = arith.minimumf %slice3A_1009, %slice3A_1010 : vector<1x512xf32>
    %slice3A_1012 = vector.extract_strided_slice %select_n3A_1005 {offsets = [0, 0], sizes = [1, 512], strides = [1, 1]} : vector<2x512xi32> to vector<1x512xi32>
    %slice3A_1013 = vector.extract_strided_slice %select_n3A_1005 {offsets = [1, 0], sizes = [1, 512], strides = [1, 1]} : vector<2x512xi32> to vector<1x512xi32>
    %select_n3A_1014 = arith.select %le3A_1008, %slice3A_1012, %slice3A_1013 : vector<1x512xi1>, vector<1x512xi32>
    %eq3A_1015 = vector.broadcast %select_n3A_1014 : vector<1x512xi32> to vector<128x512xi32>
    %eq3A_1016 = arith.cmpi eq, %select_n3A_948, %eq3A_1015 : vector<128x512xi32>
    %select_n3A_1017 = arith.select %eq3A_1016, %select_n3A_951, %select_n3A_947 : vector<128x512xi1>, vector<128x512xf32>
    %select_n3A_1018 = arith.select %eq3A_1016, %select_n3A_601, %select_n3A_948 : vector<128x512xi1>, vector<128x512xi32>
    %jit3A_1019 = arith.constant 0x7F800000 : f32
    %broadcast_in_dim3A_1020 = vector.broadcast %jit3A_1019 : f32 to vector<128x512xf32>
    %select_n3A_1021 = arith.select %eq3A_1016, %broadcast_in_dim3A_1020, %select_n3A_951 : vector<128x512xi1>, vector<128x512xf32>
    %slice3A_1022 = vector.extract_strided_slice %select_n3A_1017 {offsets = [0, 0], sizes = [64, 512], strides = [1, 1]} : vector<128x512xf32> to vector<64x512xf32>
    %slice3A_1023 = vector.extract_strided_slice %select_n3A_1017 {offsets = [64, 0], sizes = [64, 512], strides = [1, 1]} : vector<128x512xf32> to vector<64x512xf32>
    %le3A_1024 = arith.cmpf ole, %slice3A_1022, %slice3A_1023 : vector<64x512xf32>
    %slice3A_1025 = vector.extract_strided_slice %select_n3A_1017 {offsets = [0, 0], sizes = [64, 512], strides = [1, 1]} : vector<128x512xf32> to vector<64x512xf32>
    %slice3A_1026 = vector.extract_strided_slice %select_n3A_1017 {offsets = [64, 0], sizes = [64, 512], strides = [1, 1]} : vector<128x512xf32> to vector<64x512xf32>
    %min3A_1027 = arith.minimumf %slice3A_1025, %slice3A_1026 : vector<64x512xf32>
    %slice3A_1028 = vector.extract_strided_slice %select_n3A_1018 {offsets = [0, 0], sizes = [64, 512], strides = [1, 1]} : vector<128x512xi32> to vector<64x512xi32>
    %slice3A_1029 = vector.extract_strided_slice %select_n3A_1018 {offsets = [64, 0], sizes = [64, 512], strides = [1, 1]} : vector<128x512xi32> to vector<64x512xi32>
    %select_n3A_1030 = arith.select %le3A_1024, %slice3A_1028, %slice3A_1029 : vector<64x512xi1>, vector<64x512xi32>
    %slice3A_1031 = vector.extract_strided_slice %min3A_1027 {offsets = [0, 0], sizes = [32, 512], strides = [1, 1]} : vector<64x512xf32> to vector<32x512xf32>
    %slice3A_1032 = vector.extract_strided_slice %min3A_1027 {offsets = [32, 0], sizes = [32, 512], strides = [1, 1]} : vector<64x512xf32> to vector<32x512xf32>
    %le3A_1033 = arith.cmpf ole, %slice3A_1031, %slice3A_1032 : vector<32x512xf32>
    %slice3A_1034 = vector.extract_strided_slice %min3A_1027 {offsets = [0, 0], sizes = [32, 512], strides = [1, 1]} : vector<64x512xf32> to vector<32x512xf32>
    %slice3A_1035 = vector.extract_strided_slice %min3A_1027 {offsets = [32, 0], sizes = [32, 512], strides = [1, 1]} : vector<64x512xf32> to vector<32x512xf32>
    %min3A_1036 = arith.minimumf %slice3A_1034, %slice3A_1035 : vector<32x512xf32>
    %slice3A_1037 = vector.extract_strided_slice %select_n3A_1030 {offsets = [0, 0], sizes = [32, 512], strides = [1, 1]} : vector<64x512xi32> to vector<32x512xi32>
    %slice3A_1038 = vector.extract_strided_slice %select_n3A_1030 {offsets = [32, 0], sizes = [32, 512], strides = [1, 1]} : vector<64x512xi32> to vector<32x512xi32>
    %select_n3A_1039 = arith.select %le3A_1033, %slice3A_1037, %slice3A_1038 : vector<32x512xi1>, vector<32x512xi32>
    %slice3A_1040 = vector.extract_strided_slice %min3A_1036 {offsets = [0, 0], sizes = [16, 512], strides = [1, 1]} : vector<32x512xf32> to vector<16x512xf32>
    %slice3A_1041 = vector.extract_strided_slice %min3A_1036 {offsets = [16, 0], sizes = [16, 512], strides = [1, 1]} : vector<32x512xf32> to vector<16x512xf32>
    %le3A_1042 = arith.cmpf ole, %slice3A_1040, %slice3A_1041 : vector<16x512xf32>
    %slice3A_1043 = vector.extract_strided_slice %min3A_1036 {offsets = [0, 0], sizes = [16, 512], strides = [1, 1]} : vector<32x512xf32> to vector<16x512xf32>
    %slice3A_1044 = vector.extract_strided_slice %min3A_1036 {offsets = [16, 0], sizes = [16, 512], strides = [1, 1]} : vector<32x512xf32> to vector<16x512xf32>
    %min3A_1045 = arith.minimumf %slice3A_1043, %slice3A_1044 : vector<16x512xf32>
    %slice3A_1046 = vector.extract_strided_slice %select_n3A_1039 {offsets = [0, 0], sizes = [16, 512], strides = [1, 1]} : vector<32x512xi32> to vector<16x512xi32>
    %slice3A_1047 = vector.extract_strided_slice %select_n3A_1039 {offsets = [16, 0], sizes = [16, 512], strides = [1, 1]} : vector<32x512xi32> to vector<16x512xi32>
    %select_n3A_1048 = arith.select %le3A_1042, %slice3A_1046, %slice3A_1047 : vector<16x512xi1>, vector<16x512xi32>
    %slice3A_1049 = vector.extract_strided_slice %min3A_1045 {offsets = [0, 0], sizes = [8, 512], strides = [1, 1]} : vector<16x512xf32> to vector<8x512xf32>
    %slice3A_1050 = vector.extract_strided_slice %min3A_1045 {offsets = [8, 0], sizes = [8, 512], strides = [1, 1]} : vector<16x512xf32> to vector<8x512xf32>
    %le3A_1051 = arith.cmpf ole, %slice3A_1049, %slice3A_1050 : vector<8x512xf32>
    %slice3A_1052 = vector.extract_strided_slice %min3A_1045 {offsets = [0, 0], sizes = [8, 512], strides = [1, 1]} : vector<16x512xf32> to vector<8x512xf32>
    %slice3A_1053 = vector.extract_strided_slice %min3A_1045 {offsets = [8, 0], sizes = [8, 512], strides = [1, 1]} : vector<16x512xf32> to vector<8x512xf32>
    %min3A_1054 = arith.minimumf %slice3A_1052, %slice3A_1053 : vector<8x512xf32>
    %slice3A_1055 = vector.extract_strided_slice %select_n3A_1048 {offsets = [0, 0], sizes = [8, 512], strides = [1, 1]} : vector<16x512xi32> to vector<8x512xi32>
    %slice3A_1056 = vector.extract_strided_slice %select_n3A_1048 {offsets = [8, 0], sizes = [8, 512], strides = [1, 1]} : vector<16x512xi32> to vector<8x512xi32>
    %select_n3A_1057 = arith.select %le3A_1051, %slice3A_1055, %slice3A_1056 : vector<8x512xi1>, vector<8x512xi32>
    %slice3A_1058 = vector.extract_strided_slice %min3A_1054 {offsets = [0, 0], sizes = [4, 512], strides = [1, 1]} : vector<8x512xf32> to vector<4x512xf32>
    %slice3A_1059 = vector.extract_strided_slice %min3A_1054 {offsets = [4, 0], sizes = [4, 512], strides = [1, 1]} : vector<8x512xf32> to vector<4x512xf32>
    %le3A_1060 = arith.cmpf ole, %slice3A_1058, %slice3A_1059 : vector<4x512xf32>
    %slice3A_1061 = vector.extract_strided_slice %min3A_1054 {offsets = [0, 0], sizes = [4, 512], strides = [1, 1]} : vector<8x512xf32> to vector<4x512xf32>
    %slice3A_1062 = vector.extract_strided_slice %min3A_1054 {offsets = [4, 0], sizes = [4, 512], strides = [1, 1]} : vector<8x512xf32> to vector<4x512xf32>
    %min3A_1063 = arith.minimumf %slice3A_1061, %slice3A_1062 : vector<4x512xf32>
    %slice3A_1064 = vector.extract_strided_slice %select_n3A_1057 {offsets = [0, 0], sizes = [4, 512], strides = [1, 1]} : vector<8x512xi32> to vector<4x512xi32>
    %slice3A_1065 = vector.extract_strided_slice %select_n3A_1057 {offsets = [4, 0], sizes = [4, 512], strides = [1, 1]} : vector<8x512xi32> to vector<4x512xi32>
    %select_n3A_1066 = arith.select %le3A_1060, %slice3A_1064, %slice3A_1065 : vector<4x512xi1>, vector<4x512xi32>
    %slice3A_1067 = vector.extract_strided_slice %min3A_1063 {offsets = [0, 0], sizes = [2, 512], strides = [1, 1]} : vector<4x512xf32> to vector<2x512xf32>
    %slice3A_1068 = vector.extract_strided_slice %min3A_1063 {offsets = [2, 0], sizes = [2, 512], strides = [1, 1]} : vector<4x512xf32> to vector<2x512xf32>
    %le3A_1069 = arith.cmpf ole, %slice3A_1067, %slice3A_1068 : vector<2x512xf32>
    %slice3A_1070 = vector.extract_strided_slice %min3A_1063 {offsets = [0, 0], sizes = [2, 512], strides = [1, 1]} : vector<4x512xf32> to vector<2x512xf32>
    %slice3A_1071 = vector.extract_strided_slice %min3A_1063 {offsets = [2, 0], sizes = [2, 512], strides = [1, 1]} : vector<4x512xf32> to vector<2x512xf32>
    %min3A_1072 = arith.minimumf %slice3A_1070, %slice3A_1071 : vector<2x512xf32>
    %slice3A_1073 = vector.extract_strided_slice %select_n3A_1066 {offsets = [0, 0], sizes = [2, 512], strides = [1, 1]} : vector<4x512xi32> to vector<2x512xi32>
    %slice3A_1074 = vector.extract_strided_slice %select_n3A_1066 {offsets = [2, 0], sizes = [2, 512], strides = [1, 1]} : vector<4x512xi32> to vector<2x512xi32>
    %select_n3A_1075 = arith.select %le3A_1069, %slice3A_1073, %slice3A_1074 : vector<2x512xi1>, vector<2x512xi32>
    %slice3A_1076 = vector.extract_strided_slice %min3A_1072 {offsets = [0, 0], sizes = [1, 512], strides = [1, 1]} : vector<2x512xf32> to vector<1x512xf32>
    %slice3A_1077 = vector.extract_strided_slice %min3A_1072 {offsets = [1, 0], sizes = [1, 512], strides = [1, 1]} : vector<2x512xf32> to vector<1x512xf32>
    %le3A_1078 = arith.cmpf ole, %slice3A_1076, %slice3A_1077 : vector<1x512xf32>
    %slice3A_1079 = vector.extract_strided_slice %min3A_1072 {offsets = [0, 0], sizes = [1, 512], strides = [1, 1]} : vector<2x512xf32> to vector<1x512xf32>
    %slice3A_1080 = vector.extract_strided_slice %min3A_1072 {offsets = [1, 0], sizes = [1, 512], strides = [1, 1]} : vector<2x512xf32> to vector<1x512xf32>
    %min3A_1081 = arith.minimumf %slice3A_1079, %slice3A_1080 : vector<1x512xf32>
    %slice3A_1082 = vector.extract_strided_slice %select_n3A_1075 {offsets = [0, 0], sizes = [1, 512], strides = [1, 1]} : vector<2x512xi32> to vector<1x512xi32>
    %slice3A_1083 = vector.extract_strided_slice %select_n3A_1075 {offsets = [1, 0], sizes = [1, 512], strides = [1, 1]} : vector<2x512xi32> to vector<1x512xi32>
    %select_n3A_1084 = arith.select %le3A_1078, %slice3A_1082, %slice3A_1083 : vector<1x512xi1>, vector<1x512xi32>
    %eq3A_1085 = vector.broadcast %select_n3A_1084 : vector<1x512xi32> to vector<128x512xi32>
    %eq3A_1086 = arith.cmpi eq, %select_n3A_1018, %eq3A_1085 : vector<128x512xi32>
    %select_n3A_1087 = arith.select %eq3A_1086, %select_n3A_1021, %select_n3A_1017 : vector<128x512xi1>, vector<128x512xf32>
    %select_n3A_1088 = arith.select %eq3A_1086, %select_n3A_601, %select_n3A_1018 : vector<128x512xi1>, vector<128x512xi32>
    %slice3A_1089 = vector.extract_strided_slice %select_n3A_1087 {offsets = [0, 0], sizes = [64, 512], strides = [1, 1]} : vector<128x512xf32> to vector<64x512xf32>
    %slice3A_1090 = vector.extract_strided_slice %select_n3A_1087 {offsets = [64, 0], sizes = [64, 512], strides = [1, 1]} : vector<128x512xf32> to vector<64x512xf32>
    %le3A_1091 = arith.cmpf ole, %slice3A_1089, %slice3A_1090 : vector<64x512xf32>
    %slice3A_1092 = vector.extract_strided_slice %select_n3A_1087 {offsets = [0, 0], sizes = [64, 512], strides = [1, 1]} : vector<128x512xf32> to vector<64x512xf32>
    %slice3A_1093 = vector.extract_strided_slice %select_n3A_1087 {offsets = [64, 0], sizes = [64, 512], strides = [1, 1]} : vector<128x512xf32> to vector<64x512xf32>
    %min3A_1094 = arith.minimumf %slice3A_1092, %slice3A_1093 : vector<64x512xf32>
    %slice3A_1095 = vector.extract_strided_slice %select_n3A_1088 {offsets = [0, 0], sizes = [64, 512], strides = [1, 1]} : vector<128x512xi32> to vector<64x512xi32>
    %slice3A_1096 = vector.extract_strided_slice %select_n3A_1088 {offsets = [64, 0], sizes = [64, 512], strides = [1, 1]} : vector<128x512xi32> to vector<64x512xi32>
    %select_n3A_1097 = arith.select %le3A_1091, %slice3A_1095, %slice3A_1096 : vector<64x512xi1>, vector<64x512xi32>
    %slice3A_1098 = vector.extract_strided_slice %min3A_1094 {offsets = [0, 0], sizes = [32, 512], strides = [1, 1]} : vector<64x512xf32> to vector<32x512xf32>
    %slice3A_1099 = vector.extract_strided_slice %min3A_1094 {offsets = [32, 0], sizes = [32, 512], strides = [1, 1]} : vector<64x512xf32> to vector<32x512xf32>
    %le3A_1100 = arith.cmpf ole, %slice3A_1098, %slice3A_1099 : vector<32x512xf32>
    %slice3A_1101 = vector.extract_strided_slice %min3A_1094 {offsets = [0, 0], sizes = [32, 512], strides = [1, 1]} : vector<64x512xf32> to vector<32x512xf32>
    %slice3A_1102 = vector.extract_strided_slice %min3A_1094 {offsets = [32, 0], sizes = [32, 512], strides = [1, 1]} : vector<64x512xf32> to vector<32x512xf32>
    %min3A_1103 = arith.minimumf %slice3A_1101, %slice3A_1102 : vector<32x512xf32>
    %slice3A_1104 = vector.extract_strided_slice %select_n3A_1097 {offsets = [0, 0], sizes = [32, 512], strides = [1, 1]} : vector<64x512xi32> to vector<32x512xi32>
    %slice3A_1105 = vector.extract_strided_slice %select_n3A_1097 {offsets = [32, 0], sizes = [32, 512], strides = [1, 1]} : vector<64x512xi32> to vector<32x512xi32>
    %select_n3A_1106 = arith.select %le3A_1100, %slice3A_1104, %slice3A_1105 : vector<32x512xi1>, vector<32x512xi32>
    %slice3A_1107 = vector.extract_strided_slice %min3A_1103 {offsets = [0, 0], sizes = [16, 512], strides = [1, 1]} : vector<32x512xf32> to vector<16x512xf32>
    %slice3A_1108 = vector.extract_strided_slice %min3A_1103 {offsets = [16, 0], sizes = [16, 512], strides = [1, 1]} : vector<32x512xf32> to vector<16x512xf32>
    %le3A_1109 = arith.cmpf ole, %slice3A_1107, %slice3A_1108 : vector<16x512xf32>
    %slice3A_1110 = vector.extract_strided_slice %min3A_1103 {offsets = [0, 0], sizes = [16, 512], strides = [1, 1]} : vector<32x512xf32> to vector<16x512xf32>
    %slice3A_1111 = vector.extract_strided_slice %min3A_1103 {offsets = [16, 0], sizes = [16, 512], strides = [1, 1]} : vector<32x512xf32> to vector<16x512xf32>
    %min3A_1112 = arith.minimumf %slice3A_1110, %slice3A_1111 : vector<16x512xf32>
    %slice3A_1113 = vector.extract_strided_slice %select_n3A_1106 {offsets = [0, 0], sizes = [16, 512], strides = [1, 1]} : vector<32x512xi32> to vector<16x512xi32>
    %slice3A_1114 = vector.extract_strided_slice %select_n3A_1106 {offsets = [16, 0], sizes = [16, 512], strides = [1, 1]} : vector<32x512xi32> to vector<16x512xi32>
    %select_n3A_1115 = arith.select %le3A_1109, %slice3A_1113, %slice3A_1114 : vector<16x512xi1>, vector<16x512xi32>
    %slice3A_1116 = vector.extract_strided_slice %min3A_1112 {offsets = [0, 0], sizes = [8, 512], strides = [1, 1]} : vector<16x512xf32> to vector<8x512xf32>
    %slice3A_1117 = vector.extract_strided_slice %min3A_1112 {offsets = [8, 0], sizes = [8, 512], strides = [1, 1]} : vector<16x512xf32> to vector<8x512xf32>
    %le3A_1118 = arith.cmpf ole, %slice3A_1116, %slice3A_1117 : vector<8x512xf32>
    %slice3A_1119 = vector.extract_strided_slice %min3A_1112 {offsets = [0, 0], sizes = [8, 512], strides = [1, 1]} : vector<16x512xf32> to vector<8x512xf32>
    %slice3A_1120 = vector.extract_strided_slice %min3A_1112 {offsets = [8, 0], sizes = [8, 512], strides = [1, 1]} : vector<16x512xf32> to vector<8x512xf32>
    %min3A_1121 = arith.minimumf %slice3A_1119, %slice3A_1120 : vector<8x512xf32>
    %slice3A_1122 = vector.extract_strided_slice %select_n3A_1115 {offsets = [0, 0], sizes = [8, 512], strides = [1, 1]} : vector<16x512xi32> to vector<8x512xi32>
    %slice3A_1123 = vector.extract_strided_slice %select_n3A_1115 {offsets = [8, 0], sizes = [8, 512], strides = [1, 1]} : vector<16x512xi32> to vector<8x512xi32>
    %select_n3A_1124 = arith.select %le3A_1118, %slice3A_1122, %slice3A_1123 : vector<8x512xi1>, vector<8x512xi32>
    %slice3A_1125 = vector.extract_strided_slice %min3A_1121 {offsets = [0, 0], sizes = [4, 512], strides = [1, 1]} : vector<8x512xf32> to vector<4x512xf32>
    %slice3A_1126 = vector.extract_strided_slice %min3A_1121 {offsets = [4, 0], sizes = [4, 512], strides = [1, 1]} : vector<8x512xf32> to vector<4x512xf32>
    %le3A_1127 = arith.cmpf ole, %slice3A_1125, %slice3A_1126 : vector<4x512xf32>
    %slice3A_1128 = vector.extract_strided_slice %min3A_1121 {offsets = [0, 0], sizes = [4, 512], strides = [1, 1]} : vector<8x512xf32> to vector<4x512xf32>
    %slice3A_1129 = vector.extract_strided_slice %min3A_1121 {offsets = [4, 0], sizes = [4, 512], strides = [1, 1]} : vector<8x512xf32> to vector<4x512xf32>
    %min3A_1130 = arith.minimumf %slice3A_1128, %slice3A_1129 : vector<4x512xf32>
    %slice3A_1131 = vector.extract_strided_slice %select_n3A_1124 {offsets = [0, 0], sizes = [4, 512], strides = [1, 1]} : vector<8x512xi32> to vector<4x512xi32>
    %slice3A_1132 = vector.extract_strided_slice %select_n3A_1124 {offsets = [4, 0], sizes = [4, 512], strides = [1, 1]} : vector<8x512xi32> to vector<4x512xi32>
    %select_n3A_1133 = arith.select %le3A_1127, %slice3A_1131, %slice3A_1132 : vector<4x512xi1>, vector<4x512xi32>
    %slice3A_1134 = vector.extract_strided_slice %min3A_1130 {offsets = [0, 0], sizes = [2, 512], strides = [1, 1]} : vector<4x512xf32> to vector<2x512xf32>
    %slice3A_1135 = vector.extract_strided_slice %min3A_1130 {offsets = [2, 0], sizes = [2, 512], strides = [1, 1]} : vector<4x512xf32> to vector<2x512xf32>
    %le3A_1136 = arith.cmpf ole, %slice3A_1134, %slice3A_1135 : vector<2x512xf32>
    %slice3A_1137 = vector.extract_strided_slice %min3A_1130 {offsets = [0, 0], sizes = [2, 512], strides = [1, 1]} : vector<4x512xf32> to vector<2x512xf32>
    %slice3A_1138 = vector.extract_strided_slice %min3A_1130 {offsets = [2, 0], sizes = [2, 512], strides = [1, 1]} : vector<4x512xf32> to vector<2x512xf32>
    %min3A_1139 = arith.minimumf %slice3A_1137, %slice3A_1138 : vector<2x512xf32>
    %slice3A_1140 = vector.extract_strided_slice %select_n3A_1133 {offsets = [0, 0], sizes = [2, 512], strides = [1, 1]} : vector<4x512xi32> to vector<2x512xi32>
    %slice3A_1141 = vector.extract_strided_slice %select_n3A_1133 {offsets = [2, 0], sizes = [2, 512], strides = [1, 1]} : vector<4x512xi32> to vector<2x512xi32>
    %select_n3A_1142 = arith.select %le3A_1136, %slice3A_1140, %slice3A_1141 : vector<2x512xi1>, vector<2x512xi32>
    %slice3A_1143 = vector.extract_strided_slice %min3A_1139 {offsets = [0, 0], sizes = [1, 512], strides = [1, 1]} : vector<2x512xf32> to vector<1x512xf32>
    %slice3A_1144 = vector.extract_strided_slice %min3A_1139 {offsets = [1, 0], sizes = [1, 512], strides = [1, 1]} : vector<2x512xf32> to vector<1x512xf32>
    %le3A_1145 = arith.cmpf ole, %slice3A_1143, %slice3A_1144 : vector<1x512xf32>
    %slice3A_1146 = vector.extract_strided_slice %min3A_1139 {offsets = [0, 0], sizes = [1, 512], strides = [1, 1]} : vector<2x512xf32> to vector<1x512xf32>
    %slice3A_1147 = vector.extract_strided_slice %min3A_1139 {offsets = [1, 0], sizes = [1, 512], strides = [1, 1]} : vector<2x512xf32> to vector<1x512xf32>
    %min3A_1148 = arith.minimumf %slice3A_1146, %slice3A_1147 : vector<1x512xf32>
    %slice3A_1149 = vector.extract_strided_slice %select_n3A_1142 {offsets = [0, 0], sizes = [1, 512], strides = [1, 1]} : vector<2x512xi32> to vector<1x512xi32>
    %slice3A_1150 = vector.extract_strided_slice %select_n3A_1142 {offsets = [1, 0], sizes = [1, 512], strides = [1, 1]} : vector<2x512xi32> to vector<1x512xi32>
    %select_n3A_1151 = arith.select %le3A_1145, %slice3A_1149, %slice3A_1150 : vector<1x512xi1>, vector<1x512xi32>
    %concatenate3A_1152 = tpu.concatenate %min3A_661, %min3A_731, %min3A_801, %min3A_871, %min3A_941, %min3A_1011, %min3A_1081, %min3A_1148 in 0 : vector<1x512xf32>, vector<1x512xf32>, vector<1x512xf32>, vector<1x512xf32>, vector<1x512xf32>, vector<1x512xf32>, vector<1x512xf32>, vector<1x512xf32> -> vector<8x512xf32>
    %concatenate3A_1153 = tpu.concatenate %select_n3A_664, %select_n3A_734, %select_n3A_804, %select_n3A_874, %select_n3A_944, %select_n3A_1014, %select_n3A_1084, %select_n3A_1151 in 0 : vector<1x512xi32>, vector<1x512xi32>, vector<1x512xi32>, vector<1x512xi32>, vector<1x512xi32>, vector<1x512xi32>, vector<1x512xi32>, vector<1x512xi32> -> vector<8x512xi32>
    %mul3A_1154 = arith.constant 512 : i32
    %mul3A_1155 = arith.muli %arg1, %mul3A_1154 : i32
    %get3A_1156 = arith.constant 0 : index
    %get3A_1157 = arith.constant 0 : index
    %get3A_1158 = vector.load %arg6[%get3A_1156, %get3A_1157] : memref<8x512xf32, #tpu.memory_space<vmem>>, vector<8x512xf32>
    %broadcast_in_dim3A_1159 = arith.constant 0x7F800000 : f32
    %broadcast_in_dim3A_1160 = vector.broadcast %broadcast_in_dim3A_1159 : f32 to vector<8x512xf32>
    %concatenate3A_1161 = tpu.concatenate %get3A_1158, %concatenate3A, %concatenate3A_1152, %broadcast_in_dim3A_1160 in 0 : vector<8x512xf32>, vector<8x512xf32>, vector<8x512xf32>, vector<8x512xf32> -> vector<32x512xf32>
    %get3A_1162 = arith.constant 0 : index
    %get3A_1163 = arith.constant 0 : index
    %get3A_1164 = vector.load %arg7[%get3A_1162, %get3A_1163] : memref<8x512xi32, #tpu.memory_space<vmem>>, vector<8x512xi32>
    %add3A_1165 = vector.broadcast %mul3A_1155 : i32 to vector<8x512xi32>
    %add3A_1166 = arith.addi %concatenate3A_584, %add3A_1165 : vector<8x512xi32>
    %add3A_1167 = vector.broadcast %mul3A_1155 : i32 to vector<8x512xi32>
    %add3A_1168 = arith.addi %concatenate3A_1153, %add3A_1167 : vector<8x512xi32>
    %broadcast_in_dim3A_1169 = arith.constant 2147483647 : i32
    %broadcast_in_dim3A_1170 = vector.broadcast %broadcast_in_dim3A_1169 : i32 to vector<8x512xi32>
    %concatenate3A_1171 = tpu.concatenate %get3A_1164, %add3A_1166, %add3A_1168, %broadcast_in_dim3A_1170 in 0 : vector<8x512xi32>, vector<8x512xi32>, vector<8x512xi32>, vector<8x512xi32> -> vector<32x512xi32>
    %slice3A_1172 = vector.extract_strided_slice %concatenate3A_1161 {offsets = [0, 0], sizes = [16, 512], strides = [1, 1]} : vector<32x512xf32> to vector<16x512xf32>
    %slice3A_1173 = vector.extract_strided_slice %concatenate3A_1161 {offsets = [16, 0], sizes = [16, 512], strides = [1, 1]} : vector<32x512xf32> to vector<16x512xf32>
    %le3A_1174 = arith.cmpf ole, %slice3A_1172, %slice3A_1173 : vector<16x512xf32>
    %slice3A_1175 = vector.extract_strided_slice %concatenate3A_1161 {offsets = [0, 0], sizes = [16, 512], strides = [1, 1]} : vector<32x512xf32> to vector<16x512xf32>
    %slice3A_1176 = vector.extract_strided_slice %concatenate3A_1161 {offsets = [16, 0], sizes = [16, 512], strides = [1, 1]} : vector<32x512xf32> to vector<16x512xf32>
    %min3A_1177 = arith.minimumf %slice3A_1175, %slice3A_1176 : vector<16x512xf32>
    %slice3A_1178 = vector.extract_strided_slice %concatenate3A_1171 {offsets = [0, 0], sizes = [16, 512], strides = [1, 1]} : vector<32x512xi32> to vector<16x512xi32>
    %slice3A_1179 = vector.extract_strided_slice %concatenate3A_1171 {offsets = [16, 0], sizes = [16, 512], strides = [1, 1]} : vector<32x512xi32> to vector<16x512xi32>
    %select_n3A_1180 = arith.select %le3A_1174, %slice3A_1178, %slice3A_1179 : vector<16x512xi1>, vector<16x512xi32>
    %slice3A_1181 = vector.extract_strided_slice %concatenate3A_1161 {offsets = [0, 0], sizes = [16, 512], strides = [1, 1]} : vector<32x512xf32> to vector<16x512xf32>
    %slice3A_1182 = vector.extract_strided_slice %concatenate3A_1161 {offsets = [16, 0], sizes = [16, 512], strides = [1, 1]} : vector<32x512xf32> to vector<16x512xf32>
    %max3A_1183 = arith.maximumf %slice3A_1181, %slice3A_1182 : vector<16x512xf32>
    %slice3A_1184 = vector.extract_strided_slice %concatenate3A_1171 {offsets = [16, 0], sizes = [16, 512], strides = [1, 1]} : vector<32x512xi32> to vector<16x512xi32>
    %slice3A_1185 = vector.extract_strided_slice %concatenate3A_1171 {offsets = [0, 0], sizes = [16, 512], strides = [1, 1]} : vector<32x512xi32> to vector<16x512xi32>
    %select_n3A_1186 = arith.select %le3A_1174, %slice3A_1184, %slice3A_1185 : vector<16x512xi1>, vector<16x512xi32>
    %slice3A_1187 = vector.extract_strided_slice %min3A_1177 {offsets = [0, 0], sizes = [8, 512], strides = [1, 1]} : vector<16x512xf32> to vector<8x512xf32>
    %slice3A_1188 = vector.extract_strided_slice %min3A_1177 {offsets = [8, 0], sizes = [8, 512], strides = [1, 1]} : vector<16x512xf32> to vector<8x512xf32>
    %le3A_1189 = arith.cmpf ole, %slice3A_1187, %slice3A_1188 : vector<8x512xf32>
    %slice3A_1190 = vector.extract_strided_slice %min3A_1177 {offsets = [0, 0], sizes = [8, 512], strides = [1, 1]} : vector<16x512xf32> to vector<8x512xf32>
    %slice3A_1191 = vector.extract_strided_slice %min3A_1177 {offsets = [8, 0], sizes = [8, 512], strides = [1, 1]} : vector<16x512xf32> to vector<8x512xf32>
    %min3A_1192 = arith.minimumf %slice3A_1190, %slice3A_1191 : vector<8x512xf32>
    %slice3A_1193 = vector.extract_strided_slice %select_n3A_1180 {offsets = [0, 0], sizes = [8, 512], strides = [1, 1]} : vector<16x512xi32> to vector<8x512xi32>
    %slice3A_1194 = vector.extract_strided_slice %select_n3A_1180 {offsets = [8, 0], sizes = [8, 512], strides = [1, 1]} : vector<16x512xi32> to vector<8x512xi32>
    %select_n3A_1195 = arith.select %le3A_1189, %slice3A_1193, %slice3A_1194 : vector<8x512xi1>, vector<8x512xi32>
    %slice3A_1196 = vector.extract_strided_slice %min3A_1192 {offsets = [0, 0], sizes = [4, 512], strides = [1, 1]} : vector<8x512xf32> to vector<4x512xf32>
    %slice3A_1197 = vector.extract_strided_slice %min3A_1192 {offsets = [4, 0], sizes = [4, 512], strides = [1, 1]} : vector<8x512xf32> to vector<4x512xf32>
    %le3A_1198 = arith.cmpf ole, %slice3A_1196, %slice3A_1197 : vector<4x512xf32>
    %slice3A_1199 = vector.extract_strided_slice %min3A_1192 {offsets = [0, 0], sizes = [4, 512], strides = [1, 1]} : vector<8x512xf32> to vector<4x512xf32>
    %slice3A_1200 = vector.extract_strided_slice %min3A_1192 {offsets = [4, 0], sizes = [4, 512], strides = [1, 1]} : vector<8x512xf32> to vector<4x512xf32>
    %min3A_1201 = arith.minimumf %slice3A_1199, %slice3A_1200 : vector<4x512xf32>
    %slice3A_1202 = vector.extract_strided_slice %select_n3A_1195 {offsets = [0, 0], sizes = [4, 512], strides = [1, 1]} : vector<8x512xi32> to vector<4x512xi32>
    %slice3A_1203 = vector.extract_strided_slice %select_n3A_1195 {offsets = [4, 0], sizes = [4, 512], strides = [1, 1]} : vector<8x512xi32> to vector<4x512xi32>
    %select_n3A_1204 = arith.select %le3A_1198, %slice3A_1202, %slice3A_1203 : vector<4x512xi1>, vector<4x512xi32>
    %slice3A_1205 = vector.extract_strided_slice %min3A_1201 {offsets = [0, 0], sizes = [2, 512], strides = [1, 1]} : vector<4x512xf32> to vector<2x512xf32>
    %slice3A_1206 = vector.extract_strided_slice %min3A_1201 {offsets = [2, 0], sizes = [2, 512], strides = [1, 1]} : vector<4x512xf32> to vector<2x512xf32>
    %le3A_1207 = arith.cmpf ole, %slice3A_1205, %slice3A_1206 : vector<2x512xf32>
    %slice3A_1208 = vector.extract_strided_slice %min3A_1201 {offsets = [0, 0], sizes = [2, 512], strides = [1, 1]} : vector<4x512xf32> to vector<2x512xf32>
    %slice3A_1209 = vector.extract_strided_slice %min3A_1201 {offsets = [2, 0], sizes = [2, 512], strides = [1, 1]} : vector<4x512xf32> to vector<2x512xf32>
    %min3A_1210 = arith.minimumf %slice3A_1208, %slice3A_1209 : vector<2x512xf32>
    %slice3A_1211 = vector.extract_strided_slice %select_n3A_1204 {offsets = [0, 0], sizes = [2, 512], strides = [1, 1]} : vector<4x512xi32> to vector<2x512xi32>
    %slice3A_1212 = vector.extract_strided_slice %select_n3A_1204 {offsets = [2, 0], sizes = [2, 512], strides = [1, 1]} : vector<4x512xi32> to vector<2x512xi32>
    %select_n3A_1213 = arith.select %le3A_1207, %slice3A_1211, %slice3A_1212 : vector<2x512xi1>, vector<2x512xi32>
    %slice3A_1214 = vector.extract_strided_slice %min3A_1210 {offsets = [0, 0], sizes = [1, 512], strides = [1, 1]} : vector<2x512xf32> to vector<1x512xf32>
    %slice3A_1215 = vector.extract_strided_slice %min3A_1210 {offsets = [1, 0], sizes = [1, 512], strides = [1, 1]} : vector<2x512xf32> to vector<1x512xf32>
    %le3A_1216 = arith.cmpf ole, %slice3A_1214, %slice3A_1215 : vector<1x512xf32>
    %slice3A_1217 = vector.extract_strided_slice %min3A_1210 {offsets = [0, 0], sizes = [1, 512], strides = [1, 1]} : vector<2x512xf32> to vector<1x512xf32>
    %slice3A_1218 = vector.extract_strided_slice %min3A_1210 {offsets = [1, 0], sizes = [1, 512], strides = [1, 1]} : vector<2x512xf32> to vector<1x512xf32>
    %min3A_1219 = arith.minimumf %slice3A_1217, %slice3A_1218 : vector<1x512xf32>
    %slice3A_1220 = vector.extract_strided_slice %select_n3A_1213 {offsets = [0, 0], sizes = [1, 512], strides = [1, 1]} : vector<2x512xi32> to vector<1x512xi32>
    %slice3A_1221 = vector.extract_strided_slice %select_n3A_1213 {offsets = [1, 0], sizes = [1, 512], strides = [1, 1]} : vector<2x512xi32> to vector<1x512xi32>
    %select_n3A_1222 = arith.select %le3A_1216, %slice3A_1220, %slice3A_1221 : vector<1x512xi1>, vector<1x512xi32>
    %eq3A_1223 = vector.broadcast %select_n3A_1222 : vector<1x512xi32> to vector<16x512xi32>
    %eq3A_1224 = arith.cmpi eq, %select_n3A_1180, %eq3A_1223 : vector<16x512xi32>
    %select_n3A_1225 = arith.select %eq3A_1224, %max3A_1183, %min3A_1177 : vector<16x512xi1>, vector<16x512xf32>
    %select_n3A_1226 = arith.select %eq3A_1224, %select_n3A_1186, %select_n3A_1180 : vector<16x512xi1>, vector<16x512xi32>
    %jit3A_1227 = arith.constant 0x7F800000 : f32
    %broadcast_in_dim3A_1228 = vector.broadcast %jit3A_1227 : f32 to vector<16x512xf32>
    %select_n3A_1229 = arith.select %eq3A_1224, %broadcast_in_dim3A_1228, %max3A_1183 : vector<16x512xi1>, vector<16x512xf32>
    %slice3A_1230 = vector.extract_strided_slice %select_n3A_1225 {offsets = [0, 0], sizes = [8, 512], strides = [1, 1]} : vector<16x512xf32> to vector<8x512xf32>
    %slice3A_1231 = vector.extract_strided_slice %select_n3A_1225 {offsets = [8, 0], sizes = [8, 512], strides = [1, 1]} : vector<16x512xf32> to vector<8x512xf32>
    %le3A_1232 = arith.cmpf ole, %slice3A_1230, %slice3A_1231 : vector<8x512xf32>
    %slice3A_1233 = vector.extract_strided_slice %select_n3A_1225 {offsets = [0, 0], sizes = [8, 512], strides = [1, 1]} : vector<16x512xf32> to vector<8x512xf32>
    %slice3A_1234 = vector.extract_strided_slice %select_n3A_1225 {offsets = [8, 0], sizes = [8, 512], strides = [1, 1]} : vector<16x512xf32> to vector<8x512xf32>
    %min3A_1235 = arith.minimumf %slice3A_1233, %slice3A_1234 : vector<8x512xf32>
    %slice3A_1236 = vector.extract_strided_slice %select_n3A_1226 {offsets = [0, 0], sizes = [8, 512], strides = [1, 1]} : vector<16x512xi32> to vector<8x512xi32>
    %slice3A_1237 = vector.extract_strided_slice %select_n3A_1226 {offsets = [8, 0], sizes = [8, 512], strides = [1, 1]} : vector<16x512xi32> to vector<8x512xi32>
    %select_n3A_1238 = arith.select %le3A_1232, %slice3A_1236, %slice3A_1237 : vector<8x512xi1>, vector<8x512xi32>
    %slice3A_1239 = vector.extract_strided_slice %min3A_1235 {offsets = [0, 0], sizes = [4, 512], strides = [1, 1]} : vector<8x512xf32> to vector<4x512xf32>
    %slice3A_1240 = vector.extract_strided_slice %min3A_1235 {offsets = [4, 0], sizes = [4, 512], strides = [1, 1]} : vector<8x512xf32> to vector<4x512xf32>
    %le3A_1241 = arith.cmpf ole, %slice3A_1239, %slice3A_1240 : vector<4x512xf32>
    %slice3A_1242 = vector.extract_strided_slice %min3A_1235 {offsets = [0, 0], sizes = [4, 512], strides = [1, 1]} : vector<8x512xf32> to vector<4x512xf32>
    %slice3A_1243 = vector.extract_strided_slice %min3A_1235 {offsets = [4, 0], sizes = [4, 512], strides = [1, 1]} : vector<8x512xf32> to vector<4x512xf32>
    %min3A_1244 = arith.minimumf %slice3A_1242, %slice3A_1243 : vector<4x512xf32>
    %slice3A_1245 = vector.extract_strided_slice %select_n3A_1238 {offsets = [0, 0], sizes = [4, 512], strides = [1, 1]} : vector<8x512xi32> to vector<4x512xi32>
    %slice3A_1246 = vector.extract_strided_slice %select_n3A_1238 {offsets = [4, 0], sizes = [4, 512], strides = [1, 1]} : vector<8x512xi32> to vector<4x512xi32>
    %select_n3A_1247 = arith.select %le3A_1241, %slice3A_1245, %slice3A_1246 : vector<4x512xi1>, vector<4x512xi32>
    %slice3A_1248 = vector.extract_strided_slice %min3A_1244 {offsets = [0, 0], sizes = [2, 512], strides = [1, 1]} : vector<4x512xf32> to vector<2x512xf32>
    %slice3A_1249 = vector.extract_strided_slice %min3A_1244 {offsets = [2, 0], sizes = [2, 512], strides = [1, 1]} : vector<4x512xf32> to vector<2x512xf32>
    %le3A_1250 = arith.cmpf ole, %slice3A_1248, %slice3A_1249 : vector<2x512xf32>
    %slice3A_1251 = vector.extract_strided_slice %min3A_1244 {offsets = [0, 0], sizes = [2, 512], strides = [1, 1]} : vector<4x512xf32> to vector<2x512xf32>
    %slice3A_1252 = vector.extract_strided_slice %min3A_1244 {offsets = [2, 0], sizes = [2, 512], strides = [1, 1]} : vector<4x512xf32> to vector<2x512xf32>
    %min3A_1253 = arith.minimumf %slice3A_1251, %slice3A_1252 : vector<2x512xf32>
    %slice3A_1254 = vector.extract_strided_slice %select_n3A_1247 {offsets = [0, 0], sizes = [2, 512], strides = [1, 1]} : vector<4x512xi32> to vector<2x512xi32>
    %slice3A_1255 = vector.extract_strided_slice %select_n3A_1247 {offsets = [2, 0], sizes = [2, 512], strides = [1, 1]} : vector<4x512xi32> to vector<2x512xi32>
    %select_n3A_1256 = arith.select %le3A_1250, %slice3A_1254, %slice3A_1255 : vector<2x512xi1>, vector<2x512xi32>
    %slice3A_1257 = vector.extract_strided_slice %min3A_1253 {offsets = [0, 0], sizes = [1, 512], strides = [1, 1]} : vector<2x512xf32> to vector<1x512xf32>
    %slice3A_1258 = vector.extract_strided_slice %min3A_1253 {offsets = [1, 0], sizes = [1, 512], strides = [1, 1]} : vector<2x512xf32> to vector<1x512xf32>
    %le3A_1259 = arith.cmpf ole, %slice3A_1257, %slice3A_1258 : vector<1x512xf32>
    %slice3A_1260 = vector.extract_strided_slice %min3A_1253 {offsets = [0, 0], sizes = [1, 512], strides = [1, 1]} : vector<2x512xf32> to vector<1x512xf32>
    %slice3A_1261 = vector.extract_strided_slice %min3A_1253 {offsets = [1, 0], sizes = [1, 512], strides = [1, 1]} : vector<2x512xf32> to vector<1x512xf32>
    %min3A_1262 = arith.minimumf %slice3A_1260, %slice3A_1261 : vector<1x512xf32>
    %slice3A_1263 = vector.extract_strided_slice %select_n3A_1256 {offsets = [0, 0], sizes = [1, 512], strides = [1, 1]} : vector<2x512xi32> to vector<1x512xi32>
    %slice3A_1264 = vector.extract_strided_slice %select_n3A_1256 {offsets = [1, 0], sizes = [1, 512], strides = [1, 1]} : vector<2x512xi32> to vector<1x512xi32>
    %select_n3A_1265 = arith.select %le3A_1259, %slice3A_1263, %slice3A_1264 : vector<1x512xi1>, vector<1x512xi32>
    %eq3A_1266 = vector.broadcast %select_n3A_1265 : vector<1x512xi32> to vector<16x512xi32>
    %eq3A_1267 = arith.cmpi eq, %select_n3A_1226, %eq3A_1266 : vector<16x512xi32>
    %select_n3A_1268 = arith.select %eq3A_1267, %select_n3A_1229, %select_n3A_1225 : vector<16x512xi1>, vector<16x512xf32>
    %select_n3A_1269 = arith.select %eq3A_1267, %select_n3A_1186, %select_n3A_1226 : vector<16x512xi1>, vector<16x512xi32>
    %jit3A_1270 = arith.constant 0x7F800000 : f32
    %broadcast_in_dim3A_1271 = vector.broadcast %jit3A_1270 : f32 to vector<16x512xf32>
    %select_n3A_1272 = arith.select %eq3A_1267, %broadcast_in_dim3A_1271, %select_n3A_1229 : vector<16x512xi1>, vector<16x512xf32>
    %slice3A_1273 = vector.extract_strided_slice %select_n3A_1268 {offsets = [0, 0], sizes = [8, 512], strides = [1, 1]} : vector<16x512xf32> to vector<8x512xf32>
    %slice3A_1274 = vector.extract_strided_slice %select_n3A_1268 {offsets = [8, 0], sizes = [8, 512], strides = [1, 1]} : vector<16x512xf32> to vector<8x512xf32>
    %le3A_1275 = arith.cmpf ole, %slice3A_1273, %slice3A_1274 : vector<8x512xf32>
    %slice3A_1276 = vector.extract_strided_slice %select_n3A_1268 {offsets = [0, 0], sizes = [8, 512], strides = [1, 1]} : vector<16x512xf32> to vector<8x512xf32>
    %slice3A_1277 = vector.extract_strided_slice %select_n3A_1268 {offsets = [8, 0], sizes = [8, 512], strides = [1, 1]} : vector<16x512xf32> to vector<8x512xf32>
    %min3A_1278 = arith.minimumf %slice3A_1276, %slice3A_1277 : vector<8x512xf32>
    %slice3A_1279 = vector.extract_strided_slice %select_n3A_1269 {offsets = [0, 0], sizes = [8, 512], strides = [1, 1]} : vector<16x512xi32> to vector<8x512xi32>
    %slice3A_1280 = vector.extract_strided_slice %select_n3A_1269 {offsets = [8, 0], sizes = [8, 512], strides = [1, 1]} : vector<16x512xi32> to vector<8x512xi32>
    %select_n3A_1281 = arith.select %le3A_1275, %slice3A_1279, %slice3A_1280 : vector<8x512xi1>, vector<8x512xi32>
    %slice3A_1282 = vector.extract_strided_slice %min3A_1278 {offsets = [0, 0], sizes = [4, 512], strides = [1, 1]} : vector<8x512xf32> to vector<4x512xf32>
    %slice3A_1283 = vector.extract_strided_slice %min3A_1278 {offsets = [4, 0], sizes = [4, 512], strides = [1, 1]} : vector<8x512xf32> to vector<4x512xf32>
    %le3A_1284 = arith.cmpf ole, %slice3A_1282, %slice3A_1283 : vector<4x512xf32>
    %slice3A_1285 = vector.extract_strided_slice %min3A_1278 {offsets = [0, 0], sizes = [4, 512], strides = [1, 1]} : vector<8x512xf32> to vector<4x512xf32>
    %slice3A_1286 = vector.extract_strided_slice %min3A_1278 {offsets = [4, 0], sizes = [4, 512], strides = [1, 1]} : vector<8x512xf32> to vector<4x512xf32>
    %min3A_1287 = arith.minimumf %slice3A_1285, %slice3A_1286 : vector<4x512xf32>
    %slice3A_1288 = vector.extract_strided_slice %select_n3A_1281 {offsets = [0, 0], sizes = [4, 512], strides = [1, 1]} : vector<8x512xi32> to vector<4x512xi32>
    %slice3A_1289 = vector.extract_strided_slice %select_n3A_1281 {offsets = [4, 0], sizes = [4, 512], strides = [1, 1]} : vector<8x512xi32> to vector<4x512xi32>
    %select_n3A_1290 = arith.select %le3A_1284, %slice3A_1288, %slice3A_1289 : vector<4x512xi1>, vector<4x512xi32>
    %slice3A_1291 = vector.extract_strided_slice %min3A_1287 {offsets = [0, 0], sizes = [2, 512], strides = [1, 1]} : vector<4x512xf32> to vector<2x512xf32>
    %slice3A_1292 = vector.extract_strided_slice %min3A_1287 {offsets = [2, 0], sizes = [2, 512], strides = [1, 1]} : vector<4x512xf32> to vector<2x512xf32>
    %le3A_1293 = arith.cmpf ole, %slice3A_1291, %slice3A_1292 : vector<2x512xf32>
    %slice3A_1294 = vector.extract_strided_slice %min3A_1287 {offsets = [0, 0], sizes = [2, 512], strides = [1, 1]} : vector<4x512xf32> to vector<2x512xf32>
    %slice3A_1295 = vector.extract_strided_slice %min3A_1287 {offsets = [2, 0], sizes = [2, 512], strides = [1, 1]} : vector<4x512xf32> to vector<2x512xf32>
    %min3A_1296 = arith.minimumf %slice3A_1294, %slice3A_1295 : vector<2x512xf32>
    %slice3A_1297 = vector.extract_strided_slice %select_n3A_1290 {offsets = [0, 0], sizes = [2, 512], strides = [1, 1]} : vector<4x512xi32> to vector<2x512xi32>
    %slice3A_1298 = vector.extract_strided_slice %select_n3A_1290 {offsets = [2, 0], sizes = [2, 512], strides = [1, 1]} : vector<4x512xi32> to vector<2x512xi32>
    %select_n3A_1299 = arith.select %le3A_1293, %slice3A_1297, %slice3A_1298 : vector<2x512xi1>, vector<2x512xi32>
    %slice3A_1300 = vector.extract_strided_slice %min3A_1296 {offsets = [0, 0], sizes = [1, 512], strides = [1, 1]} : vector<2x512xf32> to vector<1x512xf32>
    %slice3A_1301 = vector.extract_strided_slice %min3A_1296 {offsets = [1, 0], sizes = [1, 512], strides = [1, 1]} : vector<2x512xf32> to vector<1x512xf32>
    %le3A_1302 = arith.cmpf ole, %slice3A_1300, %slice3A_1301 : vector<1x512xf32>
    %slice3A_1303 = vector.extract_strided_slice %min3A_1296 {offsets = [0, 0], sizes = [1, 512], strides = [1, 1]} : vector<2x512xf32> to vector<1x512xf32>
    %slice3A_1304 = vector.extract_strided_slice %min3A_1296 {offsets = [1, 0], sizes = [1, 512], strides = [1, 1]} : vector<2x512xf32> to vector<1x512xf32>
    %min3A_1305 = arith.minimumf %slice3A_1303, %slice3A_1304 : vector<1x512xf32>
    %slice3A_1306 = vector.extract_strided_slice %select_n3A_1299 {offsets = [0, 0], sizes = [1, 512], strides = [1, 1]} : vector<2x512xi32> to vector<1x512xi32>
    %slice3A_1307 = vector.extract_strided_slice %select_n3A_1299 {offsets = [1, 0], sizes = [1, 512], strides = [1, 1]} : vector<2x512xi32> to vector<1x512xi32>
    %select_n3A_1308 = arith.select %le3A_1302, %slice3A_1306, %slice3A_1307 : vector<1x512xi1>, vector<1x512xi32>
    %eq3A_1309 = vector.broadcast %select_n3A_1308 : vector<1x512xi32> to vector<16x512xi32>
    %eq3A_1310 = arith.cmpi eq, %select_n3A_1269, %eq3A_1309 : vector<16x512xi32>
    %select_n3A_1311 = arith.select %eq3A_1310, %select_n3A_1272, %select_n3A_1268 : vector<16x512xi1>, vector<16x512xf32>
    %select_n3A_1312 = arith.select %eq3A_1310, %select_n3A_1186, %select_n3A_1269 : vector<16x512xi1>, vector<16x512xi32>
    %jit3A_1313 = arith.constant 0x7F800000 : f32
    %broadcast_in_dim3A_1314 = vector.broadcast %jit3A_1313 : f32 to vector<16x512xf32>
    %select_n3A_1315 = arith.select %eq3A_1310, %broadcast_in_dim3A_1314, %select_n3A_1272 : vector<16x512xi1>, vector<16x512xf32>
    %slice3A_1316 = vector.extract_strided_slice %select_n3A_1311 {offsets = [0, 0], sizes = [8, 512], strides = [1, 1]} : vector<16x512xf32> to vector<8x512xf32>
    %slice3A_1317 = vector.extract_strided_slice %select_n3A_1311 {offsets = [8, 0], sizes = [8, 512], strides = [1, 1]} : vector<16x512xf32> to vector<8x512xf32>
    %le3A_1318 = arith.cmpf ole, %slice3A_1316, %slice3A_1317 : vector<8x512xf32>
    %slice3A_1319 = vector.extract_strided_slice %select_n3A_1311 {offsets = [0, 0], sizes = [8, 512], strides = [1, 1]} : vector<16x512xf32> to vector<8x512xf32>
    %slice3A_1320 = vector.extract_strided_slice %select_n3A_1311 {offsets = [8, 0], sizes = [8, 512], strides = [1, 1]} : vector<16x512xf32> to vector<8x512xf32>
    %min3A_1321 = arith.minimumf %slice3A_1319, %slice3A_1320 : vector<8x512xf32>
    %slice3A_1322 = vector.extract_strided_slice %select_n3A_1312 {offsets = [0, 0], sizes = [8, 512], strides = [1, 1]} : vector<16x512xi32> to vector<8x512xi32>
    %slice3A_1323 = vector.extract_strided_slice %select_n3A_1312 {offsets = [8, 0], sizes = [8, 512], strides = [1, 1]} : vector<16x512xi32> to vector<8x512xi32>
    %select_n3A_1324 = arith.select %le3A_1318, %slice3A_1322, %slice3A_1323 : vector<8x512xi1>, vector<8x512xi32>
    %slice3A_1325 = vector.extract_strided_slice %min3A_1321 {offsets = [0, 0], sizes = [4, 512], strides = [1, 1]} : vector<8x512xf32> to vector<4x512xf32>
    %slice3A_1326 = vector.extract_strided_slice %min3A_1321 {offsets = [4, 0], sizes = [4, 512], strides = [1, 1]} : vector<8x512xf32> to vector<4x512xf32>
    %le3A_1327 = arith.cmpf ole, %slice3A_1325, %slice3A_1326 : vector<4x512xf32>
    %slice3A_1328 = vector.extract_strided_slice %min3A_1321 {offsets = [0, 0], sizes = [4, 512], strides = [1, 1]} : vector<8x512xf32> to vector<4x512xf32>
    %slice3A_1329 = vector.extract_strided_slice %min3A_1321 {offsets = [4, 0], sizes = [4, 512], strides = [1, 1]} : vector<8x512xf32> to vector<4x512xf32>
    %min3A_1330 = arith.minimumf %slice3A_1328, %slice3A_1329 : vector<4x512xf32>
    %slice3A_1331 = vector.extract_strided_slice %select_n3A_1324 {offsets = [0, 0], sizes = [4, 512], strides = [1, 1]} : vector<8x512xi32> to vector<4x512xi32>
    %slice3A_1332 = vector.extract_strided_slice %select_n3A_1324 {offsets = [4, 0], sizes = [4, 512], strides = [1, 1]} : vector<8x512xi32> to vector<4x512xi32>
    %select_n3A_1333 = arith.select %le3A_1327, %slice3A_1331, %slice3A_1332 : vector<4x512xi1>, vector<4x512xi32>
    %slice3A_1334 = vector.extract_strided_slice %min3A_1330 {offsets = [0, 0], sizes = [2, 512], strides = [1, 1]} : vector<4x512xf32> to vector<2x512xf32>
    %slice3A_1335 = vector.extract_strided_slice %min3A_1330 {offsets = [2, 0], sizes = [2, 512], strides = [1, 1]} : vector<4x512xf32> to vector<2x512xf32>
    %le3A_1336 = arith.cmpf ole, %slice3A_1334, %slice3A_1335 : vector<2x512xf32>
    %slice3A_1337 = vector.extract_strided_slice %min3A_1330 {offsets = [0, 0], sizes = [2, 512], strides = [1, 1]} : vector<4x512xf32> to vector<2x512xf32>
    %slice3A_1338 = vector.extract_strided_slice %min3A_1330 {offsets = [2, 0], sizes = [2, 512], strides = [1, 1]} : vector<4x512xf32> to vector<2x512xf32>
    %min3A_1339 = arith.minimumf %slice3A_1337, %slice3A_1338 : vector<2x512xf32>
    %slice3A_1340 = vector.extract_strided_slice %select_n3A_1333 {offsets = [0, 0], sizes = [2, 512], strides = [1, 1]} : vector<4x512xi32> to vector<2x512xi32>
    %slice3A_1341 = vector.extract_strided_slice %select_n3A_1333 {offsets = [2, 0], sizes = [2, 512], strides = [1, 1]} : vector<4x512xi32> to vector<2x512xi32>
    %select_n3A_1342 = arith.select %le3A_1336, %slice3A_1340, %slice3A_1341 : vector<2x512xi1>, vector<2x512xi32>
    %slice3A_1343 = vector.extract_strided_slice %min3A_1339 {offsets = [0, 0], sizes = [1, 512], strides = [1, 1]} : vector<2x512xf32> to vector<1x512xf32>
    %slice3A_1344 = vector.extract_strided_slice %min3A_1339 {offsets = [1, 0], sizes = [1, 512], strides = [1, 1]} : vector<2x512xf32> to vector<1x512xf32>
    %le3A_1345 = arith.cmpf ole, %slice3A_1343, %slice3A_1344 : vector<1x512xf32>
    %slice3A_1346 = vector.extract_strided_slice %min3A_1339 {offsets = [0, 0], sizes = [1, 512], strides = [1, 1]} : vector<2x512xf32> to vector<1x512xf32>
    %slice3A_1347 = vector.extract_strided_slice %min3A_1339 {offsets = [1, 0], sizes = [1, 512], strides = [1, 1]} : vector<2x512xf32> to vector<1x512xf32>
    %min3A_1348 = arith.minimumf %slice3A_1346, %slice3A_1347 : vector<1x512xf32>
    %slice3A_1349 = vector.extract_strided_slice %select_n3A_1342 {offsets = [0, 0], sizes = [1, 512], strides = [1, 1]} : vector<2x512xi32> to vector<1x512xi32>
    %slice3A_1350 = vector.extract_strided_slice %select_n3A_1342 {offsets = [1, 0], sizes = [1, 512], strides = [1, 1]} : vector<2x512xi32> to vector<1x512xi32>
    %select_n3A_1351 = arith.select %le3A_1345, %slice3A_1349, %slice3A_1350 : vector<1x512xi1>, vector<1x512xi32>
    %eq3A_1352 = vector.broadcast %select_n3A_1351 : vector<1x512xi32> to vector<16x512xi32>
    %eq3A_1353 = arith.cmpi eq, %select_n3A_1312, %eq3A_1352 : vector<16x512xi32>
    %select_n3A_1354 = arith.select %eq3A_1353, %select_n3A_1315, %select_n3A_1311 : vector<16x512xi1>, vector<16x512xf32>
    %select_n3A_1355 = arith.select %eq3A_1353, %select_n3A_1186, %select_n3A_1312 : vector<16x512xi1>, vector<16x512xi32>
    %jit3A_1356 = arith.constant 0x7F800000 : f32
    %broadcast_in_dim3A_1357 = vector.broadcast %jit3A_1356 : f32 to vector<16x512xf32>
    %select_n3A_1358 = arith.select %eq3A_1353, %broadcast_in_dim3A_1357, %select_n3A_1315 : vector<16x512xi1>, vector<16x512xf32>
    %slice3A_1359 = vector.extract_strided_slice %select_n3A_1354 {offsets = [0, 0], sizes = [8, 512], strides = [1, 1]} : vector<16x512xf32> to vector<8x512xf32>
    %slice3A_1360 = vector.extract_strided_slice %select_n3A_1354 {offsets = [8, 0], sizes = [8, 512], strides = [1, 1]} : vector<16x512xf32> to vector<8x512xf32>
    %le3A_1361 = arith.cmpf ole, %slice3A_1359, %slice3A_1360 : vector<8x512xf32>
    %slice3A_1362 = vector.extract_strided_slice %select_n3A_1354 {offsets = [0, 0], sizes = [8, 512], strides = [1, 1]} : vector<16x512xf32> to vector<8x512xf32>
    %slice3A_1363 = vector.extract_strided_slice %select_n3A_1354 {offsets = [8, 0], sizes = [8, 512], strides = [1, 1]} : vector<16x512xf32> to vector<8x512xf32>
    %min3A_1364 = arith.minimumf %slice3A_1362, %slice3A_1363 : vector<8x512xf32>
    %slice3A_1365 = vector.extract_strided_slice %select_n3A_1355 {offsets = [0, 0], sizes = [8, 512], strides = [1, 1]} : vector<16x512xi32> to vector<8x512xi32>
    %slice3A_1366 = vector.extract_strided_slice %select_n3A_1355 {offsets = [8, 0], sizes = [8, 512], strides = [1, 1]} : vector<16x512xi32> to vector<8x512xi32>
    %select_n3A_1367 = arith.select %le3A_1361, %slice3A_1365, %slice3A_1366 : vector<8x512xi1>, vector<8x512xi32>
    %slice3A_1368 = vector.extract_strided_slice %min3A_1364 {offsets = [0, 0], sizes = [4, 512], strides = [1, 1]} : vector<8x512xf32> to vector<4x512xf32>
    %slice3A_1369 = vector.extract_strided_slice %min3A_1364 {offsets = [4, 0], sizes = [4, 512], strides = [1, 1]} : vector<8x512xf32> to vector<4x512xf32>
    %le3A_1370 = arith.cmpf ole, %slice3A_1368, %slice3A_1369 : vector<4x512xf32>
    %slice3A_1371 = vector.extract_strided_slice %min3A_1364 {offsets = [0, 0], sizes = [4, 512], strides = [1, 1]} : vector<8x512xf32> to vector<4x512xf32>
    %slice3A_1372 = vector.extract_strided_slice %min3A_1364 {offsets = [4, 0], sizes = [4, 512], strides = [1, 1]} : vector<8x512xf32> to vector<4x512xf32>
    %min3A_1373 = arith.minimumf %slice3A_1371, %slice3A_1372 : vector<4x512xf32>
    %slice3A_1374 = vector.extract_strided_slice %select_n3A_1367 {offsets = [0, 0], sizes = [4, 512], strides = [1, 1]} : vector<8x512xi32> to vector<4x512xi32>
    %slice3A_1375 = vector.extract_strided_slice %select_n3A_1367 {offsets = [4, 0], sizes = [4, 512], strides = [1, 1]} : vector<8x512xi32> to vector<4x512xi32>
    %select_n3A_1376 = arith.select %le3A_1370, %slice3A_1374, %slice3A_1375 : vector<4x512xi1>, vector<4x512xi32>
    %slice3A_1377 = vector.extract_strided_slice %min3A_1373 {offsets = [0, 0], sizes = [2, 512], strides = [1, 1]} : vector<4x512xf32> to vector<2x512xf32>
    %slice3A_1378 = vector.extract_strided_slice %min3A_1373 {offsets = [2, 0], sizes = [2, 512], strides = [1, 1]} : vector<4x512xf32> to vector<2x512xf32>
    %le3A_1379 = arith.cmpf ole, %slice3A_1377, %slice3A_1378 : vector<2x512xf32>
    %slice3A_1380 = vector.extract_strided_slice %min3A_1373 {offsets = [0, 0], sizes = [2, 512], strides = [1, 1]} : vector<4x512xf32> to vector<2x512xf32>
    %slice3A_1381 = vector.extract_strided_slice %min3A_1373 {offsets = [2, 0], sizes = [2, 512], strides = [1, 1]} : vector<4x512xf32> to vector<2x512xf32>
    %min3A_1382 = arith.minimumf %slice3A_1380, %slice3A_1381 : vector<2x512xf32>
    %slice3A_1383 = vector.extract_strided_slice %select_n3A_1376 {offsets = [0, 0], sizes = [2, 512], strides = [1, 1]} : vector<4x512xi32> to vector<2x512xi32>
    %slice3A_1384 = vector.extract_strided_slice %select_n3A_1376 {offsets = [2, 0], sizes = [2, 512], strides = [1, 1]} : vector<4x512xi32> to vector<2x512xi32>
    %select_n3A_1385 = arith.select %le3A_1379, %slice3A_1383, %slice3A_1384 : vector<2x512xi1>, vector<2x512xi32>
    %slice3A_1386 = vector.extract_strided_slice %min3A_1382 {offsets = [0, 0], sizes = [1, 512], strides = [1, 1]} : vector<2x512xf32> to vector<1x512xf32>
    %slice3A_1387 = vector.extract_strided_slice %min3A_1382 {offsets = [1, 0], sizes = [1, 512], strides = [1, 1]} : vector<2x512xf32> to vector<1x512xf32>
    %le3A_1388 = arith.cmpf ole, %slice3A_1386, %slice3A_1387 : vector<1x512xf32>
    %slice3A_1389 = vector.extract_strided_slice %min3A_1382 {offsets = [0, 0], sizes = [1, 512], strides = [1, 1]} : vector<2x512xf32> to vector<1x512xf32>
    %slice3A_1390 = vector.extract_strided_slice %min3A_1382 {offsets = [1, 0], sizes = [1, 512], strides = [1, 1]} : vector<2x512xf32> to vector<1x512xf32>
    %min3A_1391 = arith.minimumf %slice3A_1389, %slice3A_1390 : vector<1x512xf32>
    %slice3A_1392 = vector.extract_strided_slice %select_n3A_1385 {offsets = [0, 0], sizes = [1, 512], strides = [1, 1]} : vector<2x512xi32> to vector<1x512xi32>
    %slice3A_1393 = vector.extract_strided_slice %select_n3A_1385 {offsets = [1, 0], sizes = [1, 512], strides = [1, 1]} : vector<2x512xi32> to vector<1x512xi32>
    %select_n3A_1394 = arith.select %le3A_1388, %slice3A_1392, %slice3A_1393 : vector<1x512xi1>, vector<1x512xi32>
    %eq3A_1395 = vector.broadcast %select_n3A_1394 : vector<1x512xi32> to vector<16x512xi32>
    %eq3A_1396 = arith.cmpi eq, %select_n3A_1355, %eq3A_1395 : vector<16x512xi32>
    %select_n3A_1397 = arith.select %eq3A_1396, %select_n3A_1358, %select_n3A_1354 : vector<16x512xi1>, vector<16x512xf32>
    %select_n3A_1398 = arith.select %eq3A_1396, %select_n3A_1186, %select_n3A_1355 : vector<16x512xi1>, vector<16x512xi32>
    %jit3A_1399 = arith.constant 0x7F800000 : f32
    %broadcast_in_dim3A_1400 = vector.broadcast %jit3A_1399 : f32 to vector<16x512xf32>
    %select_n3A_1401 = arith.select %eq3A_1396, %broadcast_in_dim3A_1400, %select_n3A_1358 : vector<16x512xi1>, vector<16x512xf32>
    %slice3A_1402 = vector.extract_strided_slice %select_n3A_1397 {offsets = [0, 0], sizes = [8, 512], strides = [1, 1]} : vector<16x512xf32> to vector<8x512xf32>
    %slice3A_1403 = vector.extract_strided_slice %select_n3A_1397 {offsets = [8, 0], sizes = [8, 512], strides = [1, 1]} : vector<16x512xf32> to vector<8x512xf32>
    %le3A_1404 = arith.cmpf ole, %slice3A_1402, %slice3A_1403 : vector<8x512xf32>
    %slice3A_1405 = vector.extract_strided_slice %select_n3A_1397 {offsets = [0, 0], sizes = [8, 512], strides = [1, 1]} : vector<16x512xf32> to vector<8x512xf32>
    %slice3A_1406 = vector.extract_strided_slice %select_n3A_1397 {offsets = [8, 0], sizes = [8, 512], strides = [1, 1]} : vector<16x512xf32> to vector<8x512xf32>
    %min3A_1407 = arith.minimumf %slice3A_1405, %slice3A_1406 : vector<8x512xf32>
    %slice3A_1408 = vector.extract_strided_slice %select_n3A_1398 {offsets = [0, 0], sizes = [8, 512], strides = [1, 1]} : vector<16x512xi32> to vector<8x512xi32>
    %slice3A_1409 = vector.extract_strided_slice %select_n3A_1398 {offsets = [8, 0], sizes = [8, 512], strides = [1, 1]} : vector<16x512xi32> to vector<8x512xi32>
    %select_n3A_1410 = arith.select %le3A_1404, %slice3A_1408, %slice3A_1409 : vector<8x512xi1>, vector<8x512xi32>
    %slice3A_1411 = vector.extract_strided_slice %min3A_1407 {offsets = [0, 0], sizes = [4, 512], strides = [1, 1]} : vector<8x512xf32> to vector<4x512xf32>
    %slice3A_1412 = vector.extract_strided_slice %min3A_1407 {offsets = [4, 0], sizes = [4, 512], strides = [1, 1]} : vector<8x512xf32> to vector<4x512xf32>
    %le3A_1413 = arith.cmpf ole, %slice3A_1411, %slice3A_1412 : vector<4x512xf32>
    %slice3A_1414 = vector.extract_strided_slice %min3A_1407 {offsets = [0, 0], sizes = [4, 512], strides = [1, 1]} : vector<8x512xf32> to vector<4x512xf32>
    %slice3A_1415 = vector.extract_strided_slice %min3A_1407 {offsets = [4, 0], sizes = [4, 512], strides = [1, 1]} : vector<8x512xf32> to vector<4x512xf32>
    %min3A_1416 = arith.minimumf %slice3A_1414, %slice3A_1415 : vector<4x512xf32>
    %slice3A_1417 = vector.extract_strided_slice %select_n3A_1410 {offsets = [0, 0], sizes = [4, 512], strides = [1, 1]} : vector<8x512xi32> to vector<4x512xi32>
    %slice3A_1418 = vector.extract_strided_slice %select_n3A_1410 {offsets = [4, 0], sizes = [4, 512], strides = [1, 1]} : vector<8x512xi32> to vector<4x512xi32>
    %select_n3A_1419 = arith.select %le3A_1413, %slice3A_1417, %slice3A_1418 : vector<4x512xi1>, vector<4x512xi32>
    %slice3A_1420 = vector.extract_strided_slice %min3A_1416 {offsets = [0, 0], sizes = [2, 512], strides = [1, 1]} : vector<4x512xf32> to vector<2x512xf32>
    %slice3A_1421 = vector.extract_strided_slice %min3A_1416 {offsets = [2, 0], sizes = [2, 512], strides = [1, 1]} : vector<4x512xf32> to vector<2x512xf32>
    %le3A_1422 = arith.cmpf ole, %slice3A_1420, %slice3A_1421 : vector<2x512xf32>
    %slice3A_1423 = vector.extract_strided_slice %min3A_1416 {offsets = [0, 0], sizes = [2, 512], strides = [1, 1]} : vector<4x512xf32> to vector<2x512xf32>
    %slice3A_1424 = vector.extract_strided_slice %min3A_1416 {offsets = [2, 0], sizes = [2, 512], strides = [1, 1]} : vector<4x512xf32> to vector<2x512xf32>
    %min3A_1425 = arith.minimumf %slice3A_1423, %slice3A_1424 : vector<2x512xf32>
    %slice3A_1426 = vector.extract_strided_slice %select_n3A_1419 {offsets = [0, 0], sizes = [2, 512], strides = [1, 1]} : vector<4x512xi32> to vector<2x512xi32>
    %slice3A_1427 = vector.extract_strided_slice %select_n3A_1419 {offsets = [2, 0], sizes = [2, 512], strides = [1, 1]} : vector<4x512xi32> to vector<2x512xi32>
    %select_n3A_1428 = arith.select %le3A_1422, %slice3A_1426, %slice3A_1427 : vector<2x512xi1>, vector<2x512xi32>
    %slice3A_1429 = vector.extract_strided_slice %min3A_1425 {offsets = [0, 0], sizes = [1, 512], strides = [1, 1]} : vector<2x512xf32> to vector<1x512xf32>
    %slice3A_1430 = vector.extract_strided_slice %min3A_1425 {offsets = [1, 0], sizes = [1, 512], strides = [1, 1]} : vector<2x512xf32> to vector<1x512xf32>
    %le3A_1431 = arith.cmpf ole, %slice3A_1429, %slice3A_1430 : vector<1x512xf32>
    %slice3A_1432 = vector.extract_strided_slice %min3A_1425 {offsets = [0, 0], sizes = [1, 512], strides = [1, 1]} : vector<2x512xf32> to vector<1x512xf32>
    %slice3A_1433 = vector.extract_strided_slice %min3A_1425 {offsets = [1, 0], sizes = [1, 512], strides = [1, 1]} : vector<2x512xf32> to vector<1x512xf32>
    %min3A_1434 = arith.minimumf %slice3A_1432, %slice3A_1433 : vector<1x512xf32>
    %slice3A_1435 = vector.extract_strided_slice %select_n3A_1428 {offsets = [0, 0], sizes = [1, 512], strides = [1, 1]} : vector<2x512xi32> to vector<1x512xi32>
    %slice3A_1436 = vector.extract_strided_slice %select_n3A_1428 {offsets = [1, 0], sizes = [1, 512], strides = [1, 1]} : vector<2x512xi32> to vector<1x512xi32>
    %select_n3A_1437 = arith.select %le3A_1431, %slice3A_1435, %slice3A_1436 : vector<1x512xi1>, vector<1x512xi32>
    %eq3A_1438 = vector.broadcast %select_n3A_1437 : vector<1x512xi32> to vector<16x512xi32>
    %eq3A_1439 = arith.cmpi eq, %select_n3A_1398, %eq3A_1438 : vector<16x512xi32>
    %select_n3A_1440 = arith.select %eq3A_1439, %select_n3A_1401, %select_n3A_1397 : vector<16x512xi1>, vector<16x512xf32>
    %select_n3A_1441 = arith.select %eq3A_1439, %select_n3A_1186, %select_n3A_1398 : vector<16x512xi1>, vector<16x512xi32>
    %jit3A_1442 = arith.constant 0x7F800000 : f32
    %broadcast_in_dim3A_1443 = vector.broadcast %jit3A_1442 : f32 to vector<16x512xf32>
    %select_n3A_1444 = arith.select %eq3A_1439, %broadcast_in_dim3A_1443, %select_n3A_1401 : vector<16x512xi1>, vector<16x512xf32>
    %slice3A_1445 = vector.extract_strided_slice %select_n3A_1440 {offsets = [0, 0], sizes = [8, 512], strides = [1, 1]} : vector<16x512xf32> to vector<8x512xf32>
    %slice3A_1446 = vector.extract_strided_slice %select_n3A_1440 {offsets = [8, 0], sizes = [8, 512], strides = [1, 1]} : vector<16x512xf32> to vector<8x512xf32>
    %le3A_1447 = arith.cmpf ole, %slice3A_1445, %slice3A_1446 : vector<8x512xf32>
    %slice3A_1448 = vector.extract_strided_slice %select_n3A_1440 {offsets = [0, 0], sizes = [8, 512], strides = [1, 1]} : vector<16x512xf32> to vector<8x512xf32>
    %slice3A_1449 = vector.extract_strided_slice %select_n3A_1440 {offsets = [8, 0], sizes = [8, 512], strides = [1, 1]} : vector<16x512xf32> to vector<8x512xf32>
    %min3A_1450 = arith.minimumf %slice3A_1448, %slice3A_1449 : vector<8x512xf32>
    %slice3A_1451 = vector.extract_strided_slice %select_n3A_1441 {offsets = [0, 0], sizes = [8, 512], strides = [1, 1]} : vector<16x512xi32> to vector<8x512xi32>
    %slice3A_1452 = vector.extract_strided_slice %select_n3A_1441 {offsets = [8, 0], sizes = [8, 512], strides = [1, 1]} : vector<16x512xi32> to vector<8x512xi32>
    %select_n3A_1453 = arith.select %le3A_1447, %slice3A_1451, %slice3A_1452 : vector<8x512xi1>, vector<8x512xi32>
    %slice3A_1454 = vector.extract_strided_slice %min3A_1450 {offsets = [0, 0], sizes = [4, 512], strides = [1, 1]} : vector<8x512xf32> to vector<4x512xf32>
    %slice3A_1455 = vector.extract_strided_slice %min3A_1450 {offsets = [4, 0], sizes = [4, 512], strides = [1, 1]} : vector<8x512xf32> to vector<4x512xf32>
    %le3A_1456 = arith.cmpf ole, %slice3A_1454, %slice3A_1455 : vector<4x512xf32>
    %slice3A_1457 = vector.extract_strided_slice %min3A_1450 {offsets = [0, 0], sizes = [4, 512], strides = [1, 1]} : vector<8x512xf32> to vector<4x512xf32>
    %slice3A_1458 = vector.extract_strided_slice %min3A_1450 {offsets = [4, 0], sizes = [4, 512], strides = [1, 1]} : vector<8x512xf32> to vector<4x512xf32>
    %min3A_1459 = arith.minimumf %slice3A_1457, %slice3A_1458 : vector<4x512xf32>
    %slice3A_1460 = vector.extract_strided_slice %select_n3A_1453 {offsets = [0, 0], sizes = [4, 512], strides = [1, 1]} : vector<8x512xi32> to vector<4x512xi32>
    %slice3A_1461 = vector.extract_strided_slice %select_n3A_1453 {offsets = [4, 0], sizes = [4, 512], strides = [1, 1]} : vector<8x512xi32> to vector<4x512xi32>
    %select_n3A_1462 = arith.select %le3A_1456, %slice3A_1460, %slice3A_1461 : vector<4x512xi1>, vector<4x512xi32>
    %slice3A_1463 = vector.extract_strided_slice %min3A_1459 {offsets = [0, 0], sizes = [2, 512], strides = [1, 1]} : vector<4x512xf32> to vector<2x512xf32>
    %slice3A_1464 = vector.extract_strided_slice %min3A_1459 {offsets = [2, 0], sizes = [2, 512], strides = [1, 1]} : vector<4x512xf32> to vector<2x512xf32>
    %le3A_1465 = arith.cmpf ole, %slice3A_1463, %slice3A_1464 : vector<2x512xf32>
    %slice3A_1466 = vector.extract_strided_slice %min3A_1459 {offsets = [0, 0], sizes = [2, 512], strides = [1, 1]} : vector<4x512xf32> to vector<2x512xf32>
    %slice3A_1467 = vector.extract_strided_slice %min3A_1459 {offsets = [2, 0], sizes = [2, 512], strides = [1, 1]} : vector<4x512xf32> to vector<2x512xf32>
    %min3A_1468 = arith.minimumf %slice3A_1466, %slice3A_1467 : vector<2x512xf32>
    %slice3A_1469 = vector.extract_strided_slice %select_n3A_1462 {offsets = [0, 0], sizes = [2, 512], strides = [1, 1]} : vector<4x512xi32> to vector<2x512xi32>
    %slice3A_1470 = vector.extract_strided_slice %select_n3A_1462 {offsets = [2, 0], sizes = [2, 512], strides = [1, 1]} : vector<4x512xi32> to vector<2x512xi32>
    %select_n3A_1471 = arith.select %le3A_1465, %slice3A_1469, %slice3A_1470 : vector<2x512xi1>, vector<2x512xi32>
    %slice3A_1472 = vector.extract_strided_slice %min3A_1468 {offsets = [0, 0], sizes = [1, 512], strides = [1, 1]} : vector<2x512xf32> to vector<1x512xf32>
    %slice3A_1473 = vector.extract_strided_slice %min3A_1468 {offsets = [1, 0], sizes = [1, 512], strides = [1, 1]} : vector<2x512xf32> to vector<1x512xf32>
    %le3A_1474 = arith.cmpf ole, %slice3A_1472, %slice3A_1473 : vector<1x512xf32>
    %slice3A_1475 = vector.extract_strided_slice %min3A_1468 {offsets = [0, 0], sizes = [1, 512], strides = [1, 1]} : vector<2x512xf32> to vector<1x512xf32>
    %slice3A_1476 = vector.extract_strided_slice %min3A_1468 {offsets = [1, 0], sizes = [1, 512], strides = [1, 1]} : vector<2x512xf32> to vector<1x512xf32>
    %min3A_1477 = arith.minimumf %slice3A_1475, %slice3A_1476 : vector<1x512xf32>
    %slice3A_1478 = vector.extract_strided_slice %select_n3A_1471 {offsets = [0, 0], sizes = [1, 512], strides = [1, 1]} : vector<2x512xi32> to vector<1x512xi32>
    %slice3A_1479 = vector.extract_strided_slice %select_n3A_1471 {offsets = [1, 0], sizes = [1, 512], strides = [1, 1]} : vector<2x512xi32> to vector<1x512xi32>
    %select_n3A_1480 = arith.select %le3A_1474, %slice3A_1478, %slice3A_1479 : vector<1x512xi1>, vector<1x512xi32>
    %eq3A_1481 = vector.broadcast %select_n3A_1480 : vector<1x512xi32> to vector<16x512xi32>
    %eq3A_1482 = arith.cmpi eq, %select_n3A_1441, %eq3A_1481 : vector<16x512xi32>
    %select_n3A_1483 = arith.select %eq3A_1482, %select_n3A_1444, %select_n3A_1440 : vector<16x512xi1>, vector<16x512xf32>
    %select_n3A_1484 = arith.select %eq3A_1482, %select_n3A_1186, %select_n3A_1441 : vector<16x512xi1>, vector<16x512xi32>
    %slice3A_1485 = vector.extract_strided_slice %select_n3A_1483 {offsets = [0, 0], sizes = [8, 512], strides = [1, 1]} : vector<16x512xf32> to vector<8x512xf32>
    %slice3A_1486 = vector.extract_strided_slice %select_n3A_1483 {offsets = [8, 0], sizes = [8, 512], strides = [1, 1]} : vector<16x512xf32> to vector<8x512xf32>
    %le3A_1487 = arith.cmpf ole, %slice3A_1485, %slice3A_1486 : vector<8x512xf32>
    %slice3A_1488 = vector.extract_strided_slice %select_n3A_1483 {offsets = [0, 0], sizes = [8, 512], strides = [1, 1]} : vector<16x512xf32> to vector<8x512xf32>
    %slice3A_1489 = vector.extract_strided_slice %select_n3A_1483 {offsets = [8, 0], sizes = [8, 512], strides = [1, 1]} : vector<16x512xf32> to vector<8x512xf32>
    %min3A_1490 = arith.minimumf %slice3A_1488, %slice3A_1489 : vector<8x512xf32>
    %slice3A_1491 = vector.extract_strided_slice %select_n3A_1484 {offsets = [0, 0], sizes = [8, 512], strides = [1, 1]} : vector<16x512xi32> to vector<8x512xi32>
    %slice3A_1492 = vector.extract_strided_slice %select_n3A_1484 {offsets = [8, 0], sizes = [8, 512], strides = [1, 1]} : vector<16x512xi32> to vector<8x512xi32>
    %select_n3A_1493 = arith.select %le3A_1487, %slice3A_1491, %slice3A_1492 : vector<8x512xi1>, vector<8x512xi32>
    %slice3A_1494 = vector.extract_strided_slice %min3A_1490 {offsets = [0, 0], sizes = [4, 512], strides = [1, 1]} : vector<8x512xf32> to vector<4x512xf32>
    %slice3A_1495 = vector.extract_strided_slice %min3A_1490 {offsets = [4, 0], sizes = [4, 512], strides = [1, 1]} : vector<8x512xf32> to vector<4x512xf32>
    %le3A_1496 = arith.cmpf ole, %slice3A_1494, %slice3A_1495 : vector<4x512xf32>
    %slice3A_1497 = vector.extract_strided_slice %min3A_1490 {offsets = [0, 0], sizes = [4, 512], strides = [1, 1]} : vector<8x512xf32> to vector<4x512xf32>
    %slice3A_1498 = vector.extract_strided_slice %min3A_1490 {offsets = [4, 0], sizes = [4, 512], strides = [1, 1]} : vector<8x512xf32> to vector<4x512xf32>
    %min3A_1499 = arith.minimumf %slice3A_1497, %slice3A_1498 : vector<4x512xf32>
    %slice3A_1500 = vector.extract_strided_slice %select_n3A_1493 {offsets = [0, 0], sizes = [4, 512], strides = [1, 1]} : vector<8x512xi32> to vector<4x512xi32>
    %slice3A_1501 = vector.extract_strided_slice %select_n3A_1493 {offsets = [4, 0], sizes = [4, 512], strides = [1, 1]} : vector<8x512xi32> to vector<4x512xi32>
    %select_n3A_1502 = arith.select %le3A_1496, %slice3A_1500, %slice3A_1501 : vector<4x512xi1>, vector<4x512xi32>
    %slice3A_1503 = vector.extract_strided_slice %min3A_1499 {offsets = [0, 0], sizes = [2, 512], strides = [1, 1]} : vector<4x512xf32> to vector<2x512xf32>
    %slice3A_1504 = vector.extract_strided_slice %min3A_1499 {offsets = [2, 0], sizes = [2, 512], strides = [1, 1]} : vector<4x512xf32> to vector<2x512xf32>
    %le3A_1505 = arith.cmpf ole, %slice3A_1503, %slice3A_1504 : vector<2x512xf32>
    %slice3A_1506 = vector.extract_strided_slice %min3A_1499 {offsets = [0, 0], sizes = [2, 512], strides = [1, 1]} : vector<4x512xf32> to vector<2x512xf32>
    %slice3A_1507 = vector.extract_strided_slice %min3A_1499 {offsets = [2, 0], sizes = [2, 512], strides = [1, 1]} : vector<4x512xf32> to vector<2x512xf32>
    %min3A_1508 = arith.minimumf %slice3A_1506, %slice3A_1507 : vector<2x512xf32>
    %slice3A_1509 = vector.extract_strided_slice %select_n3A_1502 {offsets = [0, 0], sizes = [2, 512], strides = [1, 1]} : vector<4x512xi32> to vector<2x512xi32>
    %slice3A_1510 = vector.extract_strided_slice %select_n3A_1502 {offsets = [2, 0], sizes = [2, 512], strides = [1, 1]} : vector<4x512xi32> to vector<2x512xi32>
    %select_n3A_1511 = arith.select %le3A_1505, %slice3A_1509, %slice3A_1510 : vector<2x512xi1>, vector<2x512xi32>
    %slice3A_1512 = vector.extract_strided_slice %min3A_1508 {offsets = [0, 0], sizes = [1, 512], strides = [1, 1]} : vector<2x512xf32> to vector<1x512xf32>
    %slice3A_1513 = vector.extract_strided_slice %min3A_1508 {offsets = [1, 0], sizes = [1, 512], strides = [1, 1]} : vector<2x512xf32> to vector<1x512xf32>
    %le3A_1514 = arith.cmpf ole, %slice3A_1512, %slice3A_1513 : vector<1x512xf32>
    %slice3A_1515 = vector.extract_strided_slice %min3A_1508 {offsets = [0, 0], sizes = [1, 512], strides = [1, 1]} : vector<2x512xf32> to vector<1x512xf32>
    %slice3A_1516 = vector.extract_strided_slice %min3A_1508 {offsets = [1, 0], sizes = [1, 512], strides = [1, 1]} : vector<2x512xf32> to vector<1x512xf32>
    %min3A_1517 = arith.minimumf %slice3A_1515, %slice3A_1516 : vector<1x512xf32>
    %slice3A_1518 = vector.extract_strided_slice %select_n3A_1511 {offsets = [0, 0], sizes = [1, 512], strides = [1, 1]} : vector<2x512xi32> to vector<1x512xi32>
    %slice3A_1519 = vector.extract_strided_slice %select_n3A_1511 {offsets = [1, 0], sizes = [1, 512], strides = [1, 1]} : vector<2x512xi32> to vector<1x512xi32>
    %select_n3A_1520 = arith.select %le3A_1514, %slice3A_1518, %slice3A_1519 : vector<1x512xi1>, vector<1x512xi32>
    %concatenate3A_1521 = tpu.concatenate %min3A_1219, %min3A_1262, %min3A_1305, %min3A_1348, %min3A_1391, %min3A_1434, %min3A_1477, %min3A_1517 in 0 : vector<1x512xf32>, vector<1x512xf32>, vector<1x512xf32>, vector<1x512xf32>, vector<1x512xf32>, vector<1x512xf32>, vector<1x512xf32>, vector<1x512xf32> -> vector<8x512xf32>
    %concatenate3A_1522 = tpu.concatenate %select_n3A_1222, %select_n3A_1265, %select_n3A_1308, %select_n3A_1351, %select_n3A_1394, %select_n3A_1437, %select_n3A_1480, %select_n3A_1520 in 0 : vector<1x512xi32>, vector<1x512xi32>, vector<1x512xi32>, vector<1x512xi32>, vector<1x512xi32>, vector<1x512xi32>, vector<1x512xi32>, vector<1x512xi32> -> vector<8x512xi32>
    %swap3A = arith.constant 0 : index
    %swap3A_1523 = arith.constant 0 : index
    %swap3A_1524 = vector.load %arg6[%swap3A, %swap3A_1523] : memref<8x512xf32, #tpu.memory_space<vmem>>, vector<8x512xf32>
    tpu.vector_store %arg6[%swap3A, %swap3A_1523], %concatenate3A_1521 {strides = array<i32>} : memref<8x512xf32, #tpu.memory_space<vmem>>, vector<8x512xf32>,
    %swap3A_1525 = arith.constant 0 : index
    %swap3A_1526 = arith.constant 0 : index
    %swap3A_1527 = vector.load %arg7[%swap3A_1525, %swap3A_1526] : memref<8x512xi32, #tpu.memory_space<vmem>>, vector<8x512xi32>
    tpu.vector_store %arg7[%swap3A_1525, %swap3A_1526], %concatenate3A_1522 {strides = array<i32>} : memref<8x512xi32, #tpu.memory_space<vmem>>, vector<8x512xi32>,
    %eq3A_1528 = arith.constant 31 : i32
    %eq3A_1529 = arith.cmpi eq, %arg1, %eq3A_1528 : i32
    %convert_element_type3A_1530 = arith.extui %eq3A_1529 : i1 to i32
    %cond3A_1531 = arith.constant 0 : i32
    %cond3A_1532 = arith.cmpi ne, %convert_element_type3A_1530, %cond3A_1531 : i32
    scf.if %cond3A_1532 {
      %get3A_1533 = arith.constant 0 : index
      %get3A_1534 = arith.constant 0 : index
      %get3A_1535 = vector.load %arg7[%get3A_1533, %get3A_1534] : memref<8x512xi32, #tpu.memory_space<vmem>>, vector<8x512xi32>
      %eq3A_1536 = arith.constant 0 : i32
      %eq3A_1537 = vector.broadcast %eq3A_1536 : i32 to vector<8x512xi32>
      %eq3A_1538 = arith.cmpi eq, %get3A_1535, %eq3A_1537 : vector<8x512xi32>
      %slice3A_1539 = vector.extract_strided_slice %get3A_1535 {offsets = [0, 0], sizes = [1, 512], strides = [1, 1]} : vector<8x512xi32> to vector<1x512xi32>
      %broadcast_in_dim3A_1540 = vector.shape_cast %slice3A_1539 : vector<1x512xi32> to vector<1x512xi32>
      %broadcast_in_dim3A_1541 = vector.broadcast %broadcast_in_dim3A_1540 : vector<1x512xi32> to vector<8x512xi32>
      %select_n3A_1542 = arith.select %eq3A_1538, %broadcast_in_dim3A_1541, %get3A_1535 : vector<8x512xi1>, vector<8x512xi32>
      %swap3A_1543 = arith.constant 0 : index
      %swap3A_1544 = arith.constant 0 : index
      %swap3A_1545 = vector.load %arg4[%swap3A_1543, %swap3A_1544] : memref<8x512xi32, #tpu.memory_space<vmem>>, vector<8x512xi32>
      tpu.vector_store %arg4[%swap3A_1543, %swap3A_1544], %select_n3A_1542 {strides = array<i32>} : memref<8x512xi32, #tpu.memory_space<vmem>>, vector<8x512xi32>,
      %get3A_1546 = arith.constant 0 : index
      %get3A_1547 = arith.constant 0 : index
      %get3A_1548 = vector.load %arg6[%get3A_1546, %get3A_1547] : memref<8x512xf32, #tpu.memory_space<vmem>>, vector<8x512xf32>
      %sqrt3A = math.sqrt %get3A_1548 : vector<8x512xf32>
      %slice3A_1549 = vector.extract_strided_slice %sqrt3A {offsets = [0, 0], sizes = [1, 512], strides = [1, 1]} : vector<8x512xf32> to vector<1x512xf32>
      %broadcast_in_dim3A_1550 = vector.shape_cast %slice3A_1549 : vector<1x512xf32> to vector<1x512xf32>
      %broadcast_in_dim3A_1551 = vector.broadcast %broadcast_in_dim3A_1550 : vector<1x512xf32> to vector<8x512xf32>
      %select_n3A_1552 = arith.select %eq3A_1538, %broadcast_in_dim3A_1551, %sqrt3A : vector<8x512xi1>, vector<8x512xf32>
      %swap3A_1553 = arith.constant 0 : index
      %swap3A_1554 = arith.constant 0 : index
      %swap3A_1555 = vector.load %arg5[%swap3A_1553, %swap3A_1554] : memref<8x512xf32, #tpu.memory_space<vmem>>, vector<8x512xf32>
      tpu.vector_store %arg5[%swap3A_1553, %swap3A_1554], %select_n3A_1552 {strides = array<i32>} : memref<8x512xf32, #tpu.memory_space<vmem>>, vector<8x512xf32>,
    } else {
    }
    return
  }
  func.func @transform_0(%arg0: i32, %arg1: i32) -> (i32, i32) {
    %c0_i32 = arith.constant 0 : i32
    %c0_i32_0 = arith.constant 0 : i32
    return %c0_i32, %arg0 : i32, i32
  }
  func.func @transform_1(%arg0: i32, %arg1: i32) -> (i32, i32) {
    %c0_i32 = arith.constant 0 : i32
    %c0_i32_0 = arith.constant 0 : i32
    return %arg1, %c0_i32 : i32, i32
  }
  func.func @transform_2(%arg0: i32, %arg1: i32) -> (i32, i32) {
    %c0_i32 = arith.constant 0 : i32
    %c0_i32_0 = arith.constant 0 : i32
    return %c0_i32, %arg0 : i32, i32
  }
  func.func @transform_3(%arg0: i32, %arg1: i32) -> (i32, i32) {
    %c0_i32 = arith.constant 0 : i32
    %c0_i32_0 = arith.constant 0 : i32
    return %c0_i32, %arg0 : i32, i32
  }
}

module attributes {stable_mosaic.version = 14 : i64} {
  func.func @_gw_body(%arg0: i32, %arg1: memref<4096x16xf32, #tpu.memory_space<vmem>>, %arg2: memref<4096x3xf32, #tpu.memory_space<vmem>>, %arg3: memref<4096x1xf32, #tpu.memory_space<vmem>>, %arg4: memref<3x32xf32, #tpu.memory_space<vmem>>, %arg5: memref<3x32xf32, #tpu.memory_space<vmem>>, %arg6: memref<3x32xf32, #tpu.memory_space<vmem>>, %arg7: memref<1x32xf32, #tpu.memory_space<vmem>>, %arg8: memref<1x32xf32, #tpu.memory_space<vmem>>, %arg9: memref<4096x32xf32, #tpu.memory_space<vmem>>, %arg10: memref<2x32xf32, #tpu.memory_space<vmem>>) attributes {dimension_semantics = [#tpu.dimension_semantics<arbitrary>], iteration_bounds = array<i64: 32>, scalar_prefetch = 0 : i64, scratch_operands = 0 : i64, tpu.core_type = #tpu.core_type<tc>, window_params = [{transform_indices = @transform_0, window_bounds = array<i64: 4096, 16>}, {transform_indices = @transform_1, window_bounds = array<i64: 4096, 3>}, {transform_indices = @transform_2, window_bounds = array<i64: 4096, 1>}, {pipeline_mode = #tpu.pipeline_mode<synchronous>, transform_indices = @transform_3, window_bounds = array<i64: 3, 32>}, {pipeline_mode = #tpu.pipeline_mode<synchronous>, transform_indices = @transform_4, window_bounds = array<i64: 3, 32>}, {pipeline_mode = #tpu.pipeline_mode<synchronous>, transform_indices = @transform_5, window_bounds = array<i64: 3, 32>}, {pipeline_mode = #tpu.pipeline_mode<synchronous>, transform_indices = @transform_6, window_bounds = array<i64: 1, 32>}, {pipeline_mode = #tpu.pipeline_mode<synchronous>, transform_indices = @transform_7, window_bounds = array<i64: 1, 32>}, {transform_indices = @transform_8, window_bounds = array<i64: 4096, 32>}, {pipeline_mode = #tpu.pipeline_mode<synchronous>, transform_indices = @transform_9, window_bounds = array<i64: 2, 32>}]} {
    %get3A = arith.constant 0 : index
    %get3A_0 = arith.constant 0 : index
    %get3A_1 = vector.load %arg1[%get3A, %get3A_0] : memref<4096x16xf32, #tpu.memory_space<vmem>>, vector<4096x16xf32>
    %slice3A = vector.extract_strided_slice %get3A_1 {offsets = [0, 0], sizes = [4096, 3], strides = [1, 1]} : vector<4096x16xf32> to vector<4096x3xf32>
    %get3A_2 = arith.constant 0 : index
    %get3A_3 = arith.constant 0 : index
    %get3A_4 = vector.load %arg2[%get3A_2, %get3A_3] : memref<4096x3xf32, #tpu.memory_space<vmem>>, vector<4096x3xf32>
    %sub3A = arith.subf %slice3A, %get3A_4 : vector<4096x3xf32>
    %get3A_5 = arith.constant 0 : index
    %get3A_6 = arith.constant 0 : index
    %get3A_7 = vector.load %arg4[%get3A_5, %get3A_6] : memref<3x32xf32, #tpu.memory_space<vmem>>, vector<3x32xf32>
    %dot_general3A = arith.constant dense<0.000000e+00> : vector<4096x32xf32>
    %dot_general3A_8 = tpu.matmul %sub3A, %get3A_7, %dot_general3A {dimension_numbers = #tpu.dot_dimension_numbers<[1], [0], [0], [1], [0, 0, 1, 1], [], []>, transpose_lhs_hint = false} : vector<4096x3xf32>, vector<3x32xf32>, vector<4096x32xf32> -> vector<4096x32xf32>
    %get3A_9 = arith.constant 0 : index
    %get3A_10 = arith.constant 0 : index
    %get3A_11 = vector.load %arg5[%get3A_9, %get3A_10] : memref<3x32xf32, #tpu.memory_space<vmem>>, vector<3x32xf32>
    %dot_general3A_12 = arith.constant dense<0.000000e+00> : vector<4096x32xf32>
    %dot_general3A_13 = tpu.matmul %get3A_4, %get3A_11, %dot_general3A_12 {dimension_numbers = #tpu.dot_dimension_numbers<[1], [0], [0], [1], [0, 0, 1, 1], [], []>, transpose_lhs_hint = false} : vector<4096x3xf32>, vector<3x32xf32>, vector<4096x32xf32> -> vector<4096x32xf32>
    %add3A = arith.addf %dot_general3A_8, %dot_general3A_13 : vector<4096x32xf32>
    %get3A_14 = arith.constant 0 : index
    %get3A_15 = arith.constant 0 : index
    %get3A_16 = vector.load %arg6[%get3A_14, %get3A_15] : memref<3x32xf32, #tpu.memory_space<vmem>>, vector<3x32xf32>
    %dot_general3A_17 = arith.constant dense<0.000000e+00> : vector<4096x32xf32>
    %dot_general3A_18 = tpu.matmul %slice3A, %get3A_16, %dot_general3A_17 {dimension_numbers = #tpu.dot_dimension_numbers<[1], [0], [0], [1], [0, 0, 1, 1], [], []>, transpose_lhs_hint = false} : vector<4096x3xf32>, vector<3x32xf32>, vector<4096x32xf32> -> vector<4096x32xf32>
    %add3A_19 = arith.addf %add3A, %dot_general3A_18 : vector<4096x32xf32>
    %get3A_20 = arith.constant 0 : index
    %get3A_21 = arith.constant 0 : index
    %get3A_22 = vector.load %arg3[%get3A_20, %get3A_21] : memref<4096x1xf32, #tpu.memory_space<vmem>>, vector<4096x1xf32>
    %get3A_23 = arith.constant 0 : index
    %get3A_24 = arith.constant 0 : index
    %get3A_25 = vector.load %arg7[%get3A_23, %get3A_24] : memref<1x32xf32, #tpu.memory_space<vmem>>, vector<1x32xf32>
    %mul3A = vector.broadcast %get3A_22 : vector<4096x1xf32> to vector<4096x32xf32>
    %mul3A_26 = vector.broadcast %get3A_25 : vector<1x32xf32> to vector<4096x32xf32>
    %mul3A_27 = arith.mulf %mul3A, %mul3A_26 : vector<4096x32xf32>
    %add3A_28 = arith.addf %add3A_19, %mul3A_27 : vector<4096x32xf32>
    %get3A_29 = arith.constant 0 : index
    %get3A_30 = arith.constant 0 : index
    %get3A_31 = vector.load %arg8[%get3A_29, %get3A_30] : memref<1x32xf32, #tpu.memory_space<vmem>>, vector<1x32xf32>
    %add3A_32 = vector.broadcast %get3A_31 : vector<1x32xf32> to vector<4096x32xf32>
    %add3A_33 = arith.addf %add3A_28, %add3A_32 : vector<4096x32xf32>
    %swap3A = arith.constant 0 : index
    %swap3A_34 = arith.constant 0 : index
    %swap3A_35 = vector.load %arg9[%swap3A, %swap3A_34] : memref<4096x32xf32, #tpu.memory_space<vmem>>, vector<4096x32xf32>
    tpu.vector_store %arg9[%swap3A, %swap3A_34], %add3A_33 {strides = array<i32>} : memref<4096x32xf32, #tpu.memory_space<vmem>>, vector<4096x32xf32>,
    %eq3A = arith.constant 0 : i32
    %eq3A_36 = arith.cmpi eq, %arg0, %eq3A : i32
    %convert_element_type3A = arith.extui %eq3A_36 : i1 to i32
    %cond3A = arith.constant 0 : i32
    %cond3A_37 = arith.cmpi ne, %convert_element_type3A, %cond3A : i32
    scf.if %cond3A_37 {
      %broadcast_in_dim3A_50 = arith.constant 0.000000e+00 : f32
      %broadcast_in_dim3A_51 = vector.broadcast %broadcast_in_dim3A_50 : f32 to vector<2x32xf32>
      %swap3A_52 = arith.constant 0 : index
      %swap3A_53 = arith.constant 0 : index
      %swap3A_54 = vector.load %arg10[%swap3A_52, %swap3A_53] : memref<2x32xf32, #tpu.memory_space<vmem>>, vector<2x32xf32>
      tpu.vector_store %arg10[%swap3A_52, %swap3A_53], %broadcast_in_dim3A_51 {strides = array<i32>} : memref<2x32xf32, #tpu.memory_space<vmem>>, vector<2x32xf32>,
    } else {
    }
    %reduce_sum3A = arith.constant dense<0.000000e+00> : vector<32xf32>
    %reduce_sum3A_38 = vector.multi_reduction <add>, %add3A_33, %reduce_sum3A [0] : vector<4096x32xf32> to vector<32xf32>
    %broadcast_in_dim3A = vector.shape_cast %reduce_sum3A_38 : vector<32xf32> to vector<1x32xf32>
    %mul3A_39 = arith.mulf %add3A_33, %add3A_33 : vector<4096x32xf32>
    %reduce_sum3A_40 = arith.constant dense<0.000000e+00> : vector<32xf32>
    %reduce_sum3A_41 = vector.multi_reduction <add>, %mul3A_39, %reduce_sum3A_40 [0] : vector<4096x32xf32> to vector<32xf32>
    %broadcast_in_dim3A_42 = vector.shape_cast %reduce_sum3A_41 : vector<32xf32> to vector<1x32xf32>
    %get3A_43 = arith.constant 0 : index
    %get3A_44 = arith.constant 0 : index
    %get3A_45 = vector.load %arg10[%get3A_43, %get3A_44] : memref<2x32xf32, #tpu.memory_space<vmem>>, vector<2x32xf32>
    %concatenate3A = tpu.concatenate %broadcast_in_dim3A, %broadcast_in_dim3A_42 in 0 : vector<1x32xf32>, vector<1x32xf32> -> vector<2x32xf32>
    %add3A_46 = arith.addf %get3A_45, %concatenate3A : vector<2x32xf32>
    %swap3A_47 = arith.constant 0 : index
    %swap3A_48 = arith.constant 0 : index
    %swap3A_49 = vector.load %arg10[%swap3A_47, %swap3A_48] : memref<2x32xf32, #tpu.memory_space<vmem>>, vector<2x32xf32>
    tpu.vector_store %arg10[%swap3A_47, %swap3A_48], %add3A_46 {strides = array<i32>} : memref<2x32xf32, #tpu.memory_space<vmem>>, vector<2x32xf32>,
    return
  }
  func.func @transform_0(%arg0: i32) -> (i32, i32) {
    %c0_i32 = arith.constant 0 : i32
    %c0_i32_0 = arith.constant 0 : i32
    return %arg0, %c0_i32 : i32, i32
  }
  func.func @transform_1(%arg0: i32) -> (i32, i32) {
    %jit3A = arith.constant 4 : i32
    %eq3A = arith.constant 0 : i32
    %eq3A_0 = arith.cmpi eq, %jit3A, %eq3A : i32
    %jit3A_1 = arith.constant 1 : i32
    %select_n3A = arith.select %eq3A_0, %jit3A_1, %jit3A : i32
    %rem3A = arith.remsi %arg0, %select_n3A : i32
    %ne3A = arith.constant 0 : i32
    %ne3A_2 = arith.cmpi ne, %rem3A, %ne3A : i32
    %lt3A = arith.constant 0 : i32
    %lt3A_3 = arith.cmpi slt, %rem3A, %lt3A : i32
    %lt3A_4 = arith.constant 0 : i32
    %lt3A_5 = arith.cmpi slt, %select_n3A, %lt3A_4 : i32
    %ne3A_6 = arith.xori %lt3A_3, %lt3A_5 : i1
    %and3A = arith.andi %ne3A_6, %ne3A_2 : i1
    %add3A = arith.addi %rem3A, %select_n3A : i32
    %select_n3A_7 = arith.select %and3A, %add3A, %rem3A : i32
    %c0_i32 = arith.constant 0 : i32
    %c0_i32_8 = arith.constant 0 : i32
    return %select_n3A_7, %c0_i32 : i32, i32
  }
  func.func @transform_2(%arg0: i32) -> (i32, i32) {
    %c0_i32 = arith.constant 0 : i32
    %c0_i32_0 = arith.constant 0 : i32
    return %arg0, %c0_i32 : i32, i32
  }
  func.func @transform_3(%arg0: i32) -> (i32, i32) {
    %c0_i32 = arith.constant 0 : i32
    %c0_i32_0 = arith.constant 0 : i32
    %c0_i32_1 = arith.constant 0 : i32
    return %c0_i32, %c0_i32_0 : i32, i32
  }
  func.func @transform_4(%arg0: i32) -> (i32, i32) {
    %c0_i32 = arith.constant 0 : i32
    %c0_i32_0 = arith.constant 0 : i32
    %c0_i32_1 = arith.constant 0 : i32
    return %c0_i32, %c0_i32_0 : i32, i32
  }
  func.func @transform_5(%arg0: i32) -> (i32, i32) {
    %c0_i32 = arith.constant 0 : i32
    %c0_i32_0 = arith.constant 0 : i32
    %c0_i32_1 = arith.constant 0 : i32
    return %c0_i32, %c0_i32_0 : i32, i32
  }
  func.func @transform_6(%arg0: i32) -> (i32, i32) {
    %c0_i32 = arith.constant 0 : i32
    %c0_i32_0 = arith.constant 0 : i32
    %c0_i32_1 = arith.constant 0 : i32
    return %c0_i32, %c0_i32_0 : i32, i32
  }
  func.func @transform_7(%arg0: i32) -> (i32, i32) {
    %c0_i32 = arith.constant 0 : i32
    %c0_i32_0 = arith.constant 0 : i32
    %c0_i32_1 = arith.constant 0 : i32
    return %c0_i32, %c0_i32_0 : i32, i32
  }
  func.func @transform_8(%arg0: i32) -> (i32, i32) {
    %c0_i32 = arith.constant 0 : i32
    %c0_i32_0 = arith.constant 0 : i32
    return %arg0, %c0_i32 : i32, i32
  }
  func.func @transform_9(%arg0: i32) -> (i32, i32) {
    %c0_i32 = arith.constant 0 : i32
    %c0_i32_0 = arith.constant 0 : i32
    %c0_i32_1 = arith.constant 0 : i32
    return %c0_i32, %c0_i32_0 : i32, i32
  }
}

module attributes {stable_mosaic.version = 14 : i64} {
  func.func @_fuse_body(%arg0: i32, %arg1: i32, %arg2: memref<4096x32xf32, #tpu.memory_space<vmem>>, %arg3: memref<4096x32xf32, #tpu.memory_space<vmem>>, %arg4: memref<1x32xf32, #tpu.memory_space<vmem>>, %arg5: memref<1x32xf32, #tpu.memory_space<vmem>>, %arg6: memref<4096x20xf32, #tpu.memory_space<vmem>>, %arg7: memref<52x20xf32, #tpu.memory_space<vmem>>, %arg8: memref<1x20xf32, #tpu.memory_space<vmem>>, %arg9: memref<4096x20xf32, #tpu.memory_space<vmem>>, %arg10: memref<2x20xf32, #tpu.memory_space<vmem>>, %arg11: memref<4096x32xf32, #tpu.memory_space<vmem>>) attributes {dimension_semantics = [#tpu.dimension_semantics<arbitrary>, #tpu.dimension_semantics<arbitrary>], iteration_bounds = array<i64: 4, 8>, scalar_prefetch = 0 : i64, scratch_operands = 1 : i64, tpu.core_type = #tpu.core_type<tc>, window_params = [{transform_indices = @transform_0, window_bounds = array<i64: 4096, 32>}, {transform_indices = @transform_1, window_bounds = array<i64: 4096, 32>}, {pipeline_mode = #tpu.pipeline_mode<synchronous>, transform_indices = @transform_2, window_bounds = array<i64: 1, 32>}, {pipeline_mode = #tpu.pipeline_mode<synchronous>, transform_indices = @transform_3, window_bounds = array<i64: 1, 32>}, {transform_indices = @transform_4, window_bounds = array<i64: 4096, 20>}, {pipeline_mode = #tpu.pipeline_mode<synchronous>, transform_indices = @transform_5, window_bounds = array<i64: 52, 20>}, {pipeline_mode = #tpu.pipeline_mode<synchronous>, transform_indices = @transform_6, window_bounds = array<i64: 1, 20>}, {transform_indices = @transform_7, window_bounds = array<i64: 4096, 20>}, {pipeline_mode = #tpu.pipeline_mode<synchronous>, transform_indices = @transform_8, window_bounds = array<i64: 2, 20>}]} {
    %get3A = arith.constant 0 : index
    %get3A_0 = arith.constant 0 : index
    %get3A_1 = vector.load %arg3[%get3A, %get3A_0] : memref<4096x32xf32, #tpu.memory_space<vmem>>, vector<4096x32xf32>
    %get3A_2 = arith.constant 0 : index
    %get3A_3 = arith.constant 0 : index
    %get3A_4 = vector.load %arg4[%get3A_2, %get3A_3] : memref<1x32xf32, #tpu.memory_space<vmem>>, vector<1x32xf32>
    %mul3A = vector.broadcast %get3A_4 : vector<1x32xf32> to vector<4096x32xf32>
    %mul3A_5 = arith.mulf %get3A_1, %mul3A : vector<4096x32xf32>
    %get3A_6 = arith.constant 0 : index
    %get3A_7 = arith.constant 0 : index
    %get3A_8 = vector.load %arg5[%get3A_6, %get3A_7] : memref<1x32xf32, #tpu.memory_space<vmem>>, vector<1x32xf32>
    %add3A = vector.broadcast %get3A_8 : vector<1x32xf32> to vector<4096x32xf32>
    %add3A_9 = arith.addf %mul3A_5, %add3A : vector<4096x32xf32>
    %ge3A = arith.constant 0.000000e+00 : f32
    %ge3A_10 = vector.broadcast %ge3A : f32 to vector<4096x32xf32>
    %ge3A_11 = arith.cmpf oge, %add3A_9, %ge3A_10 : vector<4096x32xf32>
    %mul3A_12 = arith.constant 2.000000e-01 : f32
    %mul3A_13 = vector.broadcast %mul3A_12 : f32 to vector<4096x32xf32>
    %mul3A_14 = arith.mulf %mul3A_13, %add3A_9 : vector<4096x32xf32>
    %select_n3A = arith.select %ge3A_11, %add3A_9, %mul3A_14 : vector<4096x32xi1>, vector<4096x32xf32>
    %get3A_15 = arith.constant 0 : index
    %get3A_16 = arith.constant 0 : index
    %get3A_17 = vector.load %arg2[%get3A_15, %get3A_16] : memref<4096x32xf32, #tpu.memory_space<vmem>>, vector<4096x32xf32>
    %mul3A_18 = arith.mulf %get3A_17, %select_n3A : vector<4096x32xf32>
    %eq3A = arith.constant 0 : i32
    %eq3A_19 = arith.cmpi eq, %arg1, %eq3A : i32
    %convert_element_type3A = arith.extui %eq3A_19 : i1 to i32
    %cond3A = arith.constant 0 : i32
    %cond3A_20 = arith.cmpi ne, %convert_element_type3A, %cond3A : i32
    scf.if %cond3A_20 {
      %broadcast_in_dim3A = arith.constant 0.000000e+00 : f32
      %broadcast_in_dim3A_32 = vector.broadcast %broadcast_in_dim3A : f32 to vector<4096x32xf32>
      %swap3A_33 = arith.constant 0 : index
      %swap3A_34 = arith.constant 0 : index
      %swap3A_35 = vector.load %arg11[%swap3A_33, %swap3A_34] : memref<4096x32xf32, #tpu.memory_space<vmem>>, vector<4096x32xf32>
      tpu.vector_store %arg11[%swap3A_33, %swap3A_34], %broadcast_in_dim3A_32 {strides = array<i32>} : memref<4096x32xf32, #tpu.memory_space<vmem>>, vector<4096x32xf32>,
    } else {
    }
    %get3A_21 = arith.constant 0 : index
    %get3A_22 = arith.constant 0 : index
    %get3A_23 = vector.load %arg11[%get3A_21, %get3A_22] : memref<4096x32xf32, #tpu.memory_space<vmem>>, vector<4096x32xf32>
    %add3A_24 = arith.addf %get3A_23, %mul3A_18 : vector<4096x32xf32>
    %swap3A = arith.constant 0 : index
    %swap3A_25 = arith.constant 0 : index
    %swap3A_26 = vector.load %arg11[%swap3A, %swap3A_25] : memref<4096x32xf32, #tpu.memory_space<vmem>>, vector<4096x32xf32>
    tpu.vector_store %arg11[%swap3A, %swap3A_25], %add3A_24 {strides = array<i32>} : memref<4096x32xf32, #tpu.memory_space<vmem>>, vector<4096x32xf32>,
    %eq3A_27 = arith.constant 7 : i32
    %eq3A_28 = arith.cmpi eq, %arg1, %eq3A_27 : i32
    %convert_element_type3A_29 = arith.extui %eq3A_28 : i1 to i32
    %cond3A_30 = arith.constant 0 : i32
    %cond3A_31 = arith.cmpi ne, %convert_element_type3A_29, %cond3A_30 : i32
    scf.if %cond3A_31 {
      %get3A_32 = arith.constant 0 : index
      %get3A_33 = arith.constant 0 : index
      %get3A_34 = vector.load %arg11[%get3A_32, %get3A_33] : memref<4096x32xf32, #tpu.memory_space<vmem>>, vector<4096x32xf32>
      %mul3A_35 = arith.constant 1.250000e-01 : f32
      %mul3A_36 = vector.broadcast %mul3A_35 : f32 to vector<4096x32xf32>
      %mul3A_37 = arith.mulf %get3A_34, %mul3A_36 : vector<4096x32xf32>
      %get3A_38 = arith.constant 0 : index
      %get3A_39 = arith.constant 0 : index
      %get3A_40 = vector.load %arg6[%get3A_38, %get3A_39] : memref<4096x20xf32, #tpu.memory_space<vmem>>, vector<4096x20xf32>
      %concatenate3A = tpu.concatenate %mul3A_37, %get3A_40 in 1 : vector<4096x32xf32>, vector<4096x20xf32> -> vector<4096x52xf32>
      %get3A_41 = arith.constant 0 : index
      %get3A_42 = arith.constant 0 : index
      %get3A_43 = vector.load %arg7[%get3A_41, %get3A_42] : memref<52x20xf32, #tpu.memory_space<vmem>>, vector<52x20xf32>
      %dot_general3A = arith.constant dense<0.000000e+00> : vector<4096x20xf32>
      %dot_general3A_44 = tpu.matmul %concatenate3A, %get3A_43, %dot_general3A {dimension_numbers = #tpu.dot_dimension_numbers<[1], [0], [0], [1], [0, 0, 1, 1], [], []>, transpose_lhs_hint = false} : vector<4096x52xf32>, vector<52x20xf32>, vector<4096x20xf32> -> vector<4096x20xf32>
      %get3A_45 = arith.constant 0 : index
      %get3A_46 = arith.constant 0 : index
      %get3A_47 = vector.load %arg8[%get3A_45, %get3A_46] : memref<1x20xf32, #tpu.memory_space<vmem>>, vector<1x20xf32>
      %add3A_48 = vector.broadcast %get3A_47 : vector<1x20xf32> to vector<4096x20xf32>
      %add3A_49 = arith.addf %dot_general3A_44, %add3A_48 : vector<4096x20xf32>
      %swap3A_50 = arith.constant 0 : index
      %swap3A_51 = arith.constant 0 : index
      %swap3A_52 = vector.load %arg9[%swap3A_50, %swap3A_51] : memref<4096x20xf32, #tpu.memory_space<vmem>>, vector<4096x20xf32>
      tpu.vector_store %arg9[%swap3A_50, %swap3A_51], %add3A_49 {strides = array<i32>} : memref<4096x20xf32, #tpu.memory_space<vmem>>, vector<4096x20xf32>,
      %eq3A_53 = arith.constant 0 : i32
      %eq3A_54 = arith.cmpi eq, %arg0, %eq3A_53 : i32
      %convert_element_type3A_55 = arith.extui %eq3A_54 : i1 to i32
      %cond3A_56 = arith.constant 0 : i32
      %cond3A_57 = arith.cmpi ne, %convert_element_type3A_55, %cond3A_56 : i32
      scf.if %cond3A_57 {
        %broadcast_in_dim3A_71 = arith.constant 0.000000e+00 : f32
        %broadcast_in_dim3A_72 = vector.broadcast %broadcast_in_dim3A_71 : f32 to vector<2x20xf32>
        %swap3A_73 = arith.constant 0 : index
        %swap3A_74 = arith.constant 0 : index
        %swap3A_75 = vector.load %arg10[%swap3A_73, %swap3A_74] : memref<2x20xf32, #tpu.memory_space<vmem>>, vector<2x20xf32>
        tpu.vector_store %arg10[%swap3A_73, %swap3A_74], %broadcast_in_dim3A_72 {strides = array<i32>} : memref<2x20xf32, #tpu.memory_space<vmem>>, vector<2x20xf32>,
      } else {
      }
      %reduce_sum3A = arith.constant dense<0.000000e+00> : vector<20xf32>
      %reduce_sum3A_58 = vector.multi_reduction <add>, %add3A_49, %reduce_sum3A [0] : vector<4096x20xf32> to vector<20xf32>
      %broadcast_in_dim3A = vector.shape_cast %reduce_sum3A_58 : vector<20xf32> to vector<1x20xf32>
      %mul3A_59 = arith.mulf %add3A_49, %add3A_49 : vector<4096x20xf32>
      %reduce_sum3A_60 = arith.constant dense<0.000000e+00> : vector<20xf32>
      %reduce_sum3A_61 = vector.multi_reduction <add>, %mul3A_59, %reduce_sum3A_60 [0] : vector<4096x20xf32> to vector<20xf32>
      %broadcast_in_dim3A_62 = vector.shape_cast %reduce_sum3A_61 : vector<20xf32> to vector<1x20xf32>
      %get3A_63 = arith.constant 0 : index
      %get3A_64 = arith.constant 0 : index
      %get3A_65 = vector.load %arg10[%get3A_63, %get3A_64] : memref<2x20xf32, #tpu.memory_space<vmem>>, vector<2x20xf32>
      %concatenate3A_66 = tpu.concatenate %broadcast_in_dim3A, %broadcast_in_dim3A_62 in 0 : vector<1x20xf32>, vector<1x20xf32> -> vector<2x20xf32>
      %add3A_67 = arith.addf %get3A_65, %concatenate3A_66 : vector<2x20xf32>
      %swap3A_68 = arith.constant 0 : index
      %swap3A_69 = arith.constant 0 : index
      %swap3A_70 = vector.load %arg10[%swap3A_68, %swap3A_69] : memref<2x20xf32, #tpu.memory_space<vmem>>, vector<2x20xf32>
      tpu.vector_store %arg10[%swap3A_68, %swap3A_69], %add3A_67 {strides = array<i32>} : memref<2x20xf32, #tpu.memory_space<vmem>>, vector<2x20xf32>,
    } else {
    }
    return
  }
  func.func @transform_0(%arg0: i32, %arg1: i32) -> (i32, i32) {
    %mul3A = arith.constant 4 : i32
    %mul3A_0 = arith.muli %arg1, %mul3A : i32
    %add3A = arith.addi %mul3A_0, %arg0 : i32
    %c0_i32 = arith.constant 0 : i32
    %c0_i32_1 = arith.constant 0 : i32
    return %add3A, %c0_i32 : i32, i32
  }
  func.func @transform_1(%arg0: i32, %arg1: i32) -> (i32, i32) {
    %mul3A = arith.constant 4 : i32
    %mul3A_0 = arith.muli %arg1, %mul3A : i32
    %add3A = arith.addi %mul3A_0, %arg0 : i32
    %c0_i32 = arith.constant 0 : i32
    %c0_i32_1 = arith.constant 0 : i32
    return %add3A, %c0_i32 : i32, i32
  }
  func.func @transform_2(%arg0: i32, %arg1: i32) -> (i32, i32) {
    %c0_i32 = arith.constant 0 : i32
    %c0_i32_0 = arith.constant 0 : i32
    %c0_i32_1 = arith.constant 0 : i32
    return %c0_i32, %c0_i32_0 : i32, i32
  }
  func.func @transform_3(%arg0: i32, %arg1: i32) -> (i32, i32) {
    %c0_i32 = arith.constant 0 : i32
    %c0_i32_0 = arith.constant 0 : i32
    %c0_i32_1 = arith.constant 0 : i32
    return %c0_i32, %c0_i32_0 : i32, i32
  }
  func.func @transform_4(%arg0: i32, %arg1: i32) -> (i32, i32) {
    %c0_i32 = arith.constant 0 : i32
    %c0_i32_0 = arith.constant 0 : i32
    return %arg0, %c0_i32 : i32, i32
  }
  func.func @transform_5(%arg0: i32, %arg1: i32) -> (i32, i32) {
    %c0_i32 = arith.constant 0 : i32
    %c0_i32_0 = arith.constant 0 : i32
    %c0_i32_1 = arith.constant 0 : i32
    return %c0_i32, %c0_i32_0 : i32, i32
  }
  func.func @transform_6(%arg0: i32, %arg1: i32) -> (i32, i32) {
    %c0_i32 = arith.constant 0 : i32
    %c0_i32_0 = arith.constant 0 : i32
    %c0_i32_1 = arith.constant 0 : i32
    return %c0_i32, %c0_i32_0 : i32, i32
  }
  func.func @transform_7(%arg0: i32, %arg1: i32) -> (i32, i32) {
    %c0_i32 = arith.constant 0 : i32
    %c0_i32_0 = arith.constant 0 : i32
    return %arg0, %c0_i32 : i32, i32
  }
  func.func @transform_8(%arg0: i32, %arg1: i32) -> (i32, i32) {
    %c0_i32 = arith.constant 0 : i32
    %c0_i32_0 = arith.constant 0 : i32
    %c0_i32_1 = arith.constant 0 : i32
    return %c0_i32, %c0_i32_0 : i32, i32
  }
}

module attributes {stable_mosaic.version = 14 : i64} {
  func.func @_bn2_body(%arg0: i32, %arg1: memref<2048x20xf32, #tpu.memory_space<vmem>>, %arg2: memref<1x20xf32, #tpu.memory_space<vmem>>, %arg3: memref<1x20xf32, #tpu.memory_space<vmem>>, %arg4: memref<2048x20xf32, #tpu.memory_space<vmem>>) attributes {dimension_semantics = [#tpu.dimension_semantics<arbitrary>], iteration_bounds = array<i64: 8>, scalar_prefetch = 0 : i64, scratch_operands = 0 : i64, tpu.core_type = #tpu.core_type<tc>, window_params = [{transform_indices = @transform_0, window_bounds = array<i64: 2048, 20>}, {pipeline_mode = #tpu.pipeline_mode<synchronous>, transform_indices = @transform_1, window_bounds = array<i64: 1, 20>}, {pipeline_mode = #tpu.pipeline_mode<synchronous>, transform_indices = @transform_2, window_bounds = array<i64: 1, 20>}, {transform_indices = @transform_3, window_bounds = array<i64: 2048, 20>}]} {
    %get3A = arith.constant 0 : index
    %get3A_0 = arith.constant 0 : index
    %get3A_1 = vector.load %arg1[%get3A, %get3A_0] : memref<2048x20xf32, #tpu.memory_space<vmem>>, vector<2048x20xf32>
    %get3A_2 = arith.constant 0 : index
    %get3A_3 = arith.constant 0 : index
    %get3A_4 = vector.load %arg2[%get3A_2, %get3A_3] : memref<1x20xf32, #tpu.memory_space<vmem>>, vector<1x20xf32>
    %mul3A = vector.broadcast %get3A_4 : vector<1x20xf32> to vector<2048x20xf32>
    %mul3A_5 = arith.mulf %get3A_1, %mul3A : vector<2048x20xf32>
    %get3A_6 = arith.constant 0 : index
    %get3A_7 = arith.constant 0 : index
    %get3A_8 = vector.load %arg3[%get3A_6, %get3A_7] : memref<1x20xf32, #tpu.memory_space<vmem>>, vector<1x20xf32>
    %add3A = vector.broadcast %get3A_8 : vector<1x20xf32> to vector<2048x20xf32>
    %add3A_9 = arith.addf %mul3A_5, %add3A : vector<2048x20xf32>
    %ge3A = arith.constant 0.000000e+00 : f32
    %ge3A_10 = vector.broadcast %ge3A : f32 to vector<2048x20xf32>
    %ge3A_11 = arith.cmpf oge, %add3A_9, %ge3A_10 : vector<2048x20xf32>
    %mul3A_12 = arith.constant 2.000000e-01 : f32
    %mul3A_13 = vector.broadcast %mul3A_12 : f32 to vector<2048x20xf32>
    %mul3A_14 = arith.mulf %mul3A_13, %add3A_9 : vector<2048x20xf32>
    %select_n3A = arith.select %ge3A_11, %add3A_9, %mul3A_14 : vector<2048x20xi1>, vector<2048x20xf32>
    %swap3A = arith.constant 0 : index
    %swap3A_15 = arith.constant 0 : index
    %swap3A_16 = vector.load %arg4[%swap3A, %swap3A_15] : memref<2048x20xf32, #tpu.memory_space<vmem>>, vector<2048x20xf32>
    tpu.vector_store %arg4[%swap3A, %swap3A_15], %select_n3A {strides = array<i32>} : memref<2048x20xf32, #tpu.memory_space<vmem>>, vector<2048x20xf32>,
    return
  }
  func.func @transform_0(%arg0: i32) -> (i32, i32) {
    %c0_i32 = arith.constant 0 : i32
    %c0_i32_0 = arith.constant 0 : i32
    return %arg0, %c0_i32 : i32, i32
  }
  func.func @transform_1(%arg0: i32) -> (i32, i32) {
    %c0_i32 = arith.constant 0 : i32
    %c0_i32_0 = arith.constant 0 : i32
    %c0_i32_1 = arith.constant 0 : i32
    return %c0_i32, %c0_i32_0 : i32, i32
  }
  func.func @transform_2(%arg0: i32) -> (i32, i32) {
    %c0_i32 = arith.constant 0 : i32
    %c0_i32_0 = arith.constant 0 : i32
    %c0_i32_1 = arith.constant 0 : i32
    return %c0_i32, %c0_i32_0 : i32, i32
  }
  func.func @transform_3(%arg0: i32) -> (i32, i32) {
    %c0_i32 = arith.constant 0 : i32
    %c0_i32_0 = arith.constant 0 : i32
    return %arg0, %c0_i32 : i32, i32
  }
}

</mosaic_0001>

<sc_bundles>
// kernel: kernel.7.cloned.1.call-start
scs
__scs_entry_jumppad:
0x0: {  	(pc) =	sbr.rel $0x88, $3  }
0x1: {  	(tag) =	ssettag $0x0;
	lr =	simm.s32 $0x1  }
0x2: {  	[smem:$0x3F95] =	sst lr;
	_ =	strace $0xD0000000  }
0x3: {  	_ = 	snop  }
0x4: {  	_ = 	snop  }
0x5: {  	_ = 	snop  }
0x6: {  	_ = 	snop  }
0x7: {  	_ = 	snop  }
__scs_overlays_trampoline_lowered:
0x8: {  	[smem:$0x3FA4] =	sst s0  }
0x9: {  	[smem:$0x3FA5] =	sst s1  }
0xa: {  	[smem:$0x3FA6] =	sst s2  }
0xb: {  	[smem:$0x3FA7] =	sst s3  }
0xc: {  	[smem:$0x3FA8] =	sst s4  }
0xd: {  	[smem:$0x3FA9] =	sst s5  }
0xe: {  	[smem:$0x3FAA] =	sst s6  }
0xf: {  	[smem:$0x3FAB] =	sst s7  }
0x10: {  	[smem:$0x3FAC] =	sst s8  }
0x11: {  	[smem:$0x3FAD] =	sst s9;
	s0 =	simm.s32 @!p0 $0x0  }
0x12: {  	s1 =	sld [smem:$0x3F93];
	s0 =	simm.s32 @p0 $0x1  }
0x13: {  	[smem:$0x3FAE] =	sst s0;
	s0 =	simm.s32 @!p1 $0x0  }
0x14: {  	s2 =	sld [smem:$0x3F92];
	s0 =	simm.s32 @p1 $0x1  }
0x15: {  	[smem:$0x3FAF] =	sst s0;
	s0 =	simm.s32 @!p2 $0x0  }
0x16: {  	s3 =	sld [smem:$0x3FDB];
	s0 =	simm.s32 @p2 $0x1  }
0x17: {  	s4 =	simm.s32 $0x1BF5;
	[smem:$0x3FB1] =	sst s0  }
0x18: {  	s0 =	sld [smem:$0x3F94];
	_ =	swait.ge [sflag:s4], $0x0  }
0x19: {  	s7 =	sld [smem:$0x3F95]  }
0x1a: {  	s8 =	sadd.s32 $0xFFFFE003, lr  }
0x1b: {  	s9 =	sadd.s32 $0xFFFFFEF7, lr;
	s5 =	simm.s32 $0xFFFFFFFF;
	p2 =	slt.u32 s8, $0xFFFFF086  }
0x1c: {  	p1 =	slt.u32 s9, $0xF7A;
	s5 =	simm.s32 @!p2 $0x0  }
0x1d: {  	s5 =	simm.s32 @p1 $0x1;
	p0 =	seq.s32 s7, s2  }
0x1e: {  	s7 =	smul.u32 @!p0 $0xF7A, s2;
	p2 =	seq.s32 @!p0 s5, $0x0  }
0x1f: {  	s9 =	smul.u32 $0xF7A, s1;
	s8 =	simm.s32 @!p0 $0x1BF5;
	p2 =	por !p2, p0  }
0x20: {  	[sflag:s8] =	ssyncset.s32 @!p0 $0xFFFFF086;
	s6 =	sadd.s32 @!p0 s3, s7;
	s7 =	simm.s32 @!p0 $0x108  }
0x21: {  	s3 =	sadd.s32 s3, s9;
	s6 =	sadd.s32 @!p0 $0x88, s6;
	s7 =	simm.s32 @p2 $0x1082  }
0x22: {  	[simem:s7], [sflag:s8] =	dma.local @!p0 [hbm:s6], $0xF7A  }
0x23: {  	s9 =	sor.u32 $0xD0000000, s2;
	s6 =	simm.s32 $0x108;
	_ =	swait.ge @!p0 [sflag:s8], $0x0  }
0x24: {  	s3 =	sadd.s32 $0x88, s3;
	s6 =	simm.s32 @!p1 $0x1082;
	[sflag:s4] =	ssyncset.s32 $0xFFFFF086  }
0x25: {  	[simem:s6], [sflag:s4] =	dma.local [hbm:s3], $0xF7A  }
0x26: {  	[smem:$0x3F95] =	sst s1;
	(tag) =	ssettag s2;
	_ =	strace s9  }
0x27: {  	s1 =	sld [smem:$0x3FA5]  }
0x28: {  	s2 =	sld [smem:$0x3FA6]  }
0x29: {  	s4 =	sld [smem:$0x3FA8]  }
0x2a: {  	p0 =	seq.s32 s5, $0x0;
	s5 =	sld [smem:$0x3FA9]  }
0x2b: {  	s6 =	sld [smem:$0x3FAA]  }
0x2c: {  	s7 =	sld [smem:$0x3FAB]  }
0x2d: {  	s3 =	simm.s32 $0x108;
	s8 =	sld [smem:$0x3FAC]  }
0x2e: {  	s3 =	simm.s32 @!p0 $0x1082;
	s9 =	sld [smem:$0x3FAD]  }
0x2f: {  	lr =	sadd.s32 s0, s3;
	s0 =	sld [smem:$0x3FA4]  }
0x30: {  	s3 =	sld [smem:$0x3FA7]  }
0x31: {  	[smem:$0x3FB0] =	sst s10  }
0x32: {  	s10 =	sld [smem:$0x3FAE];
	_ =	sdelay $0x3  }
0x33: {  	p0 =	seq.s32 s10, $0x1;
	s10 =	sld [smem:$0x3FB0];
	_ =	sdelay $0x3  }
0x34: {  	[smem:$0x3FB0] =	sst s10  }
0x35: {  	s10 =	sld [smem:$0x3FAF];
	_ =	sdelay $0x3  }
0x36: {  	p1 =	seq.s32 s10, $0x1;
	s10 =	sld [smem:$0x3FB0];
	_ =	sdelay $0x3  }
0x37: {  	[smem:$0x3FB0] =	sst s10  }
0x38: {  	s10 =	sld [smem:$0x3FB1]  }
0x39: {  	_ = 	snop;
	(pc) =	sbr.ind lr, $3  }
0x3a: {  	_ = 	snop  }
0x3b: {  	_ = 	snop  }
0x3c: {  	p2 =	seq.s32 s10, $0x1;
	s10 =	sld [smem:$0x3FB0]  }
0x3d: {  	_ =	shalt  }
0x3e: {  	_ =	shalt  }
0x3f: {  	_ =	shalt  }
0x40: {  	_ =	shalt  }
0x41: {  	_ =	shalt  }
0x42: {  	_ =	shalt  }
0x43: {  	_ =	shalt  }
0x44: {  	_ =	shalt  }
0x45: {  	_ =	shalt  }
0x46: {  	_ =	shalt  }
0x47: {  	_ =	shalt  }
0x48: {  	_ =	shalt  }
0x49: {  	_ =	shalt  }
0x4a: {  	_ =	shalt  }
0x4b: {  	_ =	shalt  }
0x4c: {  	_ =	shalt  }
0x4d: {  	_ =	shalt  }
0x4e: {  	_ =	shalt  }
0x4f: {  	_ =	shalt  }
0x50: {  	_ =	shalt  }
0x51: {  	_ =	shalt  }
0x52: {  	_ =	shalt  }
0x53: {  	_ =	shalt  }
0x54: {  	_ =	shalt  }
0x55: {  	_ =	shalt  }
0x56: {  	_ =	shalt  }
0x57: {  	_ =	shalt  }
0x58: {  	_ =	shalt  }
0x59: {  	_ =	shalt  }
0x5a: {  	_ =	shalt  }
0x5b: {  	_ =	shalt  }
0x5c: {  	_ =	shalt  }
0x5d: {  	_ =	shalt  }
0x5e: {  	_ =	shalt  }
0x5f: {  	_ =	shalt  }
0x60: {  	_ =	shalt  }
0x61: {  	_ =	shalt  }
0x62: {  	_ =	shalt  }
0x63: {  	_ =	shalt  }
0x64: {  	_ =	shalt  }
0x65: {  	_ =	shalt  }
0x66: {  	_ =	shalt  }
0x67: {  	_ =	shalt  }
0x68: {  	_ =	shalt  }
0x69: {  	_ =	shalt  }
0x6a: {  	_ =	shalt  }
0x6b: {  	_ =	shalt  }
0x6c: {  	_ =	shalt  }
0x6d: {  	_ =	shalt  }
0x6e: {  	_ =	shalt  }
0x6f: {  	_ =	shalt  }
0x70: {  	_ =	shalt  }
0x71: {  	_ =	shalt  }
0x72: {  	_ =	shalt  }
0x73: {  	_ =	shalt  }
0x74: {  	_ =	shalt  }
0x75: {  	_ =	shalt  }
0x76: {  	_ =	shalt  }
0x77: {  	_ =	shalt  }
0x78: {  	_ =	shalt  }
0x79: {  	_ =	shalt  }
0x7a: {  	_ =	shalt  }
0x7b: {  	_ =	shalt  }
0x7c: {  	_ =	shalt  }
0x7d: {  	_ =	shalt  }
0x7e: {  	_ =	shalt  }
0x7f: {  	_ =	shalt  }
0x80: {  	_ =	shalt  }
0x81: {  	_ =	shalt  }
0x82: {  	_ =	shalt  }
0x83: {  	_ =	shalt  }
0x84: {  	_ =	shalt  }
0x85: {  	_ =	shalt  }
0x86: {  	_ =	shalt  }
0x87: {  	_ =	shalt  }
.Lfunc_end0:
.L_simem_size_0:
called_computation_lowered:
.L_overlay_start_0:
0x88: {  	s2 =	sld [smem:$0x3FD9]  }
0x89: {  	s3 =	sld [smem:$0x3FFE];
	_ =	sdelay $0x1  }
0x8a: {  	s1 =	srdreg.scid  }
0x8b: {  	s0 =	sand.u32 $0x1, s1  }
0x8c: {  	s17 =	sshll.u32 s0, $0xA;
	s2 =	sadd.s32 s3, s2  }
0x8d: {  	s2 =	sadd.s32 s2, s17  }
0x8e: {  	[smem:$0x3FBC] =	sst s2  }
0x8f: {  	_ = 	snop  }
0x90: {  	s2 =	sld [smem:$0x3FD0];
	(tm) =	ssettm $0x1  }
0x91: {  	s18 =	sld [smem:$0x3FFB];
	_ =	sdelay $0x3  }
0x92: {  	_ =	strace s18  }
0x93: {  	s3 =	sld [smem:$0x3FFC];
	_ =	sdelay $0x3  }
0x94: {  	_ =	strace s3  }
0x95: {  	s3 =	sld [smem:$0x3FFD];
	_ =	sdelay $0x3  }
0x96: {  	_ =	strace s3  }
0x97: {  	_ =	strace $0x8FFFFFFF  }
0x98: {  	s19 =	sld [smem:$0x3FDB];
	_ =	sdelay $0x1  }
0x99: {  	s4 =	simm.s32 $_scs_section_size  }
0x9a: {  	s5 =	simm.s32 $_size__tile_overlayer_lowered;
	s6 =	simm.s32 $_tile_overlayer_lowered  }
0x9b: {  	s22 =	simm.s32 $0x1BFF;
	s21 =	sshll.u32 s6, $0x1;
	s3 =	sadd.s32 s4, s19  }
0x9c: {  	s7 =	simm.s32 $0x0;
	s20 =	sshll.u32 s5, $0x1;
	s5 =	sadd.s32 s21, s3  }
0x9d: {  	[timem:s7], [sflag:s22] =	dma.local [hbm:s5], s20  }
0x9e: {  	_ =	swait.ge [sflag:s22], s20  }
0x9f: {  	s4 =	ssub.s32 $0x0, s20;
	[sflag:s22] =	ssyncset.done $0x0  }
0xa0: {  	[sflag:s22] =	ssyncadd.s32 s4;
	_ =	sdelay $0x1  }
0xa1: {  	s23 =	simm.s32 $0x1B8B  }
0xa2: {  	_ =	swait.ge [sflag:s23], $0x1  }
0xa3: {  	[sflag:s23] =	ssyncset.done $0x0  }
0xa4: {  	s25 =	simm.s32 $0x1B8E;
	s24 =	sld [smem:$0x3FFE];
	[sflag:s23] =	ssyncadd.s32 $0xFFFFFFFF  }
0xa5: {  	s26 =	simm.s32 $execute0_lowered;
	[smem:$0x3FD2] =	sst s25  }
0xa6: {  	s5 =	sshll.u32 s26, $0x1;
	_ =	strace $0x80000046;
	[dreg:$0x1] =	wrdreg $0xFFFFFFFF  }
0xa7: {  	s28 =	simm.s32 $_size_execute0_lowered;
	s3 =	sadd.s32 s3, s5;
	[dreg:$0x0] =	wrdreg $0x0  }
0xa8: {  	s5 =	sshll.u32 s28, $0x1;
	[dreg:$0x2] =	wrdreg s3  }
0xa9: {  	[dreg:$0x3] =	wrdreg s5  }
0xaa: {  	[dreg:$0x4] =	wrdreg $0xC0  }
0xab: {  	_ =	task [dreg:s7], $0x5FFFF  }
0xac: {  	[dreg:$0x1] =	wrdreg $0xFFFFFFFF  }
0xad: {  	[dreg:$0x0] =	wrdreg $0x60  }
0xae: {  	[dreg:$0x2] =	wrdreg s2  }
0xaf: {  	[dreg:$0x3] =	wrdreg s24  }
0xb0: {  	[dreg:$0x4] =	wrdreg $0x9  }
0xb1: {  	_ =	task.clear_ibuf [dreg:s7], $0x5FFFF;
	_ =	strace $0x90000046  }
0xb2: {  	s29 =	simm.s32 $0x9;
	_ =	strace $0x80000048  }
0xb3: {  	_ =	swait.ge [sflag:s29], $0x1  }
0xb4: {  	[sflag:s29] =	ssyncadd.s32 $0xFFFFFFFF  }
0xb5: {  	_ =	strace $0x90000048  }
0xb6: {  	_ =	sfence  }
0xb7: {  	s30 =	sld [smem:$0x0];
	_ =	sdelay $0x2  }
0xb8: {  	s31 =	sshll.u32 s1, $0xD;
	s1 =	sshrl.u32 s1, $0x2  }
0xb9: {  	s3 =	sand.u32 $0x4000, s31;
	s1 =	sadd.s32 s1, s30  }
0xba: {  	s0 =	sor.u32 s3, s0;
	s1 =	sshll.u32 s1, $0x11  }
0xbb: {  	s0 =	sor.u32 s1, s0  }
0xbc: {  	s0 =	sadd.s32 $0x8F2B, s0  }
0xbd: {  	[sflag:s0] =	ssyncadd.remote.s32 $0x1  }
0xbe: {  	_ =	sfence.sel $0xFFFF  }
0xbf: {  	[dreg:$0x0] =	wrdreg $0xFFFFFFFF;
	(pc) =	sbr.abs _section_cstart, $3  }
0xc0: {  	[dreg:$0x1] =	wrdreg $0xFFFFFFFF  }
0xc1: {  	_ =	task.clear_ibuf [dreg:s7], $0x2FFFF;
	_ =	strace $0x9FFFFFFF  }
0xc2: {  	(tm) =	ssettm $0x7FFFFFFF  }
0xc3: {  	_ =	shalt  }
tec
execute0_lowered:
.L_overlay_start_1:
0x0: {  	(tag) =	ssettag $0x1  }
0x1: {  	s1 =	srdreg.scid  }
0x2: {  	s2 =	rddreg [dreg:$0x0];
	s0 =	stileid.u32;
	s19 =	sand.u32 $0x1, s1  }
0x3: {  	s11 =	rddreg [dreg:$0x1];
	s4 =	sshll.u32 s0, $0xD;
	s5 =	sshll.u32 s19, $0xC  }
0x4: {  	s3 =	simm.s32 $0x0;
	s1 =	rddreg [dreg:$0x2];
	s20 =	sor.u32 s5, s4  }
0x5: {  	[smem:$0x7FF] =	sst s3;
	s18 =	sadd.s32 $0x2E00, s11;
	s4 =	sshrl.u32 s20, $0x3  }
0x6: {  	_ =	strace $0x80000047;
	s5 =	sadd.s32 s18, s4;
	s4 =	simm.s32 $0x2  }
0x7: {  	[tilespmem:s3], [sflag:$0x2] =	stream.linear.gather [hbm4b:s5+s3], $0x400, $0x38;
	[tilespmem:$0xC400] =	vst v63  }
0x8: {  	_ =	swait.ge [sflag:s4], $0x400  }
0x9: {  	[sflag:s4] =	ssyncset.done $0x0  }
0xa: {  	s6 =	simm.s32 $0x400;
	[sflag:s4] =	ssyncadd.s32 $0xFFFFFC00  }
0xb: {  	[tilespmem:s6], [sflag:$0x1] =	stream.indirect.gather [hbm4b:s2+s6], $0x10, s3, s6, $0xb8;
	[tilespmem:$0xC400] =	vst v63  }
0xc: {  	s8 =	simm.s32 $0x4400;
	s9 =	simm.s32 $0x1;
	s7 =	sadd.s32 $0x6E00, s11  }
0xd: {  	[tilespmem:s8], [sflag:$0x1] =	stream.indirect.gather [hbm4b:s7+s6], $0x20, s3, s6, $0xb8;
	[tilespmem:$0xC400] =	vst v63  }
0xe: {  	_ =	swait.ge [sflag:s9], $0x4000  }
0xf: {  	[sflag:s9] =	ssyncset.done $0x0  }
0x10: {  	[sflag:s9] =	ssyncadd.s32 $0xFFFFC000  }
0x11: {  	_ =	swait.ge [sflag:s9], $0x8000  }
0x12: {  	s22 =	sadd.s32 $0x16E00, s11;
	s10 =	sshll.u32 s20, $0x1;
	[sflag:s9] =	ssyncset.done $0x0  }
0x13: {  	s10 =	sadd.s32 s22, s10;
	[sflag:s9] =	ssyncadd.s32 $0xFFFF8000  }
0x14: {  	[hbm4b:s10+s3] =	stream.linear.scatter [tilespmem:s6], [sflag:$0x2], $0x4000, $0x38;
	[tilespmem:$0xC400] =	vst v63  }
0x15: {  	_ =	swait.ge [sflag:s4], $0x4000  }
0x16: {  	s21 =	sadd.s32 $0x56E00, s11;
	s28 =	sshll.u32 s20, $0x2;
	[sflag:s4] =	ssyncset.done $0x0  }
0x17: {  	s11 =	sadd.s32 s21, s28;
	[sflag:s4] =	ssyncadd.s32 $0xFFFFC000  }
0x18: {  	[hbm4b:s11+s3] =	stream.linear.scatter [tilespmem:s8], [sflag:$0x2], $0x8000, $0x38;
	[tilespmem:$0xC400] =	vst v63  }
0x19: {  	s14 =	sor.u32 $0x400, s20;
	_ =	swait.ge [sflag:s4], $0x8000  }
0x1a: {  	s12 =	sshrl.u32 s14, $0x3;
	[sflag:s4] =	ssyncset.done $0x0  }
0x1b: {  	s12 =	sadd.s32 s18, s12;
	[sflag:s4] =	ssyncadd.s32 $0xFFFF8000  }
0x1c: {  	[tilespmem:s3], [sflag:$0x2] =	stream.linear.gather [hbm4b:s12+s3], $0x400, $0x38;
	[tilespmem:$0xC400] =	vst v63  }
0x1d: {  	_ =	swait.ge [sflag:s4], $0x400  }
0x1e: {  	[sflag:s4] =	ssyncset.done $0x0  }
0x1f: {  	[sflag:s4] =	ssyncadd.s32 $0xFFFFFC00  }
0x20: {  	[tilespmem:s6], [sflag:$0x1] =	stream.indirect.gather [hbm4b:s2+s6], $0x10, s3, s6, $0xb8;
	[tilespmem:$0xC400] =	vst v63  }
0x21: {  	_ = 	snop  }
0x22: {  	[tilespmem:s8], [sflag:$0x1] =	stream.indirect.gather [hbm4b:s7+s6], $0x20, s3, s6, $0xb8;
	[tilespmem:$0xC400] =	vst v63  }
0x23: {  	_ =	swait.ge [sflag:s9], $0x4000  }
0x24: {  	[sflag:s9] =	ssyncset.done $0x0  }
0x25: {  	[sflag:s9] =	ssyncadd.s32 $0xFFFFC000  }
0x26: {  	_ =	swait.ge [sflag:s9], $0x8000  }
0x27: {  	s13 =	sshll.u32 s14, $0x1;
	[sflag:s9] =	ssyncset.done $0x0  }
0x28: {  	s13 =	sadd.s32 s22, s13;
	[sflag:s9] =	ssyncadd.s32 $0xFFFF8000  }
0x29: {  	[hbm4b:s13+s3] =	stream.linear.scatter [tilespmem:s6], [sflag:$0x2], $0x4000, $0x38;
	[tilespmem:$0xC400] =	vst v63  }
0x2a: {  	_ =	swait.ge [sflag:s4], $0x4000  }
0x2b: {  	s14 =	sshll.u32 s14, $0x2;
	[sflag:s4] =	ssyncset.done $0x0  }
0x2c: {  	s14 =	sadd.s32 s21, s14;
	[sflag:s4] =	ssyncadd.s32 $0xFFFFC000  }
0x2d: {  	[hbm4b:s14+s3] =	stream.linear.scatter [tilespmem:s8], [sflag:$0x2], $0x8000, $0x38;
	[tilespmem:$0xC400] =	vst v63  }
0x2e: {  	s17 =	sor.u32 $0x800, s20;
	_ =	swait.ge [sflag:s4], $0x8000  }
0x2f: {  	s15 =	sshrl.u32 s17, $0x3;
	[sflag:s4] =	ssyncset.done $0x0  }
0x30: {  	s15 =	sadd.s32 s18, s15;
	[sflag:s4] =	ssyncadd.s32 $0xFFFF8000  }
0x31: {  	[tilespmem:s3], [sflag:$0x2] =	stream.linear.gather [hbm4b:s15+s3], $0x400, $0x38;
	[tilespmem:$0xC400] =	vst v63  }
0x32: {  	_ =	swait.ge [sflag:s4], $0x400  }
0x33: {  	[sflag:s4] =	ssyncset.done $0x0  }
0x34: {  	[sflag:s4] =	ssyncadd.s32 $0xFFFFFC00  }
0x35: {  	[tilespmem:s6], [sflag:$0x1] =	stream.indirect.gather [hbm4b:s2+s6], $0x10, s3, s6, $0xb8;
	[tilespmem:$0xC400] =	vst v63  }
0x36: {  	_ = 	snop  }
0x37: {  	[tilespmem:s8], [sflag:$0x1] =	stream.indirect.gather [hbm4b:s7+s6], $0x20, s3, s6, $0xb8;
	[tilespmem:$0xC400] =	vst v63  }
0x38: {  	_ =	swait.ge [sflag:s9], $0x4000  }
0x39: {  	[sflag:s9] =	ssyncset.done $0x0  }
0x3a: {  	[sflag:s9] =	ssyncadd.s32 $0xFFFFC000  }
0x3b: {  	_ =	swait.ge [sflag:s9], $0x8000  }
0x3c: {  	s16 =	sshll.u32 s17, $0x1;
	[sflag:s9] =	ssyncset.done $0x0  }
0x3d: {  	s16 =	sadd.s32 s22, s16;
	[sflag:s9] =	ssyncadd.s32 $0xFFFF8000  }
0x3e: {  	[hbm4b:s16+s3] =	stream.linear.scatter [tilespmem:s6], [sflag:$0x2], $0x4000, $0x38;
	[tilespmem:$0xC400] =	vst v63  }
0x3f: {  	_ =	swait.ge [sflag:s4], $0x4000  }
0x40: {  	s17 =	sshll.u32 s17, $0x2;
	[sflag:s4] =	ssyncset.done $0x0  }
0x41: {  	s17 =	sadd.s32 s21, s17;
	[sflag:s4] =	ssyncadd.s32 $0xFFFFC000  }
0x42: {  	[hbm4b:s17+s3] =	stream.linear.scatter [tilespmem:s8], [sflag:$0x2], $0x8000, $0x38;
	[tilespmem:$0xC400] =	vst v63  }
0x43: {  	s20 =	sor.u32 $0xC00, s20;
	_ =	swait.ge [sflag:s4], $0x8000  }
0x44: {  	s23 =	sshrl.u32 s20, $0x3;
	[sflag:s4] =	ssyncset.done $0x0  }
0x45: {  	s18 =	sadd.s32 s18, s23;
	[sflag:s4] =	ssyncadd.s32 $0xFFFF8000  }
0x46: {  	[tilespmem:s3], [sflag:$0x2] =	stream.linear.gather [hbm4b:s18+s3], $0x400, $0x38;
	[tilespmem:$0xC400] =	vst v63  }
0x47: {  	_ =	swait.ge [sflag:s4], $0x400  }
0x48: {  	[sflag:s4] =	ssyncset.done $0x0  }
0x49: {  	[sflag:s4] =	ssyncadd.s32 $0xFFFFFC00  }
0x4a: {  	[tilespmem:s6], [sflag:$0x1] =	stream.indirect.gather [hbm4b:s2+s6], $0x10, s3, s6, $0xb8;
	[tilespmem:$0xC400] =	vst v63  }
0x4b: {  	_ = 	snop  }
0x4c: {  	[tilespmem:s8], [sflag:$0x1] =	stream.indirect.gather [hbm4b:s7+s6], $0x20, s3, s6, $0xb8;
	[tilespmem:$0xC400] =	vst v63  }
0x4d: {  	_ =	swait.ge [sflag:s9], $0x4000  }
0x4e: {  	[sflag:s9] =	ssyncset.done $0x0  }
0x4f: {  	s24 =	ssub.s32 $0x2, s19;
	[sflag:s9] =	ssyncadd.s32 $0xFFFFC000  }
0x50: {  	s30 =	sshrl.u32 s24, $0x1;
	s29 =	sshll.u32 s20, $0x1;
	_ =	swait.ge [sflag:s9], $0x8000  }
0x51: {  	s19 =	sadd.s32 s22, s29;
	s22 =	ssub.s32 s24, s30;
	[sflag:s9] =	ssyncset.done $0x0  }
0x52: {  	s31 =	smax.u32 s22, $0x1;
	[sflag:s9] =	ssyncadd.s32 $0xFFFF8000  }
0x53: {  	[hbm4b:s19+s3] =	stream.linear.scatter [tilespmem:s6], [sflag:$0x2], $0x4000, $0x38;
	[tilespmem:$0xC400] =	vst v63  }
0x54: {  	p0 =	sne.s32 s31, $0x1;
	_ =	swait.ge [sflag:s4], $0x4000  }
.Ltmp0:
0x55: {  	s20 =	sshll.u32 s20, $0x2;
	[sflag:s4] =	ssyncset.done $0x0;
	(pc) =	sbr.rel @!p0 .LBB2_2-.Ltmp0, $4  }
0x56: {  	s20 =	sadd.s32 s21, s20;
	[sflag:s4] =	ssyncadd.s32 $0xFFFFC000  }
0x57: {  	[hbm4b:s20+s3] =	stream.linear.scatter [tilespmem:s8], [sflag:$0x2], $0x8000, $0x38;
	[tilespmem:$0xC400] =	vst v63  }
0x58: {  	_ =	swait.ge [sflag:s4], $0x8000  }
0x59: {  	s21 =	sadd.s32 $0xFFFFFFFF, s31;
	[sflag:s4] =	ssyncset.done $0x0  }
.LBB2_1:
0x5a: {  	p0 =	sne.s32 s21, $0x1;
	s21 =	sadd.s32 $0xFFFFFFFF, s21;
	[sflag:s4] =	ssyncadd.s32 $0xFFFF8000  }
0x5b: {  	[tilespmem:s3], [sflag:$0x2] =	stream.linear.gather [hbm4b:s5+s3], $0x400, $0x38;
	[tilespmem:$0xC400] =	vst v63  }
0x5c: {  	_ =	swait.ge [sflag:s4], $0x400  }
0x5d: {  	[sflag:s4] =	ssyncset.done $0x0  }
0x5e: {  	[sflag:s4] =	ssyncadd.s32 $0xFFFFFC00  }
0x5f: {  	[tilespmem:s6], [sflag:$0x1] =	stream.indirect.gather [hbm4b:s2+s6], $0x10, s3, s6, $0xb8;
	[tilespmem:$0xC400] =	vst v63  }
0x60: {  	_ = 	snop  }
0x61: {  	[tilespmem:s8], [sflag:$0x1] =	stream.indirect.gather [hbm4b:s7+s6], $0x20, s3, s6, $0xb8;
	[tilespmem:$0xC400] =	vst v63  }
0x62: {  	_ =	swait.ge [sflag:s9], $0x4000  }
0x63: {  	[sflag:s9] =	ssyncset.done $0x0  }
0x64: {  	[sflag:s9] =	ssyncadd.s32 $0xFFFFC000  }
0x65: {  	_ =	swait.ge [sflag:s9], $0x8000  }
0x66: {  	[sflag:s9] =	ssyncset.done $0x0  }
0x67: {  	[sflag:s9] =	ssyncadd.s32 $0xFFFF8000  }
0x68: {  	[hbm4b:s10+s3] =	stream.linear.scatter [tilespmem:s6], [sflag:$0x2], $0x4000, $0x38;
	[tilespmem:$0xC400] =	vst v63  }
0x69: {  	_ =	swait.ge [sflag:s4], $0x4000  }
0x6a: {  	[sflag:s4] =	ssyncset.done $0x0  }
0x6b: {  	[sflag:s4] =	ssyncadd.s32 $0xFFFFC000  }
0x6c: {  	[hbm4b:s11+s3] =	stream.linear.scatter [tilespmem:s8], [sflag:$0x2], $0x8000, $0x38;
	[tilespmem:$0xC400] =	vst v63  }
0x6d: {  	_ =	swait.ge [sflag:s4], $0x8000  }
0x6e: {  	[sflag:s4] =	ssyncset.done $0x0  }
0x6f: {  	[sflag:s4] =	ssyncadd.s32 $0xFFFF8000  }
0x70: {  	[tilespmem:s3], [sflag:$0x2] =	stream.linear.gather [hbm4b:s12+s3], $0x400, $0x38;
	[tilespmem:$0xC400] =	vst v63  }
0x71: {  	_ =	swait.ge [sflag:s4], $0x400  }
0x72: {  	[sflag:s4] =	ssyncset.done $0x0  }
0x73: {  	[sflag:s4] =	ssyncadd.s32 $0xFFFFFC00  }
0x74: {  	[tilespmem:s6], [sflag:$0x1] =	stream.indirect.gather [hbm4b:s2+s6], $0x10, s3, s6, $0xb8;
	[tilespmem:$0xC400] =	vst v63  }
0x75: {  	_ = 	snop  }
0x76: {  	[tilespmem:s8], [sflag:$0x1] =	stream.indirect.gather [hbm4b:s7+s6], $0x20, s3, s6, $0xb8;
	[tilespmem:$0xC400] =	vst v63  }
0x77: {  	_ =	swait.ge [sflag:s9], $0x4000  }
0x78: {  	[sflag:s9] =	ssyncset.done $0x0  }
0x79: {  	[sflag:s9] =	ssyncadd.s32 $0xFFFFC000  }
0x7a: {  	_ =	swait.ge [sflag:s9], $0x8000  }
0x7b: {  	[sflag:s9] =	ssyncset.done $0x0  }
0x7c: {  	[sflag:s9] =	ssyncadd.s32 $0xFFFF8000  }
0x7d: {  	[hbm4b:s13+s3] =	stream.linear.scatter [tilespmem:s6], [sflag:$0x2], $0x4000, $0x38;
	[tilespmem:$0xC400] =	vst v63  }
0x7e: {  	_ =	swait.ge [sflag:s4], $0x4000  }
0x7f: {  	[sflag:s4] =	ssyncset.done $0x0  }
0x80: {  	[sflag:s4] =	ssyncadd.s32 $0xFFFFC000  }
0x81: {  	[hbm4b:s14+s3] =	stream.linear.scatter [tilespmem:s8], [sflag:$0x2], $0x8000, $0x38;
	[tilespmem:$0xC400] =	vst v63  }
0x82: {  	_ =	swait.ge [sflag:s4], $0x8000  }
0x83: {  	[sflag:s4] =	ssyncset.done $0x0  }
0x84: {  	[sflag:s4] =	ssyncadd.s32 $0xFFFF8000  }
0x85: {  	[tilespmem:s3], [sflag:$0x2] =	stream.linear.gather [hbm4b:s15+s3], $0x400, $0x38;
	[tilespmem:$0xC400] =	vst v63  }
0x86: {  	_ =	swait.ge [sflag:s4], $0x400  }
0x87: {  	[sflag:s4] =	ssyncset.done $0x0  }
0x88: {  	[sflag:s4] =	ssyncadd.s32 $0xFFFFFC00  }
0x89: {  	[tilespmem:s6], [sflag:$0x1] =	stream.indirect.gather [hbm4b:s2+s6], $0x10, s3, s6, $0xb8;
	[tilespmem:$0xC400] =	vst v63  }
0x8a: {  	_ = 	snop  }
0x8b: {  	[tilespmem:s8], [sflag:$0x1] =	stream.indirect.gather [hbm4b:s7+s6], $0x20, s3, s6, $0xb8;
	[tilespmem:$0xC400] =	vst v63  }
0x8c: {  	_ =	swait.ge [sflag:s9], $0x4000  }
0x8d: {  	[sflag:s9] =	ssyncset.done $0x0  }
0x8e: {  	[sflag:s9] =	ssyncadd.s32 $0xFFFFC000  }
0x8f: {  	_ =	swait.ge [sflag:s9], $0x8000  }
0x90: {  	[sflag:s9] =	ssyncset.done $0x0  }
0x91: {  	[sflag:s9] =	ssyncadd.s32 $0xFFFF8000  }
0x92: {  	[hbm4b:s16+s3] =	stream.linear.scatter [tilespmem:s6], [sflag:$0x2], $0x4000, $0x38;
	[tilespmem:$0xC400] =	vst v63  }
0x93: {  	_ =	swait.ge [sflag:s4], $0x4000  }
0x94: {  	[sflag:s4] =	ssyncset.done $0x0  }
0x95: {  	[sflag:s4] =	ssyncadd.s32 $0xFFFFC000  }
0x96: {  	[hbm4b:s17+s3] =	stream.linear.scatter [tilespmem:s8], [sflag:$0x2], $0x8000, $0x38;
	[tilespmem:$0xC400] =	vst v63  }
0x97: {  	_ =	swait.ge [sflag:s4], $0x8000  }
0x98: {  	[sflag:s4] =	ssyncset.done $0x0  }
0x99: {  	[sflag:s4] =	ssyncadd.s32 $0xFFFF8000  }
0x9a: {  	[tilespmem:s3], [sflag:$0x2] =	stream.linear.gather [hbm4b:s18+s3], $0x400, $0x38;
	[tilespmem:$0xC400] =	vst v63  }
0x9b: {  	_ =	swait.ge [sflag:s4], $0x400  }
0x9c: {  	[sflag:s4] =	ssyncset.done $0x0  }
0x9d: {  	[sflag:s4] =	ssyncadd.s32 $0xFFFFFC00  }
0x9e: {  	[tilespmem:s6], [sflag:$0x1] =	stream.indirect.gather [hbm4b:s2+s6], $0x10, s3, s6, $0xb8;
	[tilespmem:$0xC400] =	vst v63  }
0x9f: {  	_ = 	snop  }
0xa0: {  	[tilespmem:s8], [sflag:$0x1] =	stream.indirect.gather [hbm4b:s7+s6], $0x20, s3, s6, $0xb8;
	[tilespmem:$0xC400] =	vst v63  }
0xa1: {  	_ =	swait.ge [sflag:s9], $0x4000  }
0xa2: {  	[sflag:s9] =	ssyncset.done $0x0  }
0xa3: {  	[sflag:s9] =	ssyncadd.s32 $0xFFFFC000  }
0xa4: {  	_ =	swait.ge [sflag:s9], $0x8000  }
0xa5: {  	[sflag:s9] =	ssyncset.done $0x0  }
0xa6: {  	[sflag:s9] =	ssyncadd.s32 $0xFFFF8000  }
0xa7: {  	[hbm4b:s19+s3] =	stream.linear.scatter [tilespmem:s6], [sflag:$0x2], $0x4000, $0x38;
	[tilespmem:$0xC400] =	vst v63  }
0xa8: {  	_ =	swait.ge [sflag:s4], $0x4000  }
.Ltmp1:
0xa9: {  	[sflag:s4] =	ssyncset.done $0x0;
	(pc) =	sbr.rel @p0 .LBB2_1-.Ltmp1, $4  }
0xaa: {  	[sflag:s4] =	ssyncadd.s32 $0xFFFFC000  }
0xab: {  	[hbm4b:s20+s3] =	stream.linear.scatter [tilespmem:s8], [sflag:$0x2], $0x8000, $0x38;
	[tilespmem:$0xC400] =	vst v63  }
0xac: {  	_ =	swait.ge [sflag:s4], $0x8000  }
0xad: {  	[sflag:s4] =	ssyncset.done $0x0  }
.LBB2_2:
0xae: {  	[sflag:s4] =	ssyncadd.s32 $0xFFFF8000  }
0xaf: {  	_ =	sfence.sel $0x180000  }
0xb0: {  	[bflag:$0x0] =	sbarrier.arrive $0xFFFF  }
0xb1: {  	p0 =	sne.s32 s0, $0x0;
	_ =	strace $0x90000047  }
0xb2: {  	s0 =	sadd.s32 @!p0 $0x100000, s1;
	[bflag:$0x2] =	sbarrier.arrive $0xFFFF  }
0xb3: {  	[sflag:s0] =	ssyncadd.tile.s32 @!p0 $0x1;
	_ =	shalt  }
.Lfunc_end2:
_tile_overlayer_lowered:
.L_overlay_start_2:
0xb4: {  	(tag) =	ssettag $0x2  }
0xb5: {  	s0 =	rddreg [dreg:$0x0];
	s2 =	stileid.u32  }
0xb6: {  	s1 =	rddreg [dreg:$0x1];
	p0 =	sne.s32 s2, $0x0  }
0xb7: {  	s3 =	rddreg [dreg:$0x2];
	[bflag:$0x3] =	sbarrier.arrive $0xFFFF;
	s2 =	simm.s32 @!p0 $0x1C02  }
0xb8: {  	[timem:s3], [sflag:s2] =	dma.local @!p0 [hbm:s0], s1  }
0xb9: {  	s0 =	simm.s32 @!p0 $0x2  }
0xba: {  	_ =	swait.ge @!p0 [sflag:s0], s1  }
0xbb: {  	s1 =	ssub.s32 @!p0 $0x0, s1;
	[sflag:s0] =	ssyncset.done @!p0 $0x0  }
0xbc: {  	[sflag:s0] =	ssyncadd.s32 @!p0 s1  }
0xbd: {  	[bflag:$0x3] =	sbarrier.arrive $0xFFFF  }
0xbe: {  	_ =	shalt  }

</sc_bundles>
